<compile_context>
chip_gen: v7x
topology: tpu7x:2x2x1
jax: 0.10.2.dev20260603
libtpu: 0.0.44.dev20260713+nightly
codegen_flags: <defaults>
</compile_context>

<pallas_src>
import functools

import jax
import jax.numpy as jnp
from jax import lax
from jax.experimental import pallas as pl
from jax.experimental.pallas import tpu as pltpu
from jax.experimental.pallas import tpu_sc as plsc

N = 10000
D = 128
E = 320000

NC = 2
NS = 16
NW = NC * NS
L = 16

N_PAD = 10240
E_PAD = 327680
EPW = E_PAD // NW
CHUNK = 128
N_CHUNKS = EPW // CHUNK
KTOT = 2 * N_CHUNKS
K0 = 148
RPS = N_PAD // NS
ZR = 16


def _mesh():
    return plsc.VectorSubcoreMesh(core_axis_name="c", subcore_axis_name="s")


@functools.partial(
    pl.kernel,
    out_type=jax.ShapeDtypeStruct((NC, N_PAD), jnp.float32),
    mesh=_mesh(),
    scratch_types=[
        pltpu.VMEM((CHUNK,), jnp.int32),
        pltpu.VMEM((CHUNK,), jnp.int32),
        pltpu.VMEM((CHUNK,), jnp.float32),
        pltpu.VMEM((N_PAD // NS,), jnp.float32),
        pltpu.VMEM_SHARED((N_PAD,), jnp.float32),
        pltpu.SemaphoreType.DMA,
        pltpu.SemaphoreType.DMA,
    ],
)
def _deg_kernel(dst_hbm, out_hbm, idx_a, idx_b, ones_v, z_v, acc_sh,
                sem_a, sem_b):
    cid = lax.axis_index("c")
    sid = lax.axis_index("s")
    wid = sid * NC + cid
    base = wid * EPW
    nps = N_PAD // NS

    zero16 = jnp.zeros((L,), jnp.float32)
    one16 = jnp.ones((L,), jnp.float32)

    def zb(i, _):
        z_v[pl.ds(i * L, L)] = zero16
        return 0

    lax.fori_loop(0, nps // L, zb, 0)

    def ob(i, _):
        ones_v[pl.ds(i * L, L)] = one16
        return 0

    lax.fori_loop(0, CHUNK // L, ob, 0)

    pltpu.sync_copy(z_v, acc_sh.at[pl.ds(sid * nps, nps)])
    plsc.subcore_barrier()

    def body(j, _):
        pltpu.sync_copy(dst_hbm.at[pl.ds(base + j * CHUNK, CHUNK)], idx_a)
        pltpu.sync_copy(ones_v, acc_sh.at[idx_a], add=True)
        return 0

    lax.fori_loop(0, EPW // CHUNK, body, 0)
    plsc.subcore_barrier()
    pltpu.sync_copy(acc_sh.at[pl.ds(sid * nps, nps)],
                    out_hbm.at[cid, pl.ds(sid * nps, nps)])


@functools.partial(
    pl.kernel,
    out_type=jax.ShapeDtypeStruct((NC, N_PAD, D), jnp.float32),
    mesh=_mesh(),
    scratch_types=[
        pltpu.VMEM((CHUNK,), jnp.int32),
        pltpu.VMEM((CHUNK,), jnp.int32),
        pltpu.VMEM((CHUNK,), jnp.int32),
        pltpu.VMEM((CHUNK,), jnp.int32),
        pltpu.VMEM((CHUNK, D), jnp.float32),
        pltpu.VMEM((CHUNK, D), jnp.float32),
        pltpu.VMEM((ZR, D), jnp.float32),
        pltpu.VMEM_SHARED((N_PAD, D), jnp.float32),
        pltpu.SemaphoreType.DMA,
        pltpu.SemaphoreType.DMA,
        pltpu.SemaphoreType.DMA,
    ],
)
def _scatter_kernel(g_hbm, src_hbm, dst_hbm, out_hbm,
                    isrc_a, isrc_b, idst_a, idst_b, rows_a, rows_b,
                    zrows_v, acc_sh, sem_a, sem_b, sem_z):
    cid = lax.axis_index("c")
    sid = lax.axis_index("s")
    nch = jnp.where(cid == 0, K0, KTOT - K0)
    base_chunk = jnp.where(cid == 0, sid * K0, NS * K0 + sid * (KTOT - K0))
    base = base_chunk * CHUNK

    @pl.when(nch > 0)
    def _():
        pltpu.sync_copy(src_hbm.at[pl.ds(base, CHUNK)], isrc_a)
        pltpu.sync_copy(dst_hbm.at[pl.ds(base, CHUNK)], idst_a)
        pltpu.async_copy(g_hbm.at[isrc_a], rows_a, sem_a)

    zero16 = jnp.zeros((L,), jnp.float32)

    def zrow_body(i, _):
        r = i // (D // L)
        k = i % (D // L)
        zrows_v[r, pl.ds(k * L, L)] = zero16
        return 0

    lax.fori_loop(0, ZR * (D // L), zrow_body, 0)

    def zacc_body(i, _):
        pltpu.async_copy(zrows_v, acc_sh.at[pl.ds(sid * RPS + i * ZR, ZR)],
                         sem_z)
        return 0

    lax.fori_loop(0, RPS // ZR, zacc_body, 0)

    def zdrain_body(i, _):
        pltpu.make_async_copy(zrows_v, acc_sh.at[pl.ds(sid * RPS, ZR)],
                              sem_z).wait()
        return 0

    lax.fori_loop(0, RPS // ZR, zdrain_body, 0)
    plsc.subcore_barrier()

    def edge_body(i, _):
        j1 = 2 * i + 1
        pltpu.sync_copy(src_hbm.at[pl.ds(base + j1 * CHUNK, CHUNK)], isrc_b)
        pltpu.sync_copy(dst_hbm.at[pl.ds(base + j1 * CHUNK, CHUNK)], idst_b)
        pltpu.async_copy(g_hbm.at[isrc_b], rows_b, sem_b)
        pltpu.make_async_copy(g_hbm.at[isrc_a], rows_a, sem_a).wait()
        pltpu.sync_copy(rows_a, acc_sh.at[idst_a], add=True)

        @pl.when(j1 + 1 < nch)
        def _():
            pltpu.sync_copy(src_hbm.at[pl.ds(base + (j1 + 1) * CHUNK, CHUNK)],
                            isrc_a)
            pltpu.sync_copy(dst_hbm.at[pl.ds(base + (j1 + 1) * CHUNK, CHUNK)],
                            idst_a)
            pltpu.async_copy(g_hbm.at[isrc_a], rows_a, sem_a)

        pltpu.make_async_copy(g_hbm.at[isrc_b], rows_b, sem_b).wait()
        pltpu.sync_copy(rows_b, acc_sh.at[idst_b], add=True)
        return 0

    lax.fori_loop(0, nch // 2, edge_body, 0)
    plsc.subcore_barrier()

    pltpu.sync_copy(acc_sh.at[pl.ds(sid * RPS, RPS)],
                    out_hbm.at[cid, pl.ds(sid * RPS, RPS)])


_ROWS = 1024
_GRID = N_PAD // _ROWS


def _tc_mm_body(x_ref, w_ref, out_ref):
    out_ref[...] = jnp.dot(x_ref[...], w_ref[...],
                           preferred_element_type=jnp.float32)


def _tc_mm(x_pad, w1):
    return pl.pallas_call(
        _tc_mm_body,
        grid=(_GRID,),
        in_specs=[
            pl.BlockSpec((_ROWS, D), lambda i: (i, 0)),
            pl.BlockSpec((D, D), lambda i: (0, 0)),
        ],
        out_specs=pl.BlockSpec((_ROWS, D), lambda i: (i, 0)),
        out_shape=jax.ShapeDtypeStruct((N_PAD, D), jnp.float32),
    )(x_pad, w1)


def _tc_a_body(h_ref, parts_ref, out_ref):
    deg = jnp.sum(parts_ref[...], axis=0) + 1.0
    dis = lax.rsqrt(deg)
    out_ref[...] = h_ref[...] * dis[:, None]


def _tc_a(h, deg_parts):
    return pl.pallas_call(
        _tc_a_body,
        grid=(_GRID,),
        in_specs=[
            pl.BlockSpec((_ROWS, D), lambda i: (i, 0)),
            pl.BlockSpec((NC, _ROWS), lambda i: (0, i)),
        ],
        out_specs=pl.BlockSpec((_ROWS, D), lambda i: (i, 0)),
        out_shape=jax.ShapeDtypeStruct((N_PAD, D), jnp.float32),
    )(h, deg_parts)


def _tc_b_body(s_ref, g_ref, parts_ref, b_ref, w_ref, out_ref):
    deg = jnp.sum(parts_ref[...], axis=0) + 1.0
    dis = lax.rsqrt(deg)
    s = s_ref[0] + s_ref[1] + g_ref[...]
    h1 = s * dis[:, None] + b_ref[...][None, :]
    r = jnp.maximum(h1, 0.0)
    h2 = jnp.dot(r, w_ref[...], preferred_element_type=jnp.float32)
    out_ref[...] = h2 * dis[:, None]


def _tc_b(s1, g1, deg_parts, b1, w2):
    return pl.pallas_call(
        _tc_b_body,
        grid=(_GRID,),
        in_specs=[
            pl.BlockSpec((NC, _ROWS, D), lambda i: (0, i, 0)),
            pl.BlockSpec((_ROWS, D), lambda i: (i, 0)),
            pl.BlockSpec((NC, _ROWS), lambda i: (0, i)),
            pl.BlockSpec((D,), lambda i: (0,)),
            pl.BlockSpec((D, D), lambda i: (0, 0)),
        ],
        out_specs=pl.BlockSpec((_ROWS, D), lambda i: (i, 0)),
        out_shape=jax.ShapeDtypeStruct((N_PAD, D), jnp.float32),
    )(s1, g1, deg_parts, b1, w2)


def _tc_c_body(s_ref, g_ref, parts_ref, b_ref, out_ref):
    deg = jnp.sum(parts_ref[...], axis=0) + 1.0
    dis = lax.rsqrt(deg)
    s = s_ref[0] + s_ref[1] + g_ref[...]
    out_ref[...] = s * dis[:, None] + b_ref[...][None, :]


def _tc_c(s2, g2, deg_parts, b2):
    return pl.pallas_call(
        _tc_c_body,
        grid=(_GRID,),
        in_specs=[
            pl.BlockSpec((NC, _ROWS, D), lambda i: (0, i, 0)),
            pl.BlockSpec((_ROWS, D), lambda i: (i, 0)),
            pl.BlockSpec((NC, _ROWS), lambda i: (0, i)),
            pl.BlockSpec((D,), lambda i: (0,)),
        ],
        out_specs=pl.BlockSpec((_ROWS, D), lambda i: (i, 0)),
        out_shape=jax.ShapeDtypeStruct((N_PAD, D), jnp.float32),
    )(s2, g2, deg_parts, b2)


@jax.jit
def _run(x, edge_index, W1, b1, W2, b2):
    src = edge_index[0].astype(jnp.int32)
    dst = edge_index[1].astype(jnp.int32)
    padi = jnp.full((E_PAD - E,), N, jnp.int32)
    src_pad = jnp.concatenate([src, padi])
    dst_pad = jnp.concatenate([dst, padi])
    x_pad = jnp.zeros((N_PAD, D), jnp.float32).at[:N].set(x)

    deg_parts = _deg_kernel(dst_pad)
    h1 = _tc_mm(x_pad, W1)
    g1 = _tc_a(h1, deg_parts)
    s1 = _scatter_kernel(g1, src_pad, dst_pad)
    g2 = _tc_b(s1, g1, deg_parts, b1, W2)
    s2 = _scatter_kernel(g2, src_pad, dst_pad)
    out = _tc_c(s2, g2, deg_parts, b2)
    return out[:N]


def kernel(x, edge_index, W1, b1, W2, b2):
    return _run(x, edge_index, W1, b1, W2, b2)

# --- scband reference (transcript-rebuilt; emitter-appended) ---
"""Pipeline reference for scband-dynamic-gcn-3453153706624 (READ-ONLY COPY).

The authoritative reference and input builder live on the scoring server;
editing this copy changes nothing except your own understanding.
"""

import jax, jax.numpy as jnp
import numpy as np

N_NODES = 10000
N_EDGES = 320000
D = 128


def gcn_conv(x, edge_index, W, b):
    num_nodes = x.shape[0]
    src = edge_index[0]
    dst = edge_index[1]
    # add self loops (PyG GCNConv default add_self_loops=True)
    loop = jnp.arange(num_nodes, dtype=edge_index.dtype)
    src = jnp.concatenate([src, loop])
    dst = jnp.concatenate([dst, loop])
    ew = jnp.ones(src.shape[0], dtype=x.dtype)
    # symmetric normalization D^{-1/2} (A+I) D^{-1/2}
    deg = jnp.zeros((num_nodes,), dtype=x.dtype).at[dst].add(ew)
    deg_inv_sqrt = jnp.where(deg > 0, jax.lax.rsqrt(jnp.maximum(deg, 1e-12)), 0.0)
    norm = deg_inv_sqrt[src] * deg_inv_sqrt[dst] * ew
    # linear transform then propagate (gather -> scale -> scatter-add)
    h = x @ W
    msg = h[src] * norm[:, None]
    out = jnp.zeros((num_nodes, W.shape[1]), dtype=h.dtype).at[dst].add(msg)
    return out + b


def setup_inputs(seed: int = 0) -> dict:
    key = jax.random.key(seed)
    k1, k2, k3, k4, k5 = jax.random.split(key, 5)
    x = jax.random.normal(k1, (N_NODES, D), dtype=jnp.float32)
    edge_index = jax.random.randint(k2, (2, N_EDGES), 0, N_NODES, dtype=jnp.int64)
    s = 1.0 / np.sqrt(D)
    W1 = jax.random.uniform(k3, (D, D), dtype=jnp.float32, minval=-s, maxval=s)
    b1 = jnp.zeros((D,), dtype=jnp.float32)
    W2 = jax.random.uniform(k4, (D, D), dtype=jnp.float32, minval=-s, maxval=s)
    b2 = jnp.zeros((D,), dtype=jnp.float32)
    return {"x": x, "edge_index": edge_index, "W1": W1, "b1": b1, "W2": W2, "b2": b2}


def reference(x, edge_index, W1, b1, W2, b2):
    # DynamicGCN forward: in_dim matches, so self.match is skipped.
    h = gcn_conv(x, edge_index, W1, b1)
    h = jax.nn.relu(h)  # relu between layers (i < num_layers - 1)
    out = gcn_conv(h, edge_index, W2, b2)
    return out

if __name__ == "__main__":
    import jax
    _d = setup_inputs()
    print(jax.jit(kernel)(*tuple(_d.values())))

</pallas_src>

<mosaic_0001>
#map = affine_map<(d0, d1) -> (0, 0)>
#map1 = affine_map<(d0, d1) -> (0)>
#map2 = affine_map<(d0, d1) -> (0, 0, 0)>
module attributes {stable_mosaic.version = 14 : i64} {
  func.func @_scatter_kernel(%arg0: i32, %arg1: i32, %arg2: memref<10240x128xf32, #tpu.memory_space<hbm>>, %arg3: memref<327680xi32, #tpu.memory_space<hbm>>, %arg4: memref<327680xi32, #tpu.memory_space<hbm>>, %arg5: memref<2x10240x128xf32, #tpu.memory_space<hbm>>, %arg6: memref<128xi32, #tpu.memory_space<vmem>>, %arg7: memref<128xi32, #tpu.memory_space<vmem>>, %arg8: memref<128xi32, #tpu.memory_space<vmem>>, %arg9: memref<128xi32, #tpu.memory_space<vmem>>, %arg10: memref<128x128xf32, #tpu.memory_space<vmem>>, %arg11: memref<128x128xf32, #tpu.memory_space<vmem>>, %arg12: memref<16x128xf32, #tpu.memory_space<vmem>>, %arg13: memref<10240x128xf32, #tpu.memory_space<vmem_shared>>, %arg14: memref<!tpu.dma_semaphore, #tpu.memory_space<semaphore_mem>>, %arg15: memref<!tpu.dma_semaphore, #tpu.memory_space<semaphore_mem>>, %arg16: memref<!tpu.dma_semaphore, #tpu.memory_space<semaphore_mem>>) attributes {dimension_semantics = [#tpu.dimension_semantics<core_parallel>, #tpu.dimension_semantics<subcore_parallel>], iteration_bounds = array<i64: 2, 16>, scalar_prefetch = 0 : i64, scratch_operands = 11 : i64, tpu.core_type = #tpu.core_type<sc_vector_subcore>, window_params = [{transform_indices = #map}, {transform_indices = #map1}, {transform_indices = #map1}, {transform_indices = #map2}]} {
    %eq3A = arith.constant 0 : i32
    %eq3A_0 = arith.cmpi eq, %arg0, %eq3A : i32
    %jit3A = arith.constant 148 : i32
    %jit3A_1 = arith.constant 12 : i32
    %select_n3A = arith.select %eq3A_0, %jit3A, %jit3A_1 : i32
    %eq3A_2 = arith.constant 0 : i32
    %eq3A_3 = arith.cmpi eq, %arg0, %eq3A_2 : i32
    %mul3A = arith.constant 148 : i32
    %mul3A_4 = arith.muli %arg1, %mul3A : i32
    %mul3A_5 = arith.constant 12 : i32
    %mul3A_6 = arith.muli %arg1, %mul3A_5 : i32
    %add3A = arith.constant 2368 : i32
    %add3A_7 = arith.addi %add3A, %mul3A_6 : i32
    %select_n3A_8 = arith.select %eq3A_3, %mul3A_4, %add3A_7 : i32
    %mul3A_9 = arith.constant 128 : i32
    %mul3A_10 = arith.muli %select_n3A_8, %mul3A_9 : i32
    %gt3A = arith.constant 0 : i32
    %gt3A_11 = arith.cmpi sgt, %select_n3A, %gt3A : i32
    %convert_element_type3A = arith.extui %gt3A_11 : i1 to i32
    %cond3A = arith.constant 0 : i32
    %cond3A_12 = arith.cmpi ne, %convert_element_type3A, %cond3A : i32
    scf.if %cond3A_12 {
      "tpu.region"() ({
        %run_scoped3A = tpu.sem_alloc : memref<!tpu.dma_semaphore, #tpu.memory_space<semaphore_mem>>
        %dma_start3A_70 = tpu.memref_slice %arg3[%mul3A_10] : memref<327680xi32, #tpu.memory_space<hbm>> -> memref<128xi32, #tpu.memory_space<hbm>>
        %dma_start3A_71 = tpu.memref_slice %arg3[%mul3A_10] : memref<327680xi32, #tpu.memory_space<hbm>> -> memref<128xi32, #tpu.memory_space<hbm>>
        tpu.enqueue_dma source(%dma_start3A_71 : memref<128xi32, #tpu.memory_space<hbm>>) target(%arg6 : memref<128xi32, #tpu.memory_space<vmem>>) target_semaphore(%run_scoped3A : memref<!tpu.dma_semaphore, #tpu.memory_space<semaphore_mem>>)
        %dma_wait3A = tpu.memref_slice %arg3[%mul3A_10] : memref<327680xi32, #tpu.memory_space<hbm>> -> memref<128xi32, #tpu.memory_space<hbm>>
        %dma_wait3A_72 = tpu.memref_slice %arg3[%mul3A_10] : memref<327680xi32, #tpu.memory_space<hbm>> -> memref<128xi32, #tpu.memory_space<hbm>>
        tpu.wait_dma2 semaphore(%run_scoped3A : memref<!tpu.dma_semaphore, #tpu.memory_space<semaphore_mem>>) src(%dma_wait3A_72 : memref<128xi32, #tpu.memory_space<hbm>>) dst(%arg6 : memref<128xi32, #tpu.memory_space<vmem>>)
        tpu.yield
      }) : () -> ()
      "tpu.region"() ({
        %run_scoped3A = tpu.sem_alloc : memref<!tpu.dma_semaphore, #tpu.memory_space<semaphore_mem>>
        %dma_start3A_70 = tpu.memref_slice %arg4[%mul3A_10] : memref<327680xi32, #tpu.memory_space<hbm>> -> memref<128xi32, #tpu.memory_space<hbm>>
        %dma_start3A_71 = tpu.memref_slice %arg4[%mul3A_10] : memref<327680xi32, #tpu.memory_space<hbm>> -> memref<128xi32, #tpu.memory_space<hbm>>
        tpu.enqueue_dma source(%dma_start3A_71 : memref<128xi32, #tpu.memory_space<hbm>>) target(%arg8 : memref<128xi32, #tpu.memory_space<vmem>>) target_semaphore(%run_scoped3A : memref<!tpu.dma_semaphore, #tpu.memory_space<semaphore_mem>>)
        %dma_wait3A = tpu.memref_slice %arg4[%mul3A_10] : memref<327680xi32, #tpu.memory_space<hbm>> -> memref<128xi32, #tpu.memory_space<hbm>>
        %dma_wait3A_72 = tpu.memref_slice %arg4[%mul3A_10] : memref<327680xi32, #tpu.memory_space<hbm>> -> memref<128xi32, #tpu.memory_space<hbm>>
        tpu.wait_dma2 semaphore(%run_scoped3A : memref<!tpu.dma_semaphore, #tpu.memory_space<semaphore_mem>>) src(%dma_wait3A_72 : memref<128xi32, #tpu.memory_space<hbm>>) dst(%arg8 : memref<128xi32, #tpu.memory_space<vmem>>)
        tpu.yield
      }) : () -> ()
      %dma_start3A = arith.constant 0 : i32
      %dma_start3A_68 = arith.constant 0 : i32
      %dma_start3A_69 = tpu.memref_slice %arg2[%dma_start3A, %dma_start3A_68] : memref<10240x128xf32, #tpu.memory_space<hbm>> -> memref<10240x128xf32, #tpu.memory_space<hbm>>
      tpu.enqueue_indirect_dma source(%dma_start3A_69 : memref<10240x128xf32, #tpu.memory_space<hbm>>) target(%arg10 : memref<128x128xf32, #tpu.memory_space<vmem>>) offsets(%arg6 : memref<128xi32, #tpu.memory_space<vmem>>) semaphore(%arg14 : memref<!tpu.dma_semaphore, #tpu.memory_space<semaphore_mem>>)
    } else {
    }
    %broadcast_in_dim3A = arith.constant 0.000000e+00 : f32
    %broadcast_in_dim3A_13 = vector.broadcast %broadcast_in_dim3A : f32 to vector<16xf32>
    %scan3A = arith.constant 0 : i32
    %scan3A_14 = arith.constant 0 : i32
    %scan3A_15 = arith.constant 128 : i32
    %scan3A_16 = arith.addi %scan3A_14, %scan3A_15 : i32
    %scan3A_17 = arith.constant 1 : i32
    %scan3A_18 = scf.for %scan3A_68 = %scan3A_14 to %scan3A_16 step %scan3A_17 iter_args(%scan3A_69 = %scan3A) -> (i32)  : i32 {
      %jit3A_70 = arith.constant 8 : i32
      %div3A_71 = arith.divsi %scan3A_68, %jit3A_70 : i32
      %sign3A_72 = arith.constant 0 : i32
      %sign3A_73 = arith.cmpi sgt, %scan3A_68, %sign3A_72 : i32
      %sign3A_74 = arith.extui %sign3A_73 : i1 to i32
      %sign3A_75 = arith.constant 0 : i32
      %sign3A_76 = arith.cmpi slt, %scan3A_68, %sign3A_75 : i32
      %sign3A_77 = arith.extui %sign3A_76 : i1 to i32
      %sign3A_78 = arith.subi %sign3A_74, %sign3A_77 : i32
      %sign3A_79 = arith.constant 0 : i32
      %sign3A_80 = arith.cmpi sgt, %jit3A_70, %sign3A_79 : i32
      %sign3A_81 = arith.extui %sign3A_80 : i1 to i32
      %sign3A_82 = arith.constant 0 : i32
      %sign3A_83 = arith.cmpi slt, %jit3A_70, %sign3A_82 : i32
      %sign3A_84 = arith.extui %sign3A_83 : i1 to i32
      %sign3A_85 = arith.subi %sign3A_81, %sign3A_84 : i32
      %ne3A_86 = arith.cmpi ne, %sign3A_78, %sign3A_85 : i32
      %rem3A_87 = arith.remsi %scan3A_68, %jit3A_70 : i32
      %ne3A_88 = arith.constant 0 : i32
      %ne3A_89 = arith.cmpi ne, %rem3A_87, %ne3A_88 : i32
      %and3A_90 = arith.andi %ne3A_86, %ne3A_89 : i1
      %sub3A_91 = arith.constant 1 : i32
      %sub3A_92 = arith.subi %div3A_71, %sub3A_91 : i32
      %select_n3A_93 = arith.select %and3A_90, %sub3A_92, %div3A_71 : i32
      %jit3A_94 = arith.constant 8 : i32
      %eq3A_95 = arith.constant 0 : i32
      %eq3A_96 = arith.cmpi eq, %jit3A_94, %eq3A_95 : i32
      %jit3A_97 = arith.constant 1 : i32
      %select_n3A_98 = arith.select %eq3A_96, %jit3A_97, %jit3A_94 : i32
      %rem3A_99 = arith.remsi %scan3A_68, %select_n3A_98 : i32
      %ne3A_100 = arith.constant 0 : i32
      %ne3A_101 = arith.cmpi ne, %rem3A_99, %ne3A_100 : i32
      %lt3A = arith.constant 0 : i32
      %lt3A_102 = arith.cmpi slt, %rem3A_99, %lt3A : i32
      %lt3A_103 = arith.constant 0 : i32
      %lt3A_104 = arith.cmpi slt, %select_n3A_98, %lt3A_103 : i32
      %ne3A_105 = arith.xori %lt3A_102, %lt3A_104 : i1
      %and3A_106 = arith.andi %ne3A_105, %ne3A_101 : i1
      %add3A_107 = arith.addi %rem3A_99, %select_n3A_98 : i32
      %select_n3A_108 = arith.select %and3A_106, %add3A_107, %rem3A_99 : i32
      %mul3A_109 = arith.constant 16 : i32
      %mul3A_110 = arith.muli %select_n3A_108, %mul3A_109 : i32
      %swap3A = arith.index_cast %select_n3A_93 : i32 to index
      %swap3A_111 = arith.index_cast %mul3A_110 : i32 to index
      %swap3A_112 = tpu.vector_load %arg12[%swap3A, %swap3A_111] {strides = array<i32>} : memref<16x128xf32, #tpu.memory_space<vmem>>, vector<1x16xf32>,
      %swap3A_113 = vector.shape_cast %swap3A_112 : vector<1x16xf32> to vector<16xf32>
      %swap3A_114 = vector.shape_cast %broadcast_in_dim3A_13 : vector<16xf32> to vector<1x16xf32>
      tpu.vector_store %arg12[%swap3A, %swap3A_111], %swap3A_114 {strides = array<i32>} : memref<16x128xf32, #tpu.memory_space<vmem>>, vector<1x16xf32>,
      %scan3A_115 = arith.constant 0 : i32
      scf.yield %scan3A_115 : i32
    }
    %scan3A_19 = arith.constant 128 : i32
    %scan3A_20 = arith.constant 0 : i32
    %scan3A_21 = arith.constant 0 : i32
    %scan3A_22 = arith.constant 40 : i32
    %scan3A_23 = arith.addi %scan3A_21, %scan3A_22 : i32
    %scan3A_24 = arith.constant 1 : i32
    %scan3A_25 = scf.for %scan3A_68 = %scan3A_21 to %scan3A_23 step %scan3A_24 iter_args(%scan3A_69 = %scan3A_20) -> (i32)  : i32 {
      %mul3A_70 = arith.constant 640 : i32
      %mul3A_71 = arith.muli %arg1, %mul3A_70 : i32
      %mul3A_72 = arith.constant 16 : i32
      %mul3A_73 = arith.muli %scan3A_68, %mul3A_72 : i32
      %add3A_74 = arith.addi %mul3A_71, %mul3A_73 : i32
      %dma_start3A = arith.constant 0 : i32
      %dma_start3A_75 = tpu.memref_slice %arg13[%add3A_74, %dma_start3A] : memref<10240x128xf32, #tpu.memory_space<vmem_shared>> -> memref<16x128xf32, #tpu.memory_space<vmem_shared>>
      %dma_start3A_76 = arith.constant 0 : i32
      %dma_start3A_77 = tpu.memref_slice %arg13[%add3A_74, %dma_start3A_76] : memref<10240x128xf32, #tpu.memory_space<vmem_shared>> -> memref<16x128xf32, #tpu.memory_space<vmem_shared>>
      tpu.enqueue_dma source(%arg12 : memref<16x128xf32, #tpu.memory_space<vmem>>) target(%dma_start3A_77 : memref<16x128xf32, #tpu.memory_space<vmem_shared>>) target_semaphore(%arg16 : memref<!tpu.dma_semaphore, #tpu.memory_space<semaphore_mem>>)
      %scan3A_78 = arith.constant 0 : i32
      scf.yield %scan3A_78 : i32
    }
    %scan3A_26 = arith.constant 40 : i32
    %scan3A_27 = arith.constant 0 : i32
    %scan3A_28 = arith.constant 0 : i32
    %scan3A_29 = arith.constant 40 : i32
    %scan3A_30 = arith.addi %scan3A_28, %scan3A_29 : i32
    %scan3A_31 = arith.constant 1 : i32
    %scan3A_32 = scf.for %scan3A_68 = %scan3A_28 to %scan3A_30 step %scan3A_31 iter_args(%scan3A_69 = %scan3A_27) -> (i32)  : i32 {
      %mul3A_70 = arith.constant 640 : i32
      %mul3A_71 = arith.muli %arg1, %mul3A_70 : i32
      %dma_wait3A = arith.constant 0 : i32
      %dma_wait3A_72 = tpu.memref_slice %arg13[%mul3A_71, %dma_wait3A] : memref<10240x128xf32, #tpu.memory_space<vmem_shared>> -> memref<16x128xf32, #tpu.memory_space<vmem_shared>>
      %dma_wait3A_73 = arith.constant 0 : i32
      %dma_wait3A_74 = tpu.memref_slice %arg13[%mul3A_71, %dma_wait3A_73] : memref<10240x128xf32, #tpu.memory_space<vmem_shared>> -> memref<16x128xf32, #tpu.memory_space<vmem_shared>>
      tpu.wait_dma2 semaphore(%arg16 : memref<!tpu.dma_semaphore, #tpu.memory_space<semaphore_mem>>) src(%arg12 : memref<16x128xf32, #tpu.memory_space<vmem>>) dst(%dma_wait3A_74 : memref<16x128xf32, #tpu.memory_space<vmem_shared>>)
      %scan3A_75 = arith.constant 0 : i32
      scf.yield %scan3A_75 : i32
    }
    %scan3A_33 = arith.constant 40 : i32
    %barrier3A = arith.constant 0 : index
    tpu.barrier barrier_id(%barrier3A)
    %jit3A_34 = arith.constant 2 : i32
    %div3A = arith.divsi %select_n3A, %jit3A_34 : i32
    %sign3A = arith.constant 0 : i32
    %sign3A_35 = arith.cmpi sgt, %select_n3A, %sign3A : i32
    %sign3A_36 = arith.extui %sign3A_35 : i1 to i32
    %sign3A_37 = arith.constant 0 : i32
    %sign3A_38 = arith.cmpi slt, %select_n3A, %sign3A_37 : i32
    %sign3A_39 = arith.extui %sign3A_38 : i1 to i32
    %sign3A_40 = arith.subi %sign3A_36, %sign3A_39 : i32
    %sign3A_41 = arith.constant 0 : i32
    %sign3A_42 = arith.cmpi sgt, %jit3A_34, %sign3A_41 : i32
    %sign3A_43 = arith.extui %sign3A_42 : i1 to i32
    %sign3A_44 = arith.constant 0 : i32
    %sign3A_45 = arith.cmpi slt, %jit3A_34, %sign3A_44 : i32
    %sign3A_46 = arith.extui %sign3A_45 : i1 to i32
    %sign3A_47 = arith.subi %sign3A_43, %sign3A_46 : i32
    %ne3A = arith.cmpi ne, %sign3A_40, %sign3A_47 : i32
    %rem3A = arith.remsi %select_n3A, %jit3A_34 : i32
    %ne3A_48 = arith.constant 0 : i32
    %ne3A_49 = arith.cmpi ne, %rem3A, %ne3A_48 : i32
    %and3A = arith.andi %ne3A, %ne3A_49 : i1
    %sub3A = arith.constant 1 : i32
    %sub3A_50 = arith.subi %div3A, %sub3A : i32
    %select_n3A_51 = arith.select %and3A, %sub3A_50, %div3A : i32
    %while3A = arith.constant 0 : i32
    %while3A_52 = arith.constant 0 : i32
    %while3A_53 = arith.subi %select_n3A_51, %while3A : i32
    %while3A_54 = arith.addi %while3A, %while3A_53 : i32
    %while3A_55 = arith.constant 1 : i32
    %while3A_56 = arith.divsi %while3A_53, %while3A_55 : i32
    %while3A_57 = arith.muli %while3A_56, %while3A_55 : i32
    %while3A_58 = arith.addi %while3A, %while3A_57 : i32
    %while3A_59 = arith.constant 1 : i32
    %while3A_60 = scf.for %while3A_68 = %while3A to %while3A_58 step %while3A_59 iter_args(%while3A_69 = %while3A_52) -> (i32)  : i32 {
      %mul3A_70 = arith.constant 2 : i32
      %mul3A_71 = arith.muli %mul3A_70, %while3A_68 : i32
      %add3A_72 = arith.constant 1 : i32
      %add3A_73 = arith.addi %mul3A_71, %add3A_72 : i32
      %mul3A_74 = arith.constant 128 : i32
      %mul3A_75 = arith.muli %add3A_73, %mul3A_74 : i32
      %add3A_76 = arith.addi %mul3A_10, %mul3A_75 : i32
      "tpu.region"() ({
        %run_scoped3A = tpu.sem_alloc : memref<!tpu.dma_semaphore, #tpu.memory_space<semaphore_mem>>
        %dma_start3A_93 = tpu.memref_slice %arg3[%add3A_76] : memref<327680xi32, #tpu.memory_space<hbm>> -> memref<128xi32, #tpu.memory_space<hbm>>
        %dma_start3A_94 = tpu.memref_slice %arg3[%add3A_76] : memref<327680xi32, #tpu.memory_space<hbm>> -> memref<128xi32, #tpu.memory_space<hbm>>
        tpu.enqueue_dma source(%dma_start3A_94 : memref<128xi32, #tpu.memory_space<hbm>>) target(%arg7 : memref<128xi32, #tpu.memory_space<vmem>>) target_semaphore(%run_scoped3A : memref<!tpu.dma_semaphore, #tpu.memory_space<semaphore_mem>>)
        %dma_wait3A_95 = tpu.memref_slice %arg3[%add3A_76] : memref<327680xi32, #tpu.memory_space<hbm>> -> memref<128xi32, #tpu.memory_space<hbm>>
        %dma_wait3A_96 = tpu.memref_slice %arg3[%add3A_76] : memref<327680xi32, #tpu.memory_space<hbm>> -> memref<128xi32, #tpu.memory_space<hbm>>
        tpu.wait_dma2 semaphore(%run_scoped3A : memref<!tpu.dma_semaphore, #tpu.memory_space<semaphore_mem>>) src(%dma_wait3A_96 : memref<128xi32, #tpu.memory_space<hbm>>) dst(%arg7 : memref<128xi32, #tpu.memory_space<vmem>>)
        tpu.yield
      }) : () -> ()
      %mul3A_77 = arith.constant 128 : i32
      %mul3A_78 = arith.muli %add3A_73, %mul3A_77 : i32
      %add3A_79 = arith.addi %mul3A_10, %mul3A_78 : i32
      "tpu.region"() ({
        %run_scoped3A = tpu.sem_alloc : memref<!tpu.dma_semaphore, #tpu.memory_space<semaphore_mem>>
        %dma_start3A_93 = tpu.memref_slice %arg4[%add3A_79] : memref<327680xi32, #tpu.memory_space<hbm>> -> memref<128xi32, #tpu.memory_space<hbm>>
        %dma_start3A_94 = tpu.memref_slice %arg4[%add3A_79] : memref<327680xi32, #tpu.memory_space<hbm>> -> memref<128xi32, #tpu.memory_space<hbm>>
        tpu.enqueue_dma source(%dma_start3A_94 : memref<128xi32, #tpu.memory_space<hbm>>) target(%arg9 : memref<128xi32, #tpu.memory_space<vmem>>) target_semaphore(%run_scoped3A : memref<!tpu.dma_semaphore, #tpu.memory_space<semaphore_mem>>)
        %dma_wait3A_95 = tpu.memref_slice %arg4[%add3A_79] : memref<327680xi32, #tpu.memory_space<hbm>> -> memref<128xi32, #tpu.memory_space<hbm>>
        %dma_wait3A_96 = tpu.memref_slice %arg4[%add3A_79] : memref<327680xi32, #tpu.memory_space<hbm>> -> memref<128xi32, #tpu.memory_space<hbm>>
        tpu.wait_dma2 semaphore(%run_scoped3A : memref<!tpu.dma_semaphore, #tpu.memory_space<semaphore_mem>>) src(%dma_wait3A_96 : memref<128xi32, #tpu.memory_space<hbm>>) dst(%arg9 : memref<128xi32, #tpu.memory_space<vmem>>)
        tpu.yield
      }) : () -> ()
      %dma_start3A = arith.constant 0 : i32
      %dma_start3A_80 = arith.constant 0 : i32
      %dma_start3A_81 = tpu.memref_slice %arg2[%dma_start3A, %dma_start3A_80] : memref<10240x128xf32, #tpu.memory_space<hbm>> -> memref<10240x128xf32, #tpu.memory_space<hbm>>
      tpu.enqueue_indirect_dma source(%dma_start3A_81 : memref<10240x128xf32, #tpu.memory_space<hbm>>) target(%arg11 : memref<128x128xf32, #tpu.memory_space<vmem>>) offsets(%arg7 : memref<128xi32, #tpu.memory_space<vmem>>) semaphore(%arg15 : memref<!tpu.dma_semaphore, #tpu.memory_space<semaphore_mem>>)
      %dma_wait3A = arith.constant 0 : i32
      %dma_wait3A_82 = arith.constant 0 : i32
      %dma_wait3A_83 = tpu.memref_slice %arg2[%dma_wait3A, %dma_wait3A_82] : memref<10240x128xf32, #tpu.memory_space<hbm>> -> memref<10240x128xf32, #tpu.memory_space<hbm>>
      tpu.wait_indirect_dma semaphore(%arg14 : memref<!tpu.dma_semaphore, #tpu.memory_space<semaphore_mem>>) src(%dma_wait3A_83 : memref<10240x128xf32, #tpu.memory_space<hbm>>) dst(%arg10 : memref<128x128xf32, #tpu.memory_space<vmem>>)
      "tpu.region"() ({
        %run_scoped3A = tpu.sem_alloc : memref<!tpu.dma_semaphore, #tpu.memory_space<semaphore_mem>>
        %dma_start3A_93 = arith.constant 0 : i32
        %dma_start3A_94 = arith.constant 0 : i32
        %dma_start3A_95 = tpu.memref_slice %arg13[%dma_start3A_93, %dma_start3A_94] : memref<10240x128xf32, #tpu.memory_space<vmem_shared>> -> memref<10240x128xf32, #tpu.memory_space<vmem_shared>>
        tpu.enqueue_indirect_dma source(%arg10 : memref<128x128xf32, #tpu.memory_space<vmem>>) target(%dma_start3A_95 : memref<10240x128xf32, #tpu.memory_space<vmem_shared>>) offsets(%arg8 : memref<128xi32, #tpu.memory_space<vmem>>) semaphore(%run_scoped3A : memref<!tpu.dma_semaphore, #tpu.memory_space<semaphore_mem>>) {add = true}
        %dma_wait3A_96 = arith.constant 0 : i32
        %dma_wait3A_97 = arith.constant 0 : i32
        %dma_wait3A_98 = tpu.memref_slice %arg13[%dma_wait3A_96, %dma_wait3A_97] : memref<10240x128xf32, #tpu.memory_space<vmem_shared>> -> memref<10240x128xf32, #tpu.memory_space<vmem_shared>>
        tpu.wait_indirect_dma semaphore(%run_scoped3A : memref<!tpu.dma_semaphore, #tpu.memory_space<semaphore_mem>>) src(%arg10 : memref<128x128xf32, #tpu.memory_space<vmem>>) dst(%dma_wait3A_98 : memref<10240x128xf32, #tpu.memory_space<vmem_shared>>)
        tpu.yield
      }) : () -> ()
      %add3A_84 = arith.constant 1 : i32
      %add3A_85 = arith.addi %add3A_73, %add3A_84 : i32
      %lt3A = arith.cmpi slt, %add3A_85, %select_n3A : i32
      %convert_element_type3A_86 = arith.extui %lt3A : i1 to i32
      %cond3A_87 = arith.constant 0 : i32
      %cond3A_88 = arith.cmpi ne, %convert_element_type3A_86, %cond3A_87 : i32
      scf.if %cond3A_88 {
        %add3A_93 = arith.constant 1 : i32
        %add3A_94 = arith.addi %add3A_73, %add3A_93 : i32
        %mul3A_95 = arith.constant 128 : i32
        %mul3A_96 = arith.muli %add3A_94, %mul3A_95 : i32
        %add3A_97 = arith.addi %mul3A_10, %mul3A_96 : i32
        "tpu.region"() ({
          %run_scoped3A = tpu.sem_alloc : memref<!tpu.dma_semaphore, #tpu.memory_space<semaphore_mem>>
          %dma_start3A_106 = tpu.memref_slice %arg3[%add3A_97] : memref<327680xi32, #tpu.memory_space<hbm>> -> memref<128xi32, #tpu.memory_space<hbm>>
          %dma_start3A_107 = tpu.memref_slice %arg3[%add3A_97] : memref<327680xi32, #tpu.memory_space<hbm>> -> memref<128xi32, #tpu.memory_space<hbm>>
          tpu.enqueue_dma source(%dma_start3A_107 : memref<128xi32, #tpu.memory_space<hbm>>) target(%arg6 : memref<128xi32, #tpu.memory_space<vmem>>) target_semaphore(%run_scoped3A : memref<!tpu.dma_semaphore, #tpu.memory_space<semaphore_mem>>)
          %dma_wait3A_108 = tpu.memref_slice %arg3[%add3A_97] : memref<327680xi32, #tpu.memory_space<hbm>> -> memref<128xi32, #tpu.memory_space<hbm>>
          %dma_wait3A_109 = tpu.memref_slice %arg3[%add3A_97] : memref<327680xi32, #tpu.memory_space<hbm>> -> memref<128xi32, #tpu.memory_space<hbm>>
          tpu.wait_dma2 semaphore(%run_scoped3A : memref<!tpu.dma_semaphore, #tpu.memory_space<semaphore_mem>>) src(%dma_wait3A_109 : memref<128xi32, #tpu.memory_space<hbm>>) dst(%arg6 : memref<128xi32, #tpu.memory_space<vmem>>)
          tpu.yield
        }) : () -> ()
        %add3A_98 = arith.constant 1 : i32
        %add3A_99 = arith.addi %add3A_73, %add3A_98 : i32
        %mul3A_100 = arith.constant 128 : i32
        %mul3A_101 = arith.muli %add3A_99, %mul3A_100 : i32
        %add3A_102 = arith.addi %mul3A_10, %mul3A_101 : i32
        "tpu.region"() ({
          %run_scoped3A = tpu.sem_alloc : memref<!tpu.dma_semaphore, #tpu.memory_space<semaphore_mem>>
          %dma_start3A_106 = tpu.memref_slice %arg4[%add3A_102] : memref<327680xi32, #tpu.memory_space<hbm>> -> memref<128xi32, #tpu.memory_space<hbm>>
          %dma_start3A_107 = tpu.memref_slice %arg4[%add3A_102] : memref<327680xi32, #tpu.memory_space<hbm>> -> memref<128xi32, #tpu.memory_space<hbm>>
          tpu.enqueue_dma source(%dma_start3A_107 : memref<128xi32, #tpu.memory_space<hbm>>) target(%arg8 : memref<128xi32, #tpu.memory_space<vmem>>) target_semaphore(%run_scoped3A : memref<!tpu.dma_semaphore, #tpu.memory_space<semaphore_mem>>)
          %dma_wait3A_108 = tpu.memref_slice %arg4[%add3A_102] : memref<327680xi32, #tpu.memory_space<hbm>> -> memref<128xi32, #tpu.memory_space<hbm>>
          %dma_wait3A_109 = tpu.memref_slice %arg4[%add3A_102] : memref<327680xi32, #tpu.memory_space<hbm>> -> memref<128xi32, #tpu.memory_space<hbm>>
          tpu.wait_dma2 semaphore(%run_scoped3A : memref<!tpu.dma_semaphore, #tpu.memory_space<semaphore_mem>>) src(%dma_wait3A_109 : memref<128xi32, #tpu.memory_space<hbm>>) dst(%arg8 : memref<128xi32, #tpu.memory_space<vmem>>)
          tpu.yield
        }) : () -> ()
        %dma_start3A_103 = arith.constant 0 : i32
        %dma_start3A_104 = arith.constant 0 : i32
        %dma_start3A_105 = tpu.memref_slice %arg2[%dma_start3A_103, %dma_start3A_104] : memref<10240x128xf32, #tpu.memory_space<hbm>> -> memref<10240x128xf32, #tpu.memory_space<hbm>>
        tpu.enqueue_indirect_dma source(%dma_start3A_105 : memref<10240x128xf32, #tpu.memory_space<hbm>>) target(%arg10 : memref<128x128xf32, #tpu.memory_space<vmem>>) offsets(%arg6 : memref<128xi32, #tpu.memory_space<vmem>>) semaphore(%arg14 : memref<!tpu.dma_semaphore, #tpu.memory_space<semaphore_mem>>)
      } else {
      }
      %dma_wait3A_89 = arith.constant 0 : i32
      %dma_wait3A_90 = arith.constant 0 : i32
      %dma_wait3A_91 = tpu.memref_slice %arg2[%dma_wait3A_89, %dma_wait3A_90] : memref<10240x128xf32, #tpu.memory_space<hbm>> -> memref<10240x128xf32, #tpu.memory_space<hbm>>
      tpu.wait_indirect_dma semaphore(%arg15 : memref<!tpu.dma_semaphore, #tpu.memory_space<semaphore_mem>>) src(%dma_wait3A_91 : memref<10240x128xf32, #tpu.memory_space<hbm>>) dst(%arg11 : memref<128x128xf32, #tpu.memory_space<vmem>>)
      "tpu.region"() ({
        %run_scoped3A = tpu.sem_alloc : memref<!tpu.dma_semaphore, #tpu.memory_space<semaphore_mem>>
        %dma_start3A_93 = arith.constant 0 : i32
        %dma_start3A_94 = arith.constant 0 : i32
        %dma_start3A_95 = tpu.memref_slice %arg13[%dma_start3A_93, %dma_start3A_94] : memref<10240x128xf32, #tpu.memory_space<vmem_shared>> -> memref<10240x128xf32, #tpu.memory_space<vmem_shared>>
        tpu.enqueue_indirect_dma source(%arg11 : memref<128x128xf32, #tpu.memory_space<vmem>>) target(%dma_start3A_95 : memref<10240x128xf32, #tpu.memory_space<vmem_shared>>) offsets(%arg9 : memref<128xi32, #tpu.memory_space<vmem>>) semaphore(%run_scoped3A : memref<!tpu.dma_semaphore, #tpu.memory_space<semaphore_mem>>) {add = true}
        %dma_wait3A_96 = arith.constant 0 : i32
        %dma_wait3A_97 = arith.constant 0 : i32
        %dma_wait3A_98 = tpu.memref_slice %arg13[%dma_wait3A_96, %dma_wait3A_97] : memref<10240x128xf32, #tpu.memory_space<vmem_shared>> -> memref<10240x128xf32, #tpu.memory_space<vmem_shared>>
        tpu.wait_indirect_dma semaphore(%run_scoped3A : memref<!tpu.dma_semaphore, #tpu.memory_space<semaphore_mem>>) src(%arg11 : memref<128x128xf32, #tpu.memory_space<vmem>>) dst(%dma_wait3A_98 : memref<10240x128xf32, #tpu.memory_space<vmem_shared>>)
        tpu.yield
      }) : () -> ()
      %while3A_92 = arith.constant 0 : i32
      scf.yield %while3A_92 : i32
    }
    %while3A_61 = arith.constant 1 : i32
    %while3A_62 = scf.for %while3A_68 = %while3A_58 to %while3A_54 step %while3A_61 iter_args(%while3A_69 = %while3A_60) -> (i32)  : i32 {
      %mul3A_70 = arith.constant 2 : i32
      %mul3A_71 = arith.muli %mul3A_70, %while3A_68 : i32
      %add3A_72 = arith.constant 1 : i32
      %add3A_73 = arith.addi %mul3A_71, %add3A_72 : i32
      %mul3A_74 = arith.constant 128 : i32
      %mul3A_75 = arith.muli %add3A_73, %mul3A_74 : i32
      %add3A_76 = arith.addi %mul3A_10, %mul3A_75 : i32
      "tpu.region"() ({
        %run_scoped3A = tpu.sem_alloc : memref<!tpu.dma_semaphore, #tpu.memory_space<semaphore_mem>>
        %dma_start3A_93 = tpu.memref_slice %arg3[%add3A_76] : memref<327680xi32, #tpu.memory_space<hbm>> -> memref<128xi32, #tpu.memory_space<hbm>>
        %dma_start3A_94 = tpu.memref_slice %arg3[%add3A_76] : memref<327680xi32, #tpu.memory_space<hbm>> -> memref<128xi32, #tpu.memory_space<hbm>>
        tpu.enqueue_dma source(%dma_start3A_94 : memref<128xi32, #tpu.memory_space<hbm>>) target(%arg7 : memref<128xi32, #tpu.memory_space<vmem>>) target_semaphore(%run_scoped3A : memref<!tpu.dma_semaphore, #tpu.memory_space<semaphore_mem>>)
        %dma_wait3A_95 = tpu.memref_slice %arg3[%add3A_76] : memref<327680xi32, #tpu.memory_space<hbm>> -> memref<128xi32, #tpu.memory_space<hbm>>
        %dma_wait3A_96 = tpu.memref_slice %arg3[%add3A_76] : memref<327680xi32, #tpu.memory_space<hbm>> -> memref<128xi32, #tpu.memory_space<hbm>>
        tpu.wait_dma2 semaphore(%run_scoped3A : memref<!tpu.dma_semaphore, #tpu.memory_space<semaphore_mem>>) src(%dma_wait3A_96 : memref<128xi32, #tpu.memory_space<hbm>>) dst(%arg7 : memref<128xi32, #tpu.memory_space<vmem>>)
        tpu.yield
      }) : () -> ()
      %mul3A_77 = arith.constant 128 : i32
      %mul3A_78 = arith.muli %add3A_73, %mul3A_77 : i32
      %add3A_79 = arith.addi %mul3A_10, %mul3A_78 : i32
      "tpu.region"() ({
        %run_scoped3A = tpu.sem_alloc : memref<!tpu.dma_semaphore, #tpu.memory_space<semaphore_mem>>
        %dma_start3A_93 = tpu.memref_slice %arg4[%add3A_79] : memref<327680xi32, #tpu.memory_space<hbm>> -> memref<128xi32, #tpu.memory_space<hbm>>
        %dma_start3A_94 = tpu.memref_slice %arg4[%add3A_79] : memref<327680xi32, #tpu.memory_space<hbm>> -> memref<128xi32, #tpu.memory_space<hbm>>
        tpu.enqueue_dma source(%dma_start3A_94 : memref<128xi32, #tpu.memory_space<hbm>>) target(%arg9 : memref<128xi32, #tpu.memory_space<vmem>>) target_semaphore(%run_scoped3A : memref<!tpu.dma_semaphore, #tpu.memory_space<semaphore_mem>>)
        %dma_wait3A_95 = tpu.memref_slice %arg4[%add3A_79] : memref<327680xi32, #tpu.memory_space<hbm>> -> memref<128xi32, #tpu.memory_space<hbm>>
        %dma_wait3A_96 = tpu.memref_slice %arg4[%add3A_79] : memref<327680xi32, #tpu.memory_space<hbm>> -> memref<128xi32, #tpu.memory_space<hbm>>
        tpu.wait_dma2 semaphore(%run_scoped3A : memref<!tpu.dma_semaphore, #tpu.memory_space<semaphore_mem>>) src(%dma_wait3A_96 : memref<128xi32, #tpu.memory_space<hbm>>) dst(%arg9 : memref<128xi32, #tpu.memory_space<vmem>>)
        tpu.yield
      }) : () -> ()
      %dma_start3A = arith.constant 0 : i32
      %dma_start3A_80 = arith.constant 0 : i32
      %dma_start3A_81 = tpu.memref_slice %arg2[%dma_start3A, %dma_start3A_80] : memref<10240x128xf32, #tpu.memory_space<hbm>> -> memref<10240x128xf32, #tpu.memory_space<hbm>>
      tpu.enqueue_indirect_dma source(%dma_start3A_81 : memref<10240x128xf32, #tpu.memory_space<hbm>>) target(%arg11 : memref<128x128xf32, #tpu.memory_space<vmem>>) offsets(%arg7 : memref<128xi32, #tpu.memory_space<vmem>>) semaphore(%arg15 : memref<!tpu.dma_semaphore, #tpu.memory_space<semaphore_mem>>)
      %dma_wait3A = arith.constant 0 : i32
      %dma_wait3A_82 = arith.constant 0 : i32
      %dma_wait3A_83 = tpu.memref_slice %arg2[%dma_wait3A, %dma_wait3A_82] : memref<10240x128xf32, #tpu.memory_space<hbm>> -> memref<10240x128xf32, #tpu.memory_space<hbm>>
      tpu.wait_indirect_dma semaphore(%arg14 : memref<!tpu.dma_semaphore, #tpu.memory_space<semaphore_mem>>) src(%dma_wait3A_83 : memref<10240x128xf32, #tpu.memory_space<hbm>>) dst(%arg10 : memref<128x128xf32, #tpu.memory_space<vmem>>)
      "tpu.region"() ({
        %run_scoped3A = tpu.sem_alloc : memref<!tpu.dma_semaphore, #tpu.memory_space<semaphore_mem>>
        %dma_start3A_93 = arith.constant 0 : i32
        %dma_start3A_94 = arith.constant 0 : i32
        %dma_start3A_95 = tpu.memref_slice %arg13[%dma_start3A_93, %dma_start3A_94] : memref<10240x128xf32, #tpu.memory_space<vmem_shared>> -> memref<10240x128xf32, #tpu.memory_space<vmem_shared>>
        tpu.enqueue_indirect_dma source(%arg10 : memref<128x128xf32, #tpu.memory_space<vmem>>) target(%dma_start3A_95 : memref<10240x128xf32, #tpu.memory_space<vmem_shared>>) offsets(%arg8 : memref<128xi32, #tpu.memory_space<vmem>>) semaphore(%run_scoped3A : memref<!tpu.dma_semaphore, #tpu.memory_space<semaphore_mem>>) {add = true}
        %dma_wait3A_96 = arith.constant 0 : i32
        %dma_wait3A_97 = arith.constant 0 : i32
        %dma_wait3A_98 = tpu.memref_slice %arg13[%dma_wait3A_96, %dma_wait3A_97] : memref<10240x128xf32, #tpu.memory_space<vmem_shared>> -> memref<10240x128xf32, #tpu.memory_space<vmem_shared>>
        tpu.wait_indirect_dma semaphore(%run_scoped3A : memref<!tpu.dma_semaphore, #tpu.memory_space<semaphore_mem>>) src(%arg10 : memref<128x128xf32, #tpu.memory_space<vmem>>) dst(%dma_wait3A_98 : memref<10240x128xf32, #tpu.memory_space<vmem_shared>>)
        tpu.yield
      }) : () -> ()
      %add3A_84 = arith.constant 1 : i32
      %add3A_85 = arith.addi %add3A_73, %add3A_84 : i32
      %lt3A = arith.cmpi slt, %add3A_85, %select_n3A : i32
      %convert_element_type3A_86 = arith.extui %lt3A : i1 to i32
      %cond3A_87 = arith.constant 0 : i32
      %cond3A_88 = arith.cmpi ne, %convert_element_type3A_86, %cond3A_87 : i32
      scf.if %cond3A_88 {
        %add3A_93 = arith.constant 1 : i32
        %add3A_94 = arith.addi %add3A_73, %add3A_93 : i32
        %mul3A_95 = arith.constant 128 : i32
        %mul3A_96 = arith.muli %add3A_94, %mul3A_95 : i32
        %add3A_97 = arith.addi %mul3A_10, %mul3A_96 : i32
        "tpu.region"() ({
          %run_scoped3A = tpu.sem_alloc : memref<!tpu.dma_semaphore, #tpu.memory_space<semaphore_mem>>
          %dma_start3A_106 = tpu.memref_slice %arg3[%add3A_97] : memref<327680xi32, #tpu.memory_space<hbm>> -> memref<128xi32, #tpu.memory_space<hbm>>
          %dma_start3A_107 = tpu.memref_slice %arg3[%add3A_97] : memref<327680xi32, #tpu.memory_space<hbm>> -> memref<128xi32, #tpu.memory_space<hbm>>
          tpu.enqueue_dma source(%dma_start3A_107 : memref<128xi32, #tpu.memory_space<hbm>>) target(%arg6 : memref<128xi32, #tpu.memory_space<vmem>>) target_semaphore(%run_scoped3A : memref<!tpu.dma_semaphore, #tpu.memory_space<semaphore_mem>>)
          %dma_wait3A_108 = tpu.memref_slice %arg3[%add3A_97] : memref<327680xi32, #tpu.memory_space<hbm>> -> memref<128xi32, #tpu.memory_space<hbm>>
          %dma_wait3A_109 = tpu.memref_slice %arg3[%add3A_97] : memref<327680xi32, #tpu.memory_space<hbm>> -> memref<128xi32, #tpu.memory_space<hbm>>
          tpu.wait_dma2 semaphore(%run_scoped3A : memref<!tpu.dma_semaphore, #tpu.memory_space<semaphore_mem>>) src(%dma_wait3A_109 : memref<128xi32, #tpu.memory_space<hbm>>) dst(%arg6 : memref<128xi32, #tpu.memory_space<vmem>>)
          tpu.yield
        }) : () -> ()
        %add3A_98 = arith.constant 1 : i32
        %add3A_99 = arith.addi %add3A_73, %add3A_98 : i32
        %mul3A_100 = arith.constant 128 : i32
        %mul3A_101 = arith.muli %add3A_99, %mul3A_100 : i32
        %add3A_102 = arith.addi %mul3A_10, %mul3A_101 : i32
        "tpu.region"() ({
          %run_scoped3A = tpu.sem_alloc : memref<!tpu.dma_semaphore, #tpu.memory_space<semaphore_mem>>
          %dma_start3A_106 = tpu.memref_slice %arg4[%add3A_102] : memref<327680xi32, #tpu.memory_space<hbm>> -> memref<128xi32, #tpu.memory_space<hbm>>
          %dma_start3A_107 = tpu.memref_slice %arg4[%add3A_102] : memref<327680xi32, #tpu.memory_space<hbm>> -> memref<128xi32, #tpu.memory_space<hbm>>
          tpu.enqueue_dma source(%dma_start3A_107 : memref<128xi32, #tpu.memory_space<hbm>>) target(%arg8 : memref<128xi32, #tpu.memory_space<vmem>>) target_semaphore(%run_scoped3A : memref<!tpu.dma_semaphore, #tpu.memory_space<semaphore_mem>>)
          %dma_wait3A_108 = tpu.memref_slice %arg4[%add3A_102] : memref<327680xi32, #tpu.memory_space<hbm>> -> memref<128xi32, #tpu.memory_space<hbm>>
          %dma_wait3A_109 = tpu.memref_slice %arg4[%add3A_102] : memref<327680xi32, #tpu.memory_space<hbm>> -> memref<128xi32, #tpu.memory_space<hbm>>
          tpu.wait_dma2 semaphore(%run_scoped3A : memref<!tpu.dma_semaphore, #tpu.memory_space<semaphore_mem>>) src(%dma_wait3A_109 : memref<128xi32, #tpu.memory_space<hbm>>) dst(%arg8 : memref<128xi32, #tpu.memory_space<vmem>>)
          tpu.yield
        }) : () -> ()
        %dma_start3A_103 = arith.constant 0 : i32
        %dma_start3A_104 = arith.constant 0 : i32
        %dma_start3A_105 = tpu.memref_slice %arg2[%dma_start3A_103, %dma_start3A_104] : memref<10240x128xf32, #tpu.memory_space<hbm>> -> memref<10240x128xf32, #tpu.memory_space<hbm>>
        tpu.enqueue_indirect_dma source(%dma_start3A_105 : memref<10240x128xf32, #tpu.memory_space<hbm>>) target(%arg10 : memref<128x128xf32, #tpu.memory_space<vmem>>) offsets(%arg6 : memref<128xi32, #tpu.memory_space<vmem>>) semaphore(%arg14 : memref<!tpu.dma_semaphore, #tpu.memory_space<semaphore_mem>>)
      } else {
      }
      %dma_wait3A_89 = arith.constant 0 : i32
      %dma_wait3A_90 = arith.constant 0 : i32
      %dma_wait3A_91 = tpu.memref_slice %arg2[%dma_wait3A_89, %dma_wait3A_90] : memref<10240x128xf32, #tpu.memory_space<hbm>> -> memref<10240x128xf32, #tpu.memory_space<hbm>>
      tpu.wait_indirect_dma semaphore(%arg15 : memref<!tpu.dma_semaphore, #tpu.memory_space<semaphore_mem>>) src(%dma_wait3A_91 : memref<10240x128xf32, #tpu.memory_space<hbm>>) dst(%arg11 : memref<128x128xf32, #tpu.memory_space<vmem>>)
      "tpu.region"() ({
        %run_scoped3A = tpu.sem_alloc : memref<!tpu.dma_semaphore, #tpu.memory_space<semaphore_mem>>
        %dma_start3A_93 = arith.constant 0 : i32
        %dma_start3A_94 = arith.constant 0 : i32
        %dma_start3A_95 = tpu.memref_slice %arg13[%dma_start3A_93, %dma_start3A_94] : memref<10240x128xf32, #tpu.memory_space<vmem_shared>> -> memref<10240x128xf32, #tpu.memory_space<vmem_shared>>
        tpu.enqueue_indirect_dma source(%arg11 : memref<128x128xf32, #tpu.memory_space<vmem>>) target(%dma_start3A_95 : memref<10240x128xf32, #tpu.memory_space<vmem_shared>>) offsets(%arg9 : memref<128xi32, #tpu.memory_space<vmem>>) semaphore(%run_scoped3A : memref<!tpu.dma_semaphore, #tpu.memory_space<semaphore_mem>>) {add = true}
        %dma_wait3A_96 = arith.constant 0 : i32
        %dma_wait3A_97 = arith.constant 0 : i32
        %dma_wait3A_98 = tpu.memref_slice %arg13[%dma_wait3A_96, %dma_wait3A_97] : memref<10240x128xf32, #tpu.memory_space<vmem_shared>> -> memref<10240x128xf32, #tpu.memory_space<vmem_shared>>
        tpu.wait_indirect_dma semaphore(%run_scoped3A : memref<!tpu.dma_semaphore, #tpu.memory_space<semaphore_mem>>) src(%arg11 : memref<128x128xf32, #tpu.memory_space<vmem>>) dst(%dma_wait3A_98 : memref<10240x128xf32, #tpu.memory_space<vmem_shared>>)
        tpu.yield
      }) : () -> ()
      %while3A_92 = arith.constant 0 : i32
      scf.yield %while3A_92 : i32
    }
    %barrier3A_63 = arith.constant 0 : index
    tpu.barrier barrier_id(%barrier3A_63)
    %mul3A_64 = arith.constant 640 : i32
    %mul3A_65 = arith.muli %arg1, %mul3A_64 : i32
    %mul3A_66 = arith.constant 640 : i32
    %mul3A_67 = arith.muli %arg1, %mul3A_66 : i32
    "tpu.region"() ({
      %run_scoped3A = tpu.sem_alloc : memref<!tpu.dma_semaphore, #tpu.memory_space<semaphore_mem>>
      %dma_start3A = arith.constant 0 : i32
      %dma_start3A_68 = tpu.memref_slice %arg5[%arg0, %mul3A_67, %dma_start3A] : memref<2x10240x128xf32, #tpu.memory_space<hbm>> -> memref<1x640x128xf32, #tpu.memory_space<hbm>>
      %dma_start3A_69 = tpu.memref_squeeze %dma_start3A_68 : memref<1x640x128xf32, #tpu.memory_space<hbm>> -> memref<640x128xf32, #tpu.memory_space<hbm>>
      %dma_start3A_70 = arith.constant 0 : i32
      %dma_start3A_71 = tpu.memref_slice %arg13[%mul3A_65, %dma_start3A_70] : memref<10240x128xf32, #tpu.memory_space<vmem_shared>> -> memref<640x128xf32, #tpu.memory_space<vmem_shared>>
      tpu.enqueue_dma source(%dma_start3A_71 : memref<640x128xf32, #tpu.memory_space<vmem_shared>>) target(%dma_start3A_69 : memref<640x128xf32, #tpu.memory_space<hbm>>) target_semaphore(%run_scoped3A : memref<!tpu.dma_semaphore, #tpu.memory_space<semaphore_mem>>)
      %dma_wait3A = arith.constant 0 : i32
      %dma_wait3A_72 = tpu.memref_slice %arg5[%arg0, %mul3A_67, %dma_wait3A] : memref<2x10240x128xf32, #tpu.memory_space<hbm>> -> memref<1x640x128xf32, #tpu.memory_space<hbm>>
      %dma_wait3A_73 = tpu.memref_squeeze %dma_wait3A_72 : memref<1x640x128xf32, #tpu.memory_space<hbm>> -> memref<640x128xf32, #tpu.memory_space<hbm>>
      %dma_wait3A_74 = arith.constant 0 : i32
      %dma_wait3A_75 = tpu.memref_slice %arg13[%mul3A_65, %dma_wait3A_74] : memref<10240x128xf32, #tpu.memory_space<vmem_shared>> -> memref<640x128xf32, #tpu.memory_space<vmem_shared>>
      tpu.wait_dma2 semaphore(%run_scoped3A : memref<!tpu.dma_semaphore, #tpu.memory_space<semaphore_mem>>) src(%dma_wait3A_75 : memref<640x128xf32, #tpu.memory_space<vmem_shared>>) dst(%dma_wait3A_73 : memref<640x128xf32, #tpu.memory_space<hbm>>)
      tpu.yield
    }) : () -> ()
    return
  }
}

#map = affine_map<(d0, d1) -> (0)>
#map1 = affine_map<(d0, d1) -> (0, 0)>
module attributes {stable_mosaic.version = 14 : i64} {
  func.func @_deg_kernel(%arg0: i32, %arg1: i32, %arg2: memref<327680xi32, #tpu.memory_space<hbm>>, %arg3: memref<2x10240xf32, #tpu.memory_space<hbm>>, %arg4: memref<128xi32, #tpu.memory_space<vmem>>, %arg5: memref<128xi32, #tpu.memory_space<vmem>>, %arg6: memref<128xf32, #tpu.memory_space<vmem>>, %arg7: memref<640xf32, #tpu.memory_space<vmem>>, %arg8: memref<10240xf32, #tpu.memory_space<vmem_shared>>, %arg9: memref<!tpu.dma_semaphore, #tpu.memory_space<semaphore_mem>>, %arg10: memref<!tpu.dma_semaphore, #tpu.memory_space<semaphore_mem>>) attributes {dimension_semantics = [#tpu.dimension_semantics<core_parallel>, #tpu.dimension_semantics<subcore_parallel>], iteration_bounds = array<i64: 2, 16>, scalar_prefetch = 0 : i64, scratch_operands = 7 : i64, tpu.core_type = #tpu.core_type<sc_vector_subcore>, window_params = [{transform_indices = #map}, {transform_indices = #map1}]} {
    %mul3A = arith.constant 2 : i32
    %mul3A_0 = arith.muli %arg1, %mul3A : i32
    %add3A = arith.addi %mul3A_0, %arg0 : i32
    %mul3A_1 = arith.constant 10240 : i32
    %mul3A_2 = arith.muli %add3A, %mul3A_1 : i32
    %broadcast_in_dim3A = arith.constant 0.000000e+00 : f32
    %broadcast_in_dim3A_3 = vector.broadcast %broadcast_in_dim3A : f32 to vector<16xf32>
    %broadcast_in_dim3A_4 = arith.constant 1.000000e+00 : f32
    %broadcast_in_dim3A_5 = vector.broadcast %broadcast_in_dim3A_4 : f32 to vector<16xf32>
    %scan3A = arith.constant 0 : i32
    %scan3A_6 = arith.constant 0 : i32
    %scan3A_7 = arith.constant 40 : i32
    %scan3A_8 = arith.addi %scan3A_6, %scan3A_7 : i32
    %scan3A_9 = arith.constant 1 : i32
    %scan3A_10 = scf.for %scan3A_33 = %scan3A_6 to %scan3A_8 step %scan3A_9 iter_args(%scan3A_34 = %scan3A) -> (i32)  : i32 {
      %mul3A_35 = arith.constant 16 : i32
      %mul3A_36 = arith.muli %scan3A_33, %mul3A_35 : i32
      %swap3A = arith.index_cast %mul3A_36 : i32 to index
      %swap3A_37 = tpu.vector_load %arg7[%swap3A] {strides = array<i32>} : memref<640xf32, #tpu.memory_space<vmem>>, vector<16xf32>,
      %swap3A_38 = vector.shape_cast %swap3A_37 : vector<16xf32> to vector<16xf32>
      %swap3A_39 = vector.shape_cast %broadcast_in_dim3A_3 : vector<16xf32> to vector<16xf32>
      tpu.vector_store %arg7[%swap3A], %swap3A_39 {strides = array<i32>} : memref<640xf32, #tpu.memory_space<vmem>>, vector<16xf32>,
      %scan3A_40 = arith.constant 0 : i32
      scf.yield %scan3A_40 : i32
    }
    %scan3A_11 = arith.constant 40 : i32
    %scan3A_12 = arith.constant 0 : i32
    %scan3A_13 = arith.constant 0 : i32
    %scan3A_14 = arith.constant 8 : i32
    %scan3A_15 = arith.addi %scan3A_13, %scan3A_14 : i32
    %scan3A_16 = arith.constant 1 : i32
    %scan3A_17 = scf.for %scan3A_33 = %scan3A_13 to %scan3A_15 step %scan3A_16 iter_args(%scan3A_34 = %scan3A_12) -> (i32)  : i32 {
      %mul3A_35 = arith.constant 16 : i32
      %mul3A_36 = arith.muli %scan3A_33, %mul3A_35 : i32
      %swap3A = arith.index_cast %mul3A_36 : i32 to index
      %swap3A_37 = tpu.vector_load %arg6[%swap3A] {strides = array<i32>} : memref<128xf32, #tpu.memory_space<vmem>>, vector<16xf32>,
      %swap3A_38 = vector.shape_cast %swap3A_37 : vector<16xf32> to vector<16xf32>
      %swap3A_39 = vector.shape_cast %broadcast_in_dim3A_5 : vector<16xf32> to vector<16xf32>
      tpu.vector_store %arg6[%swap3A], %swap3A_39 {strides = array<i32>} : memref<128xf32, #tpu.memory_space<vmem>>, vector<16xf32>,
      %scan3A_40 = arith.constant 0 : i32
      scf.yield %scan3A_40 : i32
    }
    %scan3A_18 = arith.constant 8 : i32
    %mul3A_19 = arith.constant 640 : i32
    %mul3A_20 = arith.muli %arg1, %mul3A_19 : i32
    "tpu.region"() ({
      %run_scoped3A = tpu.sem_alloc : memref<!tpu.dma_semaphore, #tpu.memory_space<semaphore_mem>>
      %dma_start3A = tpu.memref_slice %arg8[%mul3A_20] : memref<10240xf32, #tpu.memory_space<vmem_shared>> -> memref<640xf32, #tpu.memory_space<vmem_shared>>
      %dma_start3A_33 = tpu.memref_slice %arg8[%mul3A_20] : memref<10240xf32, #tpu.memory_space<vmem_shared>> -> memref<640xf32, #tpu.memory_space<vmem_shared>>
      tpu.enqueue_dma source(%arg7 : memref<640xf32, #tpu.memory_space<vmem>>) target(%dma_start3A_33 : memref<640xf32, #tpu.memory_space<vmem_shared>>) target_semaphore(%run_scoped3A : memref<!tpu.dma_semaphore, #tpu.memory_space<semaphore_mem>>)
      %dma_wait3A = tpu.memref_slice %arg8[%mul3A_20] : memref<10240xf32, #tpu.memory_space<vmem_shared>> -> memref<640xf32, #tpu.memory_space<vmem_shared>>
      %dma_wait3A_34 = tpu.memref_slice %arg8[%mul3A_20] : memref<10240xf32, #tpu.memory_space<vmem_shared>> -> memref<640xf32, #tpu.memory_space<vmem_shared>>
      tpu.wait_dma2 semaphore(%run_scoped3A : memref<!tpu.dma_semaphore, #tpu.memory_space<semaphore_mem>>) src(%arg7 : memref<640xf32, #tpu.memory_space<vmem>>) dst(%dma_wait3A_34 : memref<640xf32, #tpu.memory_space<vmem_shared>>)
      tpu.yield
    }) : () -> ()
    %barrier3A = arith.constant 0 : index
    tpu.barrier barrier_id(%barrier3A)
    %scan3A_21 = arith.constant 0 : i32
    %scan3A_22 = arith.constant 0 : i32
    %scan3A_23 = arith.constant 80 : i32
    %scan3A_24 = arith.addi %scan3A_22, %scan3A_23 : i32
    %scan3A_25 = arith.constant 1 : i32
    %scan3A_26 = scf.for %scan3A_33 = %scan3A_22 to %scan3A_24 step %scan3A_25 iter_args(%scan3A_34 = %scan3A_21) -> (i32)  : i32 {
      %mul3A_35 = arith.constant 128 : i32
      %mul3A_36 = arith.muli %scan3A_33, %mul3A_35 : i32
      %add3A_37 = arith.addi %mul3A_2, %mul3A_36 : i32
      "tpu.region"() ({
        %run_scoped3A = tpu.sem_alloc : memref<!tpu.dma_semaphore, #tpu.memory_space<semaphore_mem>>
        %dma_start3A = tpu.memref_slice %arg2[%add3A_37] : memref<327680xi32, #tpu.memory_space<hbm>> -> memref<128xi32, #tpu.memory_space<hbm>>
        %dma_start3A_39 = tpu.memref_slice %arg2[%add3A_37] : memref<327680xi32, #tpu.memory_space<hbm>> -> memref<128xi32, #tpu.memory_space<hbm>>
        tpu.enqueue_dma source(%dma_start3A_39 : memref<128xi32, #tpu.memory_space<hbm>>) target(%arg4 : memref<128xi32, #tpu.memory_space<vmem>>) target_semaphore(%run_scoped3A : memref<!tpu.dma_semaphore, #tpu.memory_space<semaphore_mem>>)
        %dma_wait3A = tpu.memref_slice %arg2[%add3A_37] : memref<327680xi32, #tpu.memory_space<hbm>> -> memref<128xi32, #tpu.memory_space<hbm>>
        %dma_wait3A_40 = tpu.memref_slice %arg2[%add3A_37] : memref<327680xi32, #tpu.memory_space<hbm>> -> memref<128xi32, #tpu.memory_space<hbm>>
        tpu.wait_dma2 semaphore(%run_scoped3A : memref<!tpu.dma_semaphore, #tpu.memory_space<semaphore_mem>>) src(%dma_wait3A_40 : memref<128xi32, #tpu.memory_space<hbm>>) dst(%arg4 : memref<128xi32, #tpu.memory_space<vmem>>)
        tpu.yield
      }) : () -> ()
      "tpu.region"() ({
        %run_scoped3A = tpu.sem_alloc : memref<!tpu.dma_semaphore, #tpu.memory_space<semaphore_mem>>
        %dma_start3A = arith.constant 0 : i32
        %dma_start3A_39 = tpu.memref_slice %arg8[%dma_start3A] : memref<10240xf32, #tpu.memory_space<vmem_shared>> -> memref<10240xf32, #tpu.memory_space<vmem_shared>>
        tpu.enqueue_indirect_dma source(%arg6 : memref<128xf32, #tpu.memory_space<vmem>>) target(%dma_start3A_39 : memref<10240xf32, #tpu.memory_space<vmem_shared>>) offsets(%arg4 : memref<128xi32, #tpu.memory_space<vmem>>) semaphore(%run_scoped3A : memref<!tpu.dma_semaphore, #tpu.memory_space<semaphore_mem>>) {add = true}
        %dma_wait3A = arith.constant 0 : i32
        %dma_wait3A_40 = tpu.memref_slice %arg8[%dma_wait3A] : memref<10240xf32, #tpu.memory_space<vmem_shared>> -> memref<10240xf32, #tpu.memory_space<vmem_shared>>
        tpu.wait_indirect_dma semaphore(%run_scoped3A : memref<!tpu.dma_semaphore, #tpu.memory_space<semaphore_mem>>) src(%arg6 : memref<128xf32, #tpu.memory_space<vmem>>) dst(%dma_wait3A_40 : memref<10240xf32, #tpu.memory_space<vmem_shared>>)
        tpu.yield
      }) : () -> ()
      %scan3A_38 = arith.constant 0 : i32
      scf.yield %scan3A_38 : i32
    }
    %scan3A_27 = arith.constant 80 : i32
    %barrier3A_28 = arith.constant 0 : index
    tpu.barrier barrier_id(%barrier3A_28)
    %mul3A_29 = arith.constant 640 : i32
    %mul3A_30 = arith.muli %arg1, %mul3A_29 : i32
    %mul3A_31 = arith.constant 640 : i32
    %mul3A_32 = arith.muli %arg1, %mul3A_31 : i32
    "tpu.region"() ({
      %run_scoped3A = tpu.sem_alloc : memref<!tpu.dma_semaphore, #tpu.memory_space<semaphore_mem>>
      %dma_start3A = tpu.memref_slice %arg3[%arg0, %mul3A_32] : memref<2x10240xf32, #tpu.memory_space<hbm>> -> memref<1x640xf32, #tpu.memory_space<hbm>>
      %dma_start3A_33 = tpu.memref_squeeze %dma_start3A : memref<1x640xf32, #tpu.memory_space<hbm>> -> memref<640xf32, #tpu.memory_space<hbm>>
      %dma_start3A_34 = tpu.memref_slice %arg8[%mul3A_30] : memref<10240xf32, #tpu.memory_space<vmem_shared>> -> memref<640xf32, #tpu.memory_space<vmem_shared>>
      tpu.enqueue_dma source(%dma_start3A_34 : memref<640xf32, #tpu.memory_space<vmem_shared>>) target(%dma_start3A_33 : memref<640xf32, #tpu.memory_space<hbm>>) target_semaphore(%run_scoped3A : memref<!tpu.dma_semaphore, #tpu.memory_space<semaphore_mem>>)
      %dma_wait3A = tpu.memref_slice %arg3[%arg0, %mul3A_32] : memref<2x10240xf32, #tpu.memory_space<hbm>> -> memref<1x640xf32, #tpu.memory_space<hbm>>
      %dma_wait3A_35 = tpu.memref_squeeze %dma_wait3A : memref<1x640xf32, #tpu.memory_space<hbm>> -> memref<640xf32, #tpu.memory_space<hbm>>
      %dma_wait3A_36 = tpu.memref_slice %arg8[%mul3A_30] : memref<10240xf32, #tpu.memory_space<vmem_shared>> -> memref<640xf32, #tpu.memory_space<vmem_shared>>
      tpu.wait_dma2 semaphore(%run_scoped3A : memref<!tpu.dma_semaphore, #tpu.memory_space<semaphore_mem>>) src(%dma_wait3A_36 : memref<640xf32, #tpu.memory_space<vmem_shared>>) dst(%dma_wait3A_35 : memref<640xf32, #tpu.memory_space<hbm>>)
      tpu.yield
    }) : () -> ()
    return
  }
}

#map = affine_map<(d0, d1) -> (0, 0)>
#map1 = affine_map<(d0, d1) -> (0)>
#map2 = affine_map<(d0, d1) -> (0, 0, 0)>
module attributes {stable_mosaic.version = 14 : i64} {
  func.func @_scatter_kernel(%arg0: i32, %arg1: i32, %arg2: memref<10240x128xf32, #tpu.memory_space<hbm>>, %arg3: memref<327680xi32, #tpu.memory_space<hbm>>, %arg4: memref<327680xi32, #tpu.memory_space<hbm>>, %arg5: memref<2x10240x128xf32, #tpu.memory_space<hbm>>, %arg6: memref<128xi32, #tpu.memory_space<vmem>>, %arg7: memref<128xi32, #tpu.memory_space<vmem>>, %arg8: memref<128xi32, #tpu.memory_space<vmem>>, %arg9: memref<128xi32, #tpu.memory_space<vmem>>, %arg10: memref<128x128xf32, #tpu.memory_space<vmem>>, %arg11: memref<128x128xf32, #tpu.memory_space<vmem>>, %arg12: memref<16x128xf32, #tpu.memory_space<vmem>>, %arg13: memref<10240x128xf32, #tpu.memory_space<vmem_shared>>, %arg14: memref<!tpu.dma_semaphore, #tpu.memory_space<semaphore_mem>>, %arg15: memref<!tpu.dma_semaphore, #tpu.memory_space<semaphore_mem>>, %arg16: memref<!tpu.dma_semaphore, #tpu.memory_space<semaphore_mem>>) attributes {dimension_semantics = [#tpu.dimension_semantics<core_parallel>, #tpu.dimension_semantics<subcore_parallel>], iteration_bounds = array<i64: 2, 16>, scalar_prefetch = 0 : i64, scratch_operands = 11 : i64, tpu.core_type = #tpu.core_type<sc_vector_subcore>, window_params = [{transform_indices = #map}, {transform_indices = #map1}, {transform_indices = #map1}, {transform_indices = #map2}]} {
    %eq3A = arith.constant 0 : i32
    %eq3A_0 = arith.cmpi eq, %arg0, %eq3A : i32
    %jit3A = arith.constant 148 : i32
    %jit3A_1 = arith.constant 12 : i32
    %select_n3A = arith.select %eq3A_0, %jit3A, %jit3A_1 : i32
    %eq3A_2 = arith.constant 0 : i32
    %eq3A_3 = arith.cmpi eq, %arg0, %eq3A_2 : i32
    %mul3A = arith.constant 148 : i32
    %mul3A_4 = arith.muli %arg1, %mul3A : i32
    %mul3A_5 = arith.constant 12 : i32
    %mul3A_6 = arith.muli %arg1, %mul3A_5 : i32
    %add3A = arith.constant 2368 : i32
    %add3A_7 = arith.addi %add3A, %mul3A_6 : i32
    %select_n3A_8 = arith.select %eq3A_3, %mul3A_4, %add3A_7 : i32
    %mul3A_9 = arith.constant 128 : i32
    %mul3A_10 = arith.muli %select_n3A_8, %mul3A_9 : i32
    %gt3A = arith.constant 0 : i32
    %gt3A_11 = arith.cmpi sgt, %select_n3A, %gt3A : i32
    %convert_element_type3A = arith.extui %gt3A_11 : i1 to i32
    %cond3A = arith.constant 0 : i32
    %cond3A_12 = arith.cmpi ne, %convert_element_type3A, %cond3A : i32
    scf.if %cond3A_12 {
      "tpu.region"() ({
        %run_scoped3A = tpu.sem_alloc : memref<!tpu.dma_semaphore, #tpu.memory_space<semaphore_mem>>
        %dma_start3A_70 = tpu.memref_slice %arg3[%mul3A_10] : memref<327680xi32, #tpu.memory_space<hbm>> -> memref<128xi32, #tpu.memory_space<hbm>>
        %dma_start3A_71 = tpu.memref_slice %arg3[%mul3A_10] : memref<327680xi32, #tpu.memory_space<hbm>> -> memref<128xi32, #tpu.memory_space<hbm>>
        tpu.enqueue_dma source(%dma_start3A_71 : memref<128xi32, #tpu.memory_space<hbm>>) target(%arg6 : memref<128xi32, #tpu.memory_space<vmem>>) target_semaphore(%run_scoped3A : memref<!tpu.dma_semaphore, #tpu.memory_space<semaphore_mem>>)
        %dma_wait3A = tpu.memref_slice %arg3[%mul3A_10] : memref<327680xi32, #tpu.memory_space<hbm>> -> memref<128xi32, #tpu.memory_space<hbm>>
        %dma_wait3A_72 = tpu.memref_slice %arg3[%mul3A_10] : memref<327680xi32, #tpu.memory_space<hbm>> -> memref<128xi32, #tpu.memory_space<hbm>>
        tpu.wait_dma2 semaphore(%run_scoped3A : memref<!tpu.dma_semaphore, #tpu.memory_space<semaphore_mem>>) src(%dma_wait3A_72 : memref<128xi32, #tpu.memory_space<hbm>>) dst(%arg6 : memref<128xi32, #tpu.memory_space<vmem>>)
        tpu.yield
      }) : () -> ()
      "tpu.region"() ({
        %run_scoped3A = tpu.sem_alloc : memref<!tpu.dma_semaphore, #tpu.memory_space<semaphore_mem>>
        %dma_start3A_70 = tpu.memref_slice %arg4[%mul3A_10] : memref<327680xi32, #tpu.memory_space<hbm>> -> memref<128xi32, #tpu.memory_space<hbm>>
        %dma_start3A_71 = tpu.memref_slice %arg4[%mul3A_10] : memref<327680xi32, #tpu.memory_space<hbm>> -> memref<128xi32, #tpu.memory_space<hbm>>
        tpu.enqueue_dma source(%dma_start3A_71 : memref<128xi32, #tpu.memory_space<hbm>>) target(%arg8 : memref<128xi32, #tpu.memory_space<vmem>>) target_semaphore(%run_scoped3A : memref<!tpu.dma_semaphore, #tpu.memory_space<semaphore_mem>>)
        %dma_wait3A = tpu.memref_slice %arg4[%mul3A_10] : memref<327680xi32, #tpu.memory_space<hbm>> -> memref<128xi32, #tpu.memory_space<hbm>>
        %dma_wait3A_72 = tpu.memref_slice %arg4[%mul3A_10] : memref<327680xi32, #tpu.memory_space<hbm>> -> memref<128xi32, #tpu.memory_space<hbm>>
        tpu.wait_dma2 semaphore(%run_scoped3A : memref<!tpu.dma_semaphore, #tpu.memory_space<semaphore_mem>>) src(%dma_wait3A_72 : memref<128xi32, #tpu.memory_space<hbm>>) dst(%arg8 : memref<128xi32, #tpu.memory_space<vmem>>)
        tpu.yield
      }) : () -> ()
      %dma_start3A = arith.constant 0 : i32
      %dma_start3A_68 = arith.constant 0 : i32
      %dma_start3A_69 = tpu.memref_slice %arg2[%dma_start3A, %dma_start3A_68] : memref<10240x128xf32, #tpu.memory_space<hbm>> -> memref<10240x128xf32, #tpu.memory_space<hbm>>
      tpu.enqueue_indirect_dma source(%dma_start3A_69 : memref<10240x128xf32, #tpu.memory_space<hbm>>) target(%arg10 : memref<128x128xf32, #tpu.memory_space<vmem>>) offsets(%arg6 : memref<128xi32, #tpu.memory_space<vmem>>) semaphore(%arg14 : memref<!tpu.dma_semaphore, #tpu.memory_space<semaphore_mem>>)
    } else {
    }
    %broadcast_in_dim3A = arith.constant 0.000000e+00 : f32
    %broadcast_in_dim3A_13 = vector.broadcast %broadcast_in_dim3A : f32 to vector<16xf32>
    %scan3A = arith.constant 0 : i32
    %scan3A_14 = arith.constant 0 : i32
    %scan3A_15 = arith.constant 128 : i32
    %scan3A_16 = arith.addi %scan3A_14, %scan3A_15 : i32
    %scan3A_17 = arith.constant 1 : i32
    %scan3A_18 = scf.for %scan3A_68 = %scan3A_14 to %scan3A_16 step %scan3A_17 iter_args(%scan3A_69 = %scan3A) -> (i32)  : i32 {
      %jit3A_70 = arith.constant 8 : i32
      %div3A_71 = arith.divsi %scan3A_68, %jit3A_70 : i32
      %sign3A_72 = arith.constant 0 : i32
      %sign3A_73 = arith.cmpi sgt, %scan3A_68, %sign3A_72 : i32
      %sign3A_74 = arith.extui %sign3A_73 : i1 to i32
      %sign3A_75 = arith.constant 0 : i32
      %sign3A_76 = arith.cmpi slt, %scan3A_68, %sign3A_75 : i32
      %sign3A_77 = arith.extui %sign3A_76 : i1 to i32
      %sign3A_78 = arith.subi %sign3A_74, %sign3A_77 : i32
      %sign3A_79 = arith.constant 0 : i32
      %sign3A_80 = arith.cmpi sgt, %jit3A_70, %sign3A_79 : i32
      %sign3A_81 = arith.extui %sign3A_80 : i1 to i32
      %sign3A_82 = arith.constant 0 : i32
      %sign3A_83 = arith.cmpi slt, %jit3A_70, %sign3A_82 : i32
      %sign3A_84 = arith.extui %sign3A_83 : i1 to i32
      %sign3A_85 = arith.subi %sign3A_81, %sign3A_84 : i32
      %ne3A_86 = arith.cmpi ne, %sign3A_78, %sign3A_85 : i32
      %rem3A_87 = arith.remsi %scan3A_68, %jit3A_70 : i32
      %ne3A_88 = arith.constant 0 : i32
      %ne3A_89 = arith.cmpi ne, %rem3A_87, %ne3A_88 : i32
      %and3A_90 = arith.andi %ne3A_86, %ne3A_89 : i1
      %sub3A_91 = arith.constant 1 : i32
      %sub3A_92 = arith.subi %div3A_71, %sub3A_91 : i32
      %select_n3A_93 = arith.select %and3A_90, %sub3A_92, %div3A_71 : i32
      %jit3A_94 = arith.constant 8 : i32
      %eq3A_95 = arith.constant 0 : i32
      %eq3A_96 = arith.cmpi eq, %jit3A_94, %eq3A_95 : i32
      %jit3A_97 = arith.constant 1 : i32
      %select_n3A_98 = arith.select %eq3A_96, %jit3A_97, %jit3A_94 : i32
      %rem3A_99 = arith.remsi %scan3A_68, %select_n3A_98 : i32
      %ne3A_100 = arith.constant 0 : i32
      %ne3A_101 = arith.cmpi ne, %rem3A_99, %ne3A_100 : i32
      %lt3A = arith.constant 0 : i32
      %lt3A_102 = arith.cmpi slt, %rem3A_99, %lt3A : i32
      %lt3A_103 = arith.constant 0 : i32
      %lt3A_104 = arith.cmpi slt, %select_n3A_98, %lt3A_103 : i32
      %ne3A_105 = arith.xori %lt3A_102, %lt3A_104 : i1
      %and3A_106 = arith.andi %ne3A_105, %ne3A_101 : i1
      %add3A_107 = arith.addi %rem3A_99, %select_n3A_98 : i32
      %select_n3A_108 = arith.select %and3A_106, %add3A_107, %rem3A_99 : i32
      %mul3A_109 = arith.constant 16 : i32
      %mul3A_110 = arith.muli %select_n3A_108, %mul3A_109 : i32
      %swap3A = arith.index_cast %select_n3A_93 : i32 to index
      %swap3A_111 = arith.index_cast %mul3A_110 : i32 to index
      %swap3A_112 = tpu.vector_load %arg12[%swap3A, %swap3A_111] {strides = array<i32>} : memref<16x128xf32, #tpu.memory_space<vmem>>, vector<1x16xf32>,
      %swap3A_113 = vector.shape_cast %swap3A_112 : vector<1x16xf32> to vector<16xf32>
      %swap3A_114 = vector.shape_cast %broadcast_in_dim3A_13 : vector<16xf32> to vector<1x16xf32>
      tpu.vector_store %arg12[%swap3A, %swap3A_111], %swap3A_114 {strides = array<i32>} : memref<16x128xf32, #tpu.memory_space<vmem>>, vector<1x16xf32>,
      %scan3A_115 = arith.constant 0 : i32
      scf.yield %scan3A_115 : i32
    }
    %scan3A_19 = arith.constant 128 : i32
    %scan3A_20 = arith.constant 0 : i32
    %scan3A_21 = arith.constant 0 : i32
    %scan3A_22 = arith.constant 40 : i32
    %scan3A_23 = arith.addi %scan3A_21, %scan3A_22 : i32
    %scan3A_24 = arith.constant 1 : i32
    %scan3A_25 = scf.for %scan3A_68 = %scan3A_21 to %scan3A_23 step %scan3A_24 iter_args(%scan3A_69 = %scan3A_20) -> (i32)  : i32 {
      %mul3A_70 = arith.constant 640 : i32
      %mul3A_71 = arith.muli %arg1, %mul3A_70 : i32
      %mul3A_72 = arith.constant 16 : i32
      %mul3A_73 = arith.muli %scan3A_68, %mul3A_72 : i32
      %add3A_74 = arith.addi %mul3A_71, %mul3A_73 : i32
      %dma_start3A = arith.constant 0 : i32
      %dma_start3A_75 = tpu.memref_slice %arg13[%add3A_74, %dma_start3A] : memref<10240x128xf32, #tpu.memory_space<vmem_shared>> -> memref<16x128xf32, #tpu.memory_space<vmem_shared>>
      %dma_start3A_76 = arith.constant 0 : i32
      %dma_start3A_77 = tpu.memref_slice %arg13[%add3A_74, %dma_start3A_76] : memref<10240x128xf32, #tpu.memory_space<vmem_shared>> -> memref<16x128xf32, #tpu.memory_space<vmem_shared>>
      tpu.enqueue_dma source(%arg12 : memref<16x128xf32, #tpu.memory_space<vmem>>) target(%dma_start3A_77 : memref<16x128xf32, #tpu.memory_space<vmem_shared>>) target_semaphore(%arg16 : memref<!tpu.dma_semaphore, #tpu.memory_space<semaphore_mem>>)
      %scan3A_78 = arith.constant 0 : i32
      scf.yield %scan3A_78 : i32
    }
    %scan3A_26 = arith.constant 40 : i32
    %scan3A_27 = arith.constant 0 : i32
    %scan3A_28 = arith.constant 0 : i32
    %scan3A_29 = arith.constant 40 : i32
    %scan3A_30 = arith.addi %scan3A_28, %scan3A_29 : i32
    %scan3A_31 = arith.constant 1 : i32
    %scan3A_32 = scf.for %scan3A_68 = %scan3A_28 to %scan3A_30 step %scan3A_31 iter_args(%scan3A_69 = %scan3A_27) -> (i32)  : i32 {
      %mul3A_70 = arith.constant 640 : i32
      %mul3A_71 = arith.muli %arg1, %mul3A_70 : i32
      %dma_wait3A = arith.constant 0 : i32
      %dma_wait3A_72 = tpu.memref_slice %arg13[%mul3A_71, %dma_wait3A] : memref<10240x128xf32, #tpu.memory_space<vmem_shared>> -> memref<16x128xf32, #tpu.memory_space<vmem_shared>>
      %dma_wait3A_73 = arith.constant 0 : i32
      %dma_wait3A_74 = tpu.memref_slice %arg13[%mul3A_71, %dma_wait3A_73] : memref<10240x128xf32, #tpu.memory_space<vmem_shared>> -> memref<16x128xf32, #tpu.memory_space<vmem_shared>>
      tpu.wait_dma2 semaphore(%arg16 : memref<!tpu.dma_semaphore, #tpu.memory_space<semaphore_mem>>) src(%arg12 : memref<16x128xf32, #tpu.memory_space<vmem>>) dst(%dma_wait3A_74 : memref<16x128xf32, #tpu.memory_space<vmem_shared>>)
      %scan3A_75 = arith.constant 0 : i32
      scf.yield %scan3A_75 : i32
    }
    %scan3A_33 = arith.constant 40 : i32
    %barrier3A = arith.constant 0 : index
    tpu.barrier barrier_id(%barrier3A)
    %jit3A_34 = arith.constant 2 : i32
    %div3A = arith.divsi %select_n3A, %jit3A_34 : i32
    %sign3A = arith.constant 0 : i32
    %sign3A_35 = arith.cmpi sgt, %select_n3A, %sign3A : i32
    %sign3A_36 = arith.extui %sign3A_35 : i1 to i32
    %sign3A_37 = arith.constant 0 : i32
    %sign3A_38 = arith.cmpi slt, %select_n3A, %sign3A_37 : i32
    %sign3A_39 = arith.extui %sign3A_38 : i1 to i32
    %sign3A_40 = arith.subi %sign3A_36, %sign3A_39 : i32
    %sign3A_41 = arith.constant 0 : i32
    %sign3A_42 = arith.cmpi sgt, %jit3A_34, %sign3A_41 : i32
    %sign3A_43 = arith.extui %sign3A_42 : i1 to i32
    %sign3A_44 = arith.constant 0 : i32
    %sign3A_45 = arith.cmpi slt, %jit3A_34, %sign3A_44 : i32
    %sign3A_46 = arith.extui %sign3A_45 : i1 to i32
    %sign3A_47 = arith.subi %sign3A_43, %sign3A_46 : i32
    %ne3A = arith.cmpi ne, %sign3A_40, %sign3A_47 : i32
    %rem3A = arith.remsi %select_n3A, %jit3A_34 : i32
    %ne3A_48 = arith.constant 0 : i32
    %ne3A_49 = arith.cmpi ne, %rem3A, %ne3A_48 : i32
    %and3A = arith.andi %ne3A, %ne3A_49 : i1
    %sub3A = arith.constant 1 : i32
    %sub3A_50 = arith.subi %div3A, %sub3A : i32
    %select_n3A_51 = arith.select %and3A, %sub3A_50, %div3A : i32
    %while3A = arith.constant 0 : i32
    %while3A_52 = arith.constant 0 : i32
    %while3A_53 = arith.subi %select_n3A_51, %while3A : i32
    %while3A_54 = arith.addi %while3A, %while3A_53 : i32
    %while3A_55 = arith.constant 1 : i32
    %while3A_56 = arith.divsi %while3A_53, %while3A_55 : i32
    %while3A_57 = arith.muli %while3A_56, %while3A_55 : i32
    %while3A_58 = arith.addi %while3A, %while3A_57 : i32
    %while3A_59 = arith.constant 1 : i32
    %while3A_60 = scf.for %while3A_68 = %while3A to %while3A_58 step %while3A_59 iter_args(%while3A_69 = %while3A_52) -> (i32)  : i32 {
      %mul3A_70 = arith.constant 2 : i32
      %mul3A_71 = arith.muli %mul3A_70, %while3A_68 : i32
      %add3A_72 = arith.constant 1 : i32
      %add3A_73 = arith.addi %mul3A_71, %add3A_72 : i32
      %mul3A_74 = arith.constant 128 : i32
      %mul3A_75 = arith.muli %add3A_73, %mul3A_74 : i32
      %add3A_76 = arith.addi %mul3A_10, %mul3A_75 : i32
      "tpu.region"() ({
        %run_scoped3A = tpu.sem_alloc : memref<!tpu.dma_semaphore, #tpu.memory_space<semaphore_mem>>
        %dma_start3A_93 = tpu.memref_slice %arg3[%add3A_76] : memref<327680xi32, #tpu.memory_space<hbm>> -> memref<128xi32, #tpu.memory_space<hbm>>
        %dma_start3A_94 = tpu.memref_slice %arg3[%add3A_76] : memref<327680xi32, #tpu.memory_space<hbm>> -> memref<128xi32, #tpu.memory_space<hbm>>
        tpu.enqueue_dma source(%dma_start3A_94 : memref<128xi32, #tpu.memory_space<hbm>>) target(%arg7 : memref<128xi32, #tpu.memory_space<vmem>>) target_semaphore(%run_scoped3A : memref<!tpu.dma_semaphore, #tpu.memory_space<semaphore_mem>>)
        %dma_wait3A_95 = tpu.memref_slice %arg3[%add3A_76] : memref<327680xi32, #tpu.memory_space<hbm>> -> memref<128xi32, #tpu.memory_space<hbm>>
        %dma_wait3A_96 = tpu.memref_slice %arg3[%add3A_76] : memref<327680xi32, #tpu.memory_space<hbm>> -> memref<128xi32, #tpu.memory_space<hbm>>
        tpu.wait_dma2 semaphore(%run_scoped3A : memref<!tpu.dma_semaphore, #tpu.memory_space<semaphore_mem>>) src(%dma_wait3A_96 : memref<128xi32, #tpu.memory_space<hbm>>) dst(%arg7 : memref<128xi32, #tpu.memory_space<vmem>>)
        tpu.yield
      }) : () -> ()
      %mul3A_77 = arith.constant 128 : i32
      %mul3A_78 = arith.muli %add3A_73, %mul3A_77 : i32
      %add3A_79 = arith.addi %mul3A_10, %mul3A_78 : i32
      "tpu.region"() ({
        %run_scoped3A = tpu.sem_alloc : memref<!tpu.dma_semaphore, #tpu.memory_space<semaphore_mem>>
        %dma_start3A_93 = tpu.memref_slice %arg4[%add3A_79] : memref<327680xi32, #tpu.memory_space<hbm>> -> memref<128xi32, #tpu.memory_space<hbm>>
        %dma_start3A_94 = tpu.memref_slice %arg4[%add3A_79] : memref<327680xi32, #tpu.memory_space<hbm>> -> memref<128xi32, #tpu.memory_space<hbm>>
        tpu.enqueue_dma source(%dma_start3A_94 : memref<128xi32, #tpu.memory_space<hbm>>) target(%arg9 : memref<128xi32, #tpu.memory_space<vmem>>) target_semaphore(%run_scoped3A : memref<!tpu.dma_semaphore, #tpu.memory_space<semaphore_mem>>)
        %dma_wait3A_95 = tpu.memref_slice %arg4[%add3A_79] : memref<327680xi32, #tpu.memory_space<hbm>> -> memref<128xi32, #tpu.memory_space<hbm>>
        %dma_wait3A_96 = tpu.memref_slice %arg4[%add3A_79] : memref<327680xi32, #tpu.memory_space<hbm>> -> memref<128xi32, #tpu.memory_space<hbm>>
        tpu.wait_dma2 semaphore(%run_scoped3A : memref<!tpu.dma_semaphore, #tpu.memory_space<semaphore_mem>>) src(%dma_wait3A_96 : memref<128xi32, #tpu.memory_space<hbm>>) dst(%arg9 : memref<128xi32, #tpu.memory_space<vmem>>)
        tpu.yield
      }) : () -> ()
      %dma_start3A = arith.constant 0 : i32
      %dma_start3A_80 = arith.constant 0 : i32
      %dma_start3A_81 = tpu.memref_slice %arg2[%dma_start3A, %dma_start3A_80] : memref<10240x128xf32, #tpu.memory_space<hbm>> -> memref<10240x128xf32, #tpu.memory_space<hbm>>
      tpu.enqueue_indirect_dma source(%dma_start3A_81 : memref<10240x128xf32, #tpu.memory_space<hbm>>) target(%arg11 : memref<128x128xf32, #tpu.memory_space<vmem>>) offsets(%arg7 : memref<128xi32, #tpu.memory_space<vmem>>) semaphore(%arg15 : memref<!tpu.dma_semaphore, #tpu.memory_space<semaphore_mem>>)
      %dma_wait3A = arith.constant 0 : i32
      %dma_wait3A_82 = arith.constant 0 : i32
      %dma_wait3A_83 = tpu.memref_slice %arg2[%dma_wait3A, %dma_wait3A_82] : memref<10240x128xf32, #tpu.memory_space<hbm>> -> memref<10240x128xf32, #tpu.memory_space<hbm>>
      tpu.wait_indirect_dma semaphore(%arg14 : memref<!tpu.dma_semaphore, #tpu.memory_space<semaphore_mem>>) src(%dma_wait3A_83 : memref<10240x128xf32, #tpu.memory_space<hbm>>) dst(%arg10 : memref<128x128xf32, #tpu.memory_space<vmem>>)
      "tpu.region"() ({
        %run_scoped3A = tpu.sem_alloc : memref<!tpu.dma_semaphore, #tpu.memory_space<semaphore_mem>>
        %dma_start3A_93 = arith.constant 0 : i32
        %dma_start3A_94 = arith.constant 0 : i32
        %dma_start3A_95 = tpu.memref_slice %arg13[%dma_start3A_93, %dma_start3A_94] : memref<10240x128xf32, #tpu.memory_space<vmem_shared>> -> memref<10240x128xf32, #tpu.memory_space<vmem_shared>>
        tpu.enqueue_indirect_dma source(%arg10 : memref<128x128xf32, #tpu.memory_space<vmem>>) target(%dma_start3A_95 : memref<10240x128xf32, #tpu.memory_space<vmem_shared>>) offsets(%arg8 : memref<128xi32, #tpu.memory_space<vmem>>) semaphore(%run_scoped3A : memref<!tpu.dma_semaphore, #tpu.memory_space<semaphore_mem>>) {add = true}
        %dma_wait3A_96 = arith.constant 0 : i32
        %dma_wait3A_97 = arith.constant 0 : i32
        %dma_wait3A_98 = tpu.memref_slice %arg13[%dma_wait3A_96, %dma_wait3A_97] : memref<10240x128xf32, #tpu.memory_space<vmem_shared>> -> memref<10240x128xf32, #tpu.memory_space<vmem_shared>>
        tpu.wait_indirect_dma semaphore(%run_scoped3A : memref<!tpu.dma_semaphore, #tpu.memory_space<semaphore_mem>>) src(%arg10 : memref<128x128xf32, #tpu.memory_space<vmem>>) dst(%dma_wait3A_98 : memref<10240x128xf32, #tpu.memory_space<vmem_shared>>)
        tpu.yield
      }) : () -> ()
      %add3A_84 = arith.constant 1 : i32
      %add3A_85 = arith.addi %add3A_73, %add3A_84 : i32
      %lt3A = arith.cmpi slt, %add3A_85, %select_n3A : i32
      %convert_element_type3A_86 = arith.extui %lt3A : i1 to i32
      %cond3A_87 = arith.constant 0 : i32
      %cond3A_88 = arith.cmpi ne, %convert_element_type3A_86, %cond3A_87 : i32
      scf.if %cond3A_88 {
        %add3A_93 = arith.constant 1 : i32
        %add3A_94 = arith.addi %add3A_73, %add3A_93 : i32
        %mul3A_95 = arith.constant 128 : i32
        %mul3A_96 = arith.muli %add3A_94, %mul3A_95 : i32
        %add3A_97 = arith.addi %mul3A_10, %mul3A_96 : i32
        "tpu.region"() ({
          %run_scoped3A = tpu.sem_alloc : memref<!tpu.dma_semaphore, #tpu.memory_space<semaphore_mem>>
          %dma_start3A_106 = tpu.memref_slice %arg3[%add3A_97] : memref<327680xi32, #tpu.memory_space<hbm>> -> memref<128xi32, #tpu.memory_space<hbm>>
          %dma_start3A_107 = tpu.memref_slice %arg3[%add3A_97] : memref<327680xi32, #tpu.memory_space<hbm>> -> memref<128xi32, #tpu.memory_space<hbm>>
          tpu.enqueue_dma source(%dma_start3A_107 : memref<128xi32, #tpu.memory_space<hbm>>) target(%arg6 : memref<128xi32, #tpu.memory_space<vmem>>) target_semaphore(%run_scoped3A : memref<!tpu.dma_semaphore, #tpu.memory_space<semaphore_mem>>)
          %dma_wait3A_108 = tpu.memref_slice %arg3[%add3A_97] : memref<327680xi32, #tpu.memory_space<hbm>> -> memref<128xi32, #tpu.memory_space<hbm>>
          %dma_wait3A_109 = tpu.memref_slice %arg3[%add3A_97] : memref<327680xi32, #tpu.memory_space<hbm>> -> memref<128xi32, #tpu.memory_space<hbm>>
          tpu.wait_dma2 semaphore(%run_scoped3A : memref<!tpu.dma_semaphore, #tpu.memory_space<semaphore_mem>>) src(%dma_wait3A_109 : memref<128xi32, #tpu.memory_space<hbm>>) dst(%arg6 : memref<128xi32, #tpu.memory_space<vmem>>)
          tpu.yield
        }) : () -> ()
        %add3A_98 = arith.constant 1 : i32
        %add3A_99 = arith.addi %add3A_73, %add3A_98 : i32
        %mul3A_100 = arith.constant 128 : i32
        %mul3A_101 = arith.muli %add3A_99, %mul3A_100 : i32
        %add3A_102 = arith.addi %mul3A_10, %mul3A_101 : i32
        "tpu.region"() ({
          %run_scoped3A = tpu.sem_alloc : memref<!tpu.dma_semaphore, #tpu.memory_space<semaphore_mem>>
          %dma_start3A_106 = tpu.memref_slice %arg4[%add3A_102] : memref<327680xi32, #tpu.memory_space<hbm>> -> memref<128xi32, #tpu.memory_space<hbm>>
          %dma_start3A_107 = tpu.memref_slice %arg4[%add3A_102] : memref<327680xi32, #tpu.memory_space<hbm>> -> memref<128xi32, #tpu.memory_space<hbm>>
          tpu.enqueue_dma source(%dma_start3A_107 : memref<128xi32, #tpu.memory_space<hbm>>) target(%arg8 : memref<128xi32, #tpu.memory_space<vmem>>) target_semaphore(%run_scoped3A : memref<!tpu.dma_semaphore, #tpu.memory_space<semaphore_mem>>)
          %dma_wait3A_108 = tpu.memref_slice %arg4[%add3A_102] : memref<327680xi32, #tpu.memory_space<hbm>> -> memref<128xi32, #tpu.memory_space<hbm>>
          %dma_wait3A_109 = tpu.memref_slice %arg4[%add3A_102] : memref<327680xi32, #tpu.memory_space<hbm>> -> memref<128xi32, #tpu.memory_space<hbm>>
          tpu.wait_dma2 semaphore(%run_scoped3A : memref<!tpu.dma_semaphore, #tpu.memory_space<semaphore_mem>>) src(%dma_wait3A_109 : memref<128xi32, #tpu.memory_space<hbm>>) dst(%arg8 : memref<128xi32, #tpu.memory_space<vmem>>)
          tpu.yield
        }) : () -> ()
        %dma_start3A_103 = arith.constant 0 : i32
        %dma_start3A_104 = arith.constant 0 : i32
        %dma_start3A_105 = tpu.memref_slice %arg2[%dma_start3A_103, %dma_start3A_104] : memref<10240x128xf32, #tpu.memory_space<hbm>> -> memref<10240x128xf32, #tpu.memory_space<hbm>>
        tpu.enqueue_indirect_dma source(%dma_start3A_105 : memref<10240x128xf32, #tpu.memory_space<hbm>>) target(%arg10 : memref<128x128xf32, #tpu.memory_space<vmem>>) offsets(%arg6 : memref<128xi32, #tpu.memory_space<vmem>>) semaphore(%arg14 : memref<!tpu.dma_semaphore, #tpu.memory_space<semaphore_mem>>)
      } else {
      }
      %dma_wait3A_89 = arith.constant 0 : i32
      %dma_wait3A_90 = arith.constant 0 : i32
      %dma_wait3A_91 = tpu.memref_slice %arg2[%dma_wait3A_89, %dma_wait3A_90] : memref<10240x128xf32, #tpu.memory_space<hbm>> -> memref<10240x128xf32, #tpu.memory_space<hbm>>
      tpu.wait_indirect_dma semaphore(%arg15 : memref<!tpu.dma_semaphore, #tpu.memory_space<semaphore_mem>>) src(%dma_wait3A_91 : memref<10240x128xf32, #tpu.memory_space<hbm>>) dst(%arg11 : memref<128x128xf32, #tpu.memory_space<vmem>>)
      "tpu.region"() ({
        %run_scoped3A = tpu.sem_alloc : memref<!tpu.dma_semaphore, #tpu.memory_space<semaphore_mem>>
        %dma_start3A_93 = arith.constant 0 : i32
        %dma_start3A_94 = arith.constant 0 : i32
        %dma_start3A_95 = tpu.memref_slice %arg13[%dma_start3A_93, %dma_start3A_94] : memref<10240x128xf32, #tpu.memory_space<vmem_shared>> -> memref<10240x128xf32, #tpu.memory_space<vmem_shared>>
        tpu.enqueue_indirect_dma source(%arg11 : memref<128x128xf32, #tpu.memory_space<vmem>>) target(%dma_start3A_95 : memref<10240x128xf32, #tpu.memory_space<vmem_shared>>) offsets(%arg9 : memref<128xi32, #tpu.memory_space<vmem>>) semaphore(%run_scoped3A : memref<!tpu.dma_semaphore, #tpu.memory_space<semaphore_mem>>) {add = true}
        %dma_wait3A_96 = arith.constant 0 : i32
        %dma_wait3A_97 = arith.constant 0 : i32
        %dma_wait3A_98 = tpu.memref_slice %arg13[%dma_wait3A_96, %dma_wait3A_97] : memref<10240x128xf32, #tpu.memory_space<vmem_shared>> -> memref<10240x128xf32, #tpu.memory_space<vmem_shared>>
        tpu.wait_indirect_dma semaphore(%run_scoped3A : memref<!tpu.dma_semaphore, #tpu.memory_space<semaphore_mem>>) src(%arg11 : memref<128x128xf32, #tpu.memory_space<vmem>>) dst(%dma_wait3A_98 : memref<10240x128xf32, #tpu.memory_space<vmem_shared>>)
        tpu.yield
      }) : () -> ()
      %while3A_92 = arith.constant 0 : i32
      scf.yield %while3A_92 : i32
    }
    %while3A_61 = arith.constant 1 : i32
    %while3A_62 = scf.for %while3A_68 = %while3A_58 to %while3A_54 step %while3A_61 iter_args(%while3A_69 = %while3A_60) -> (i32)  : i32 {
      %mul3A_70 = arith.constant 2 : i32
      %mul3A_71 = arith.muli %mul3A_70, %while3A_68 : i32
      %add3A_72 = arith.constant 1 : i32
      %add3A_73 = arith.addi %mul3A_71, %add3A_72 : i32
      %mul3A_74 = arith.constant 128 : i32
      %mul3A_75 = arith.muli %add3A_73, %mul3A_74 : i32
      %add3A_76 = arith.addi %mul3A_10, %mul3A_75 : i32
      "tpu.region"() ({
        %run_scoped3A = tpu.sem_alloc : memref<!tpu.dma_semaphore, #tpu.memory_space<semaphore_mem>>
        %dma_start3A_93 = tpu.memref_slice %arg3[%add3A_76] : memref<327680xi32, #tpu.memory_space<hbm>> -> memref<128xi32, #tpu.memory_space<hbm>>
        %dma_start3A_94 = tpu.memref_slice %arg3[%add3A_76] : memref<327680xi32, #tpu.memory_space<hbm>> -> memref<128xi32, #tpu.memory_space<hbm>>
        tpu.enqueue_dma source(%dma_start3A_94 : memref<128xi32, #tpu.memory_space<hbm>>) target(%arg7 : memref<128xi32, #tpu.memory_space<vmem>>) target_semaphore(%run_scoped3A : memref<!tpu.dma_semaphore, #tpu.memory_space<semaphore_mem>>)
        %dma_wait3A_95 = tpu.memref_slice %arg3[%add3A_76] : memref<327680xi32, #tpu.memory_space<hbm>> -> memref<128xi32, #tpu.memory_space<hbm>>
        %dma_wait3A_96 = tpu.memref_slice %arg3[%add3A_76] : memref<327680xi32, #tpu.memory_space<hbm>> -> memref<128xi32, #tpu.memory_space<hbm>>
        tpu.wait_dma2 semaphore(%run_scoped3A : memref<!tpu.dma_semaphore, #tpu.memory_space<semaphore_mem>>) src(%dma_wait3A_96 : memref<128xi32, #tpu.memory_space<hbm>>) dst(%arg7 : memref<128xi32, #tpu.memory_space<vmem>>)
        tpu.yield
      }) : () -> ()
      %mul3A_77 = arith.constant 128 : i32
      %mul3A_78 = arith.muli %add3A_73, %mul3A_77 : i32
      %add3A_79 = arith.addi %mul3A_10, %mul3A_78 : i32
      "tpu.region"() ({
        %run_scoped3A = tpu.sem_alloc : memref<!tpu.dma_semaphore, #tpu.memory_space<semaphore_mem>>
        %dma_start3A_93 = tpu.memref_slice %arg4[%add3A_79] : memref<327680xi32, #tpu.memory_space<hbm>> -> memref<128xi32, #tpu.memory_space<hbm>>
        %dma_start3A_94 = tpu.memref_slice %arg4[%add3A_79] : memref<327680xi32, #tpu.memory_space<hbm>> -> memref<128xi32, #tpu.memory_space<hbm>>
        tpu.enqueue_dma source(%dma_start3A_94 : memref<128xi32, #tpu.memory_space<hbm>>) target(%arg9 : memref<128xi32, #tpu.memory_space<vmem>>) target_semaphore(%run_scoped3A : memref<!tpu.dma_semaphore, #tpu.memory_space<semaphore_mem>>)
        %dma_wait3A_95 = tpu.memref_slice %arg4[%add3A_79] : memref<327680xi32, #tpu.memory_space<hbm>> -> memref<128xi32, #tpu.memory_space<hbm>>
        %dma_wait3A_96 = tpu.memref_slice %arg4[%add3A_79] : memref<327680xi32, #tpu.memory_space<hbm>> -> memref<128xi32, #tpu.memory_space<hbm>>
        tpu.wait_dma2 semaphore(%run_scoped3A : memref<!tpu.dma_semaphore, #tpu.memory_space<semaphore_mem>>) src(%dma_wait3A_96 : memref<128xi32, #tpu.memory_space<hbm>>) dst(%arg9 : memref<128xi32, #tpu.memory_space<vmem>>)
        tpu.yield
      }) : () -> ()
      %dma_start3A = arith.constant 0 : i32
      %dma_start3A_80 = arith.constant 0 : i32
      %dma_start3A_81 = tpu.memref_slice %arg2[%dma_start3A, %dma_start3A_80] : memref<10240x128xf32, #tpu.memory_space<hbm>> -> memref<10240x128xf32, #tpu.memory_space<hbm>>
      tpu.enqueue_indirect_dma source(%dma_start3A_81 : memref<10240x128xf32, #tpu.memory_space<hbm>>) target(%arg11 : memref<128x128xf32, #tpu.memory_space<vmem>>) offsets(%arg7 : memref<128xi32, #tpu.memory_space<vmem>>) semaphore(%arg15 : memref<!tpu.dma_semaphore, #tpu.memory_space<semaphore_mem>>)
      %dma_wait3A = arith.constant 0 : i32
      %dma_wait3A_82 = arith.constant 0 : i32
      %dma_wait3A_83 = tpu.memref_slice %arg2[%dma_wait3A, %dma_wait3A_82] : memref<10240x128xf32, #tpu.memory_space<hbm>> -> memref<10240x128xf32, #tpu.memory_space<hbm>>
      tpu.wait_indirect_dma semaphore(%arg14 : memref<!tpu.dma_semaphore, #tpu.memory_space<semaphore_mem>>) src(%dma_wait3A_83 : memref<10240x128xf32, #tpu.memory_space<hbm>>) dst(%arg10 : memref<128x128xf32, #tpu.memory_space<vmem>>)
      "tpu.region"() ({
        %run_scoped3A = tpu.sem_alloc : memref<!tpu.dma_semaphore, #tpu.memory_space<semaphore_mem>>
        %dma_start3A_93 = arith.constant 0 : i32
        %dma_start3A_94 = arith.constant 0 : i32
        %dma_start3A_95 = tpu.memref_slice %arg13[%dma_start3A_93, %dma_start3A_94] : memref<10240x128xf32, #tpu.memory_space<vmem_shared>> -> memref<10240x128xf32, #tpu.memory_space<vmem_shared>>
        tpu.enqueue_indirect_dma source(%arg10 : memref<128x128xf32, #tpu.memory_space<vmem>>) target(%dma_start3A_95 : memref<10240x128xf32, #tpu.memory_space<vmem_shared>>) offsets(%arg8 : memref<128xi32, #tpu.memory_space<vmem>>) semaphore(%run_scoped3A : memref<!tpu.dma_semaphore, #tpu.memory_space<semaphore_mem>>) {add = true}
        %dma_wait3A_96 = arith.constant 0 : i32
        %dma_wait3A_97 = arith.constant 0 : i32
        %dma_wait3A_98 = tpu.memref_slice %arg13[%dma_wait3A_96, %dma_wait3A_97] : memref<10240x128xf32, #tpu.memory_space<vmem_shared>> -> memref<10240x128xf32, #tpu.memory_space<vmem_shared>>
        tpu.wait_indirect_dma semaphore(%run_scoped3A : memref<!tpu.dma_semaphore, #tpu.memory_space<semaphore_mem>>) src(%arg10 : memref<128x128xf32, #tpu.memory_space<vmem>>) dst(%dma_wait3A_98 : memref<10240x128xf32, #tpu.memory_space<vmem_shared>>)
        tpu.yield
      }) : () -> ()
      %add3A_84 = arith.constant 1 : i32
      %add3A_85 = arith.addi %add3A_73, %add3A_84 : i32
      %lt3A = arith.cmpi slt, %add3A_85, %select_n3A : i32
      %convert_element_type3A_86 = arith.extui %lt3A : i1 to i32
      %cond3A_87 = arith.constant 0 : i32
      %cond3A_88 = arith.cmpi ne, %convert_element_type3A_86, %cond3A_87 : i32
      scf.if %cond3A_88 {
        %add3A_93 = arith.constant 1 : i32
        %add3A_94 = arith.addi %add3A_73, %add3A_93 : i32
        %mul3A_95 = arith.constant 128 : i32
        %mul3A_96 = arith.muli %add3A_94, %mul3A_95 : i32
        %add3A_97 = arith.addi %mul3A_10, %mul3A_96 : i32
        "tpu.region"() ({
          %run_scoped3A = tpu.sem_alloc : memref<!tpu.dma_semaphore, #tpu.memory_space<semaphore_mem>>
          %dma_start3A_106 = tpu.memref_slice %arg3[%add3A_97] : memref<327680xi32, #tpu.memory_space<hbm>> -> memref<128xi32, #tpu.memory_space<hbm>>
          %dma_start3A_107 = tpu.memref_slice %arg3[%add3A_97] : memref<327680xi32, #tpu.memory_space<hbm>> -> memref<128xi32, #tpu.memory_space<hbm>>
          tpu.enqueue_dma source(%dma_start3A_107 : memref<128xi32, #tpu.memory_space<hbm>>) target(%arg6 : memref<128xi32, #tpu.memory_space<vmem>>) target_semaphore(%run_scoped3A : memref<!tpu.dma_semaphore, #tpu.memory_space<semaphore_mem>>)
          %dma_wait3A_108 = tpu.memref_slice %arg3[%add3A_97] : memref<327680xi32, #tpu.memory_space<hbm>> -> memref<128xi32, #tpu.memory_space<hbm>>
          %dma_wait3A_109 = tpu.memref_slice %arg3[%add3A_97] : memref<327680xi32, #tpu.memory_space<hbm>> -> memref<128xi32, #tpu.memory_space<hbm>>
          tpu.wait_dma2 semaphore(%run_scoped3A : memref<!tpu.dma_semaphore, #tpu.memory_space<semaphore_mem>>) src(%dma_wait3A_109 : memref<128xi32, #tpu.memory_space<hbm>>) dst(%arg6 : memref<128xi32, #tpu.memory_space<vmem>>)
          tpu.yield
        }) : () -> ()
        %add3A_98 = arith.constant 1 : i32
        %add3A_99 = arith.addi %add3A_73, %add3A_98 : i32
        %mul3A_100 = arith.constant 128 : i32
        %mul3A_101 = arith.muli %add3A_99, %mul3A_100 : i32
        %add3A_102 = arith.addi %mul3A_10, %mul3A_101 : i32
        "tpu.region"() ({
          %run_scoped3A = tpu.sem_alloc : memref<!tpu.dma_semaphore, #tpu.memory_space<semaphore_mem>>
          %dma_start3A_106 = tpu.memref_slice %arg4[%add3A_102] : memref<327680xi32, #tpu.memory_space<hbm>> -> memref<128xi32, #tpu.memory_space<hbm>>
          %dma_start3A_107 = tpu.memref_slice %arg4[%add3A_102] : memref<327680xi32, #tpu.memory_space<hbm>> -> memref<128xi32, #tpu.memory_space<hbm>>
          tpu.enqueue_dma source(%dma_start3A_107 : memref<128xi32, #tpu.memory_space<hbm>>) target(%arg8 : memref<128xi32, #tpu.memory_space<vmem>>) target_semaphore(%run_scoped3A : memref<!tpu.dma_semaphore, #tpu.memory_space<semaphore_mem>>)
          %dma_wait3A_108 = tpu.memref_slice %arg4[%add3A_102] : memref<327680xi32, #tpu.memory_space<hbm>> -> memref<128xi32, #tpu.memory_space<hbm>>
          %dma_wait3A_109 = tpu.memref_slice %arg4[%add3A_102] : memref<327680xi32, #tpu.memory_space<hbm>> -> memref<128xi32, #tpu.memory_space<hbm>>
          tpu.wait_dma2 semaphore(%run_scoped3A : memref<!tpu.dma_semaphore, #tpu.memory_space<semaphore_mem>>) src(%dma_wait3A_109 : memref<128xi32, #tpu.memory_space<hbm>>) dst(%arg8 : memref<128xi32, #tpu.memory_space<vmem>>)
          tpu.yield
        }) : () -> ()
        %dma_start3A_103 = arith.constant 0 : i32
        %dma_start3A_104 = arith.constant 0 : i32
        %dma_start3A_105 = tpu.memref_slice %arg2[%dma_start3A_103, %dma_start3A_104] : memref<10240x128xf32, #tpu.memory_space<hbm>> -> memref<10240x128xf32, #tpu.memory_space<hbm>>
        tpu.enqueue_indirect_dma source(%dma_start3A_105 : memref<10240x128xf32, #tpu.memory_space<hbm>>) target(%arg10 : memref<128x128xf32, #tpu.memory_space<vmem>>) offsets(%arg6 : memref<128xi32, #tpu.memory_space<vmem>>) semaphore(%arg14 : memref<!tpu.dma_semaphore, #tpu.memory_space<semaphore_mem>>)
      } else {
      }
      %dma_wait3A_89 = arith.constant 0 : i32
      %dma_wait3A_90 = arith.constant 0 : i32
      %dma_wait3A_91 = tpu.memref_slice %arg2[%dma_wait3A_89, %dma_wait3A_90] : memref<10240x128xf32, #tpu.memory_space<hbm>> -> memref<10240x128xf32, #tpu.memory_space<hbm>>
      tpu.wait_indirect_dma semaphore(%arg15 : memref<!tpu.dma_semaphore, #tpu.memory_space<semaphore_mem>>) src(%dma_wait3A_91 : memref<10240x128xf32, #tpu.memory_space<hbm>>) dst(%arg11 : memref<128x128xf32, #tpu.memory_space<vmem>>)
      "tpu.region"() ({
        %run_scoped3A = tpu.sem_alloc : memref<!tpu.dma_semaphore, #tpu.memory_space<semaphore_mem>>
        %dma_start3A_93 = arith.constant 0 : i32
        %dma_start3A_94 = arith.constant 0 : i32
        %dma_start3A_95 = tpu.memref_slice %arg13[%dma_start3A_93, %dma_start3A_94] : memref<10240x128xf32, #tpu.memory_space<vmem_shared>> -> memref<10240x128xf32, #tpu.memory_space<vmem_shared>>
        tpu.enqueue_indirect_dma source(%arg11 : memref<128x128xf32, #tpu.memory_space<vmem>>) target(%dma_start3A_95 : memref<10240x128xf32, #tpu.memory_space<vmem_shared>>) offsets(%arg9 : memref<128xi32, #tpu.memory_space<vmem>>) semaphore(%run_scoped3A : memref<!tpu.dma_semaphore, #tpu.memory_space<semaphore_mem>>) {add = true}
        %dma_wait3A_96 = arith.constant 0 : i32
        %dma_wait3A_97 = arith.constant 0 : i32
        %dma_wait3A_98 = tpu.memref_slice %arg13[%dma_wait3A_96, %dma_wait3A_97] : memref<10240x128xf32, #tpu.memory_space<vmem_shared>> -> memref<10240x128xf32, #tpu.memory_space<vmem_shared>>
        tpu.wait_indirect_dma semaphore(%run_scoped3A : memref<!tpu.dma_semaphore, #tpu.memory_space<semaphore_mem>>) src(%arg11 : memref<128x128xf32, #tpu.memory_space<vmem>>) dst(%dma_wait3A_98 : memref<10240x128xf32, #tpu.memory_space<vmem_shared>>)
        tpu.yield
      }) : () -> ()
      %while3A_92 = arith.constant 0 : i32
      scf.yield %while3A_92 : i32
    }
    %barrier3A_63 = arith.constant 0 : index
    tpu.barrier barrier_id(%barrier3A_63)
    %mul3A_64 = arith.constant 640 : i32
    %mul3A_65 = arith.muli %arg1, %mul3A_64 : i32
    %mul3A_66 = arith.constant 640 : i32
    %mul3A_67 = arith.muli %arg1, %mul3A_66 : i32
    "tpu.region"() ({
      %run_scoped3A = tpu.sem_alloc : memref<!tpu.dma_semaphore, #tpu.memory_space<semaphore_mem>>
      %dma_start3A = arith.constant 0 : i32
      %dma_start3A_68 = tpu.memref_slice %arg5[%arg0, %mul3A_67, %dma_start3A] : memref<2x10240x128xf32, #tpu.memory_space<hbm>> -> memref<1x640x128xf32, #tpu.memory_space<hbm>>
      %dma_start3A_69 = tpu.memref_squeeze %dma_start3A_68 : memref<1x640x128xf32, #tpu.memory_space<hbm>> -> memref<640x128xf32, #tpu.memory_space<hbm>>
      %dma_start3A_70 = arith.constant 0 : i32
      %dma_start3A_71 = tpu.memref_slice %arg13[%mul3A_65, %dma_start3A_70] : memref<10240x128xf32, #tpu.memory_space<vmem_shared>> -> memref<640x128xf32, #tpu.memory_space<vmem_shared>>
      tpu.enqueue_dma source(%dma_start3A_71 : memref<640x128xf32, #tpu.memory_space<vmem_shared>>) target(%dma_start3A_69 : memref<640x128xf32, #tpu.memory_space<hbm>>) target_semaphore(%run_scoped3A : memref<!tpu.dma_semaphore, #tpu.memory_space<semaphore_mem>>)
      %dma_wait3A = arith.constant 0 : i32
      %dma_wait3A_72 = tpu.memref_slice %arg5[%arg0, %mul3A_67, %dma_wait3A] : memref<2x10240x128xf32, #tpu.memory_space<hbm>> -> memref<1x640x128xf32, #tpu.memory_space<hbm>>
      %dma_wait3A_73 = tpu.memref_squeeze %dma_wait3A_72 : memref<1x640x128xf32, #tpu.memory_space<hbm>> -> memref<640x128xf32, #tpu.memory_space<hbm>>
      %dma_wait3A_74 = arith.constant 0 : i32
      %dma_wait3A_75 = tpu.memref_slice %arg13[%mul3A_65, %dma_wait3A_74] : memref<10240x128xf32, #tpu.memory_space<vmem_shared>> -> memref<640x128xf32, #tpu.memory_space<vmem_shared>>
      tpu.wait_dma2 semaphore(%run_scoped3A : memref<!tpu.dma_semaphore, #tpu.memory_space<semaphore_mem>>) src(%dma_wait3A_75 : memref<640x128xf32, #tpu.memory_space<vmem_shared>>) dst(%dma_wait3A_73 : memref<640x128xf32, #tpu.memory_space<hbm>>)
      tpu.yield
    }) : () -> ()
    return
  }
}

module attributes {stable_mosaic.version = 14 : i64} {
  func.func @_tc_mm_body(%arg0: i32, %arg1: memref<1024x128xf32, #tpu.memory_space<vmem>>, %arg2: memref<128x128xf32, #tpu.memory_space<vmem>>, %arg3: memref<1024x128xf32, #tpu.memory_space<vmem>>) attributes {dimension_semantics = [#tpu.dimension_semantics<arbitrary>], iteration_bounds = array<i64: 10>, scalar_prefetch = 0 : i64, scratch_operands = 0 : i64, tpu.core_type = #tpu.core_type<tc>, window_params = [{transform_indices = @transform_0, window_bounds = array<i64: 1024, 128>}, {pipeline_mode = #tpu.pipeline_mode<synchronous>, transform_indices = @transform_1, window_bounds = array<i64: 128, 128>}, {transform_indices = @transform_2, window_bounds = array<i64: 1024, 128>}]} {
    %get3A = arith.constant 0 : index
    %get3A_0 = arith.constant 0 : index
    %get3A_1 = vector.load %arg1[%get3A, %get3A_0] : memref<1024x128xf32, #tpu.memory_space<vmem>>, vector<1024x128xf32>
    %get3A_2 = arith.constant 0 : index
    %get3A_3 = arith.constant 0 : index
    %get3A_4 = vector.load %arg2[%get3A_2, %get3A_3] : memref<128x128xf32, #tpu.memory_space<vmem>>, vector<128x128xf32>
    %dot_general3A = arith.constant dense<0.000000e+00> : vector<1024x128xf32>
    %dot_general3A_5 = tpu.matmul %get3A_1, %get3A_4, %dot_general3A {dimension_numbers = #tpu.dot_dimension_numbers<[1], [0], [0], [1], [0, 0, 1, 1], [], []>, transpose_lhs_hint = false} : vector<1024x128xf32>, vector<128x128xf32>, vector<1024x128xf32> -> vector<1024x128xf32>
    %swap3A = arith.constant 0 : index
    %swap3A_6 = arith.constant 0 : index
    %swap3A_7 = vector.load %arg3[%swap3A, %swap3A_6] : memref<1024x128xf32, #tpu.memory_space<vmem>>, vector<1024x128xf32>
    tpu.vector_store %arg3[%swap3A, %swap3A_6], %dot_general3A_5 {strides = array<i32>} : memref<1024x128xf32, #tpu.memory_space<vmem>>, vector<1024x128xf32>,
    return
  }
  func.func @transform_0(%arg0: i32) -> (i32, i32) {
    %c0_i32 = arith.constant 0 : i32
    %c0_i32_0 = arith.constant 0 : i32
    return %arg0, %c0_i32 : i32, i32
  }
  func.func @transform_1(%arg0: i32) -> (i32, i32) {
    %c0_i32 = arith.constant 0 : i32
    %c0_i32_0 = arith.constant 0 : i32
    %c0_i32_1 = arith.constant 0 : i32
    return %c0_i32, %c0_i32_0 : i32, i32
  }
  func.func @transform_2(%arg0: i32) -> (i32, i32) {
    %c0_i32 = arith.constant 0 : i32
    %c0_i32_0 = arith.constant 0 : i32
    return %arg0, %c0_i32 : i32, i32
  }
}

module attributes {stable_mosaic.version = 14 : i64} {
  func.func @_tc_a_body(%arg0: i32, %arg1: memref<1024x128xf32, #tpu.memory_space<vmem>>, %arg2: memref<2x1024xf32, #tpu.memory_space<vmem>>, %arg3: memref<1024x128xf32, #tpu.memory_space<vmem>>) attributes {dimension_semantics = [#tpu.dimension_semantics<arbitrary>], iteration_bounds = array<i64: 10>, scalar_prefetch = 0 : i64, scratch_operands = 0 : i64, tpu.core_type = #tpu.core_type<tc>, window_params = [{transform_indices = @transform_0, window_bounds = array<i64: 1024, 128>}, {transform_indices = @transform_1, window_bounds = array<i64: 2, 1024>}, {transform_indices = @transform_2, window_bounds = array<i64: 1024, 128>}]} {
    %get3A = arith.constant 0 : index
    %get3A_0 = arith.constant 0 : index
    %get3A_1 = vector.load %arg2[%get3A, %get3A_0] : memref<2x1024xf32, #tpu.memory_space<vmem>>, vector<2x1024xf32>
    %reduce_sum3A = arith.constant dense<0.000000e+00> : vector<1024xf32>
    %reduce_sum3A_2 = vector.multi_reduction <add>, %get3A_1, %reduce_sum3A [0] : vector<2x1024xf32> to vector<1024xf32>
    %add3A = arith.constant 1.000000e+00 : f32
    %add3A_3 = vector.broadcast %add3A : f32 to vector<1024xf32>
    %add3A_4 = arith.addf %reduce_sum3A_2, %add3A_3 : vector<1024xf32>
    %rsqrt3A = math.rsqrt %add3A_4 : vector<1024xf32>
    %get3A_5 = arith.constant 0 : index
    %get3A_6 = arith.constant 0 : index
    %get3A_7 = vector.load %arg1[%get3A_5, %get3A_6] : memref<1024x128xf32, #tpu.memory_space<vmem>>, vector<1024x128xf32>
    %broadcast_in_dim3A = vector.shape_cast %rsqrt3A : vector<1024xf32> to vector<1024x1xf32>
    %mul3A = vector.broadcast %broadcast_in_dim3A : vector<1024x1xf32> to vector<1024x128xf32>
    %mul3A_8 = arith.mulf %get3A_7, %mul3A : vector<1024x128xf32>
    %swap3A = arith.constant 0 : index
    %swap3A_9 = arith.constant 0 : index
    %swap3A_10 = vector.load %arg3[%swap3A, %swap3A_9] : memref<1024x128xf32, #tpu.memory_space<vmem>>, vector<1024x128xf32>
    tpu.vector_store %arg3[%swap3A, %swap3A_9], %mul3A_8 {strides = array<i32>} : memref<1024x128xf32, #tpu.memory_space<vmem>>, vector<1024x128xf32>,
    return
  }
  func.func @transform_0(%arg0: i32) -> (i32, i32) {
    %c0_i32 = arith.constant 0 : i32
    %c0_i32_0 = arith.constant 0 : i32
    return %arg0, %c0_i32 : i32, i32
  }
  func.func @transform_1(%arg0: i32) -> (i32, i32) {
    %c0_i32 = arith.constant 0 : i32
    %c0_i32_0 = arith.constant 0 : i32
    return %c0_i32, %arg0 : i32, i32
  }
  func.func @transform_2(%arg0: i32) -> (i32, i32) {
    %c0_i32 = arith.constant 0 : i32
    %c0_i32_0 = arith.constant 0 : i32
    return %arg0, %c0_i32 : i32, i32
  }
}

module attributes {stable_mosaic.version = 14 : i64} {
  func.func @_tc_b_body(%arg0: i32, %arg1: memref<2x1024x128xf32, #tpu.memory_space<vmem>>, %arg2: memref<1024x128xf32, #tpu.memory_space<vmem>>, %arg3: memref<2x1024xf32, #tpu.memory_space<vmem>>, %arg4: memref<128xf32, #tpu.memory_space<vmem>>, %arg5: memref<128x128xf32, #tpu.memory_space<vmem>>, %arg6: memref<1024x128xf32, #tpu.memory_space<vmem>>) attributes {dimension_semantics = [#tpu.dimension_semantics<arbitrary>], iteration_bounds = array<i64: 10>, scalar_prefetch = 0 : i64, scratch_operands = 0 : i64, tpu.core_type = #tpu.core_type<tc>, window_params = [{transform_indices = @transform_0, window_bounds = array<i64: 2, 1024, 128>}, {transform_indices = @transform_1, window_bounds = array<i64: 1024, 128>}, {transform_indices = @transform_2, window_bounds = array<i64: 2, 1024>}, {pipeline_mode = #tpu.pipeline_mode<synchronous>, transform_indices = @transform_3, window_bounds = array<i64: 128>}, {pipeline_mode = #tpu.pipeline_mode<synchronous>, transform_indices = @transform_4, window_bounds = array<i64: 128, 128>}, {transform_indices = @transform_5, window_bounds = array<i64: 1024, 128>}]} {
    %get3A = arith.constant 0 : index
    %get3A_0 = arith.constant 0 : index
    %get3A_1 = vector.load %arg3[%get3A, %get3A_0] : memref<2x1024xf32, #tpu.memory_space<vmem>>, vector<2x1024xf32>
    %reduce_sum3A = arith.constant dense<0.000000e+00> : vector<1024xf32>
    %reduce_sum3A_2 = vector.multi_reduction <add>, %get3A_1, %reduce_sum3A [0] : vector<2x1024xf32> to vector<1024xf32>
    %add3A = arith.constant 1.000000e+00 : f32
    %add3A_3 = vector.broadcast %add3A : f32 to vector<1024xf32>
    %add3A_4 = arith.addf %reduce_sum3A_2, %add3A_3 : vector<1024xf32>
    %rsqrt3A = math.rsqrt %add3A_4 : vector<1024xf32>
    %get3A_5 = arith.constant 0 : index
    %get3A_6 = arith.constant 0 : index
    %get3A_7 = arith.constant 0 : index
    %get3A_8 = vector.load %arg1[%get3A_5, %get3A_6, %get3A_7] : memref<2x1024x128xf32, #tpu.memory_space<vmem>>, vector<1x1024x128xf32>
    %get3A_9 = vector.shape_cast %get3A_8 : vector<1x1024x128xf32> to vector<1024x128xf32>
    %get3A_10 = arith.constant 1 : index
    %get3A_11 = arith.constant 0 : index
    %get3A_12 = arith.constant 0 : index
    %get3A_13 = vector.load %arg1[%get3A_10, %get3A_11, %get3A_12] : memref<2x1024x128xf32, #tpu.memory_space<vmem>>, vector<1x1024x128xf32>
    %get3A_14 = vector.shape_cast %get3A_13 : vector<1x1024x128xf32> to vector<1024x128xf32>
    %add3A_15 = arith.addf %get3A_9, %get3A_14 : vector<1024x128xf32>
    %get3A_16 = arith.constant 0 : index
    %get3A_17 = arith.constant 0 : index
    %get3A_18 = vector.load %arg2[%get3A_16, %get3A_17] : memref<1024x128xf32, #tpu.memory_space<vmem>>, vector<1024x128xf32>
    %add3A_19 = arith.addf %add3A_15, %get3A_18 : vector<1024x128xf32>
    %broadcast_in_dim3A = vector.shape_cast %rsqrt3A : vector<1024xf32> to vector<1024x1xf32>
    %mul3A = vector.broadcast %broadcast_in_dim3A : vector<1024x1xf32> to vector<1024x128xf32>
    %mul3A_20 = arith.mulf %add3A_19, %mul3A : vector<1024x128xf32>
    %get3A_21 = arith.constant 0 : index
    %get3A_22 = vector.load %arg4[%get3A_21] : memref<128xf32, #tpu.memory_space<vmem>>, vector<128xf32>
    %broadcast_in_dim3A_23 = vector.shape_cast %get3A_22 : vector<128xf32> to vector<1x128xf32>
    %add3A_24 = vector.broadcast %broadcast_in_dim3A_23 : vector<1x128xf32> to vector<1024x128xf32>
    %add3A_25 = arith.addf %mul3A_20, %add3A_24 : vector<1024x128xf32>
    %max3A = arith.constant 0.000000e+00 : f32
    %max3A_26 = vector.broadcast %max3A : f32 to vector<1024x128xf32>
    %max3A_27 = arith.maximumf %add3A_25, %max3A_26 : vector<1024x128xf32>
    %get3A_28 = arith.constant 0 : index
    %get3A_29 = arith.constant 0 : index
    %get3A_30 = vector.load %arg5[%get3A_28, %get3A_29] : memref<128x128xf32, #tpu.memory_space<vmem>>, vector<128x128xf32>
    %dot_general3A = arith.constant dense<0.000000e+00> : vector<1024x128xf32>
    %dot_general3A_31 = tpu.matmul %max3A_27, %get3A_30, %dot_general3A {dimension_numbers = #tpu.dot_dimension_numbers<[1], [0], [0], [1], [0, 0, 1, 1], [], []>, transpose_lhs_hint = false} : vector<1024x128xf32>, vector<128x128xf32>, vector<1024x128xf32> -> vector<1024x128xf32>
    %broadcast_in_dim3A_32 = vector.shape_cast %rsqrt3A : vector<1024xf32> to vector<1024x1xf32>
    %mul3A_33 = vector.broadcast %broadcast_in_dim3A_32 : vector<1024x1xf32> to vector<1024x128xf32>
    %mul3A_34 = arith.mulf %dot_general3A_31, %mul3A_33 : vector<1024x128xf32>
    %swap3A = arith.constant 0 : index
    %swap3A_35 = arith.constant 0 : index
    %swap3A_36 = vector.load %arg6[%swap3A, %swap3A_35] : memref<1024x128xf32, #tpu.memory_space<vmem>>, vector<1024x128xf32>
    tpu.vector_store %arg6[%swap3A, %swap3A_35], %mul3A_34 {strides = array<i32>} : memref<1024x128xf32, #tpu.memory_space<vmem>>, vector<1024x128xf32>,
    return
  }
  func.func @transform_0(%arg0: i32) -> (i32, i32, i32) {
    %c0_i32 = arith.constant 0 : i32
    %c0_i32_0 = arith.constant 0 : i32
    %c0_i32_1 = arith.constant 0 : i32
    return %c0_i32, %arg0, %c0_i32_0 : i32, i32, i32
  }
  func.func @transform_1(%arg0: i32) -> (i32, i32) {
    %c0_i32 = arith.constant 0 : i32
    %c0_i32_0 = arith.constant 0 : i32
    return %arg0, %c0_i32 : i32, i32
  }
  func.func @transform_2(%arg0: i32) -> (i32, i32) {
    %c0_i32 = arith.constant 0 : i32
    %c0_i32_0 = arith.constant 0 : i32
    return %c0_i32, %arg0 : i32, i32
  }
  func.func @transform_3(%arg0: i32) -> i32 {
    %c0_i32 = arith.constant 0 : i32
    %c0_i32_0 = arith.constant 0 : i32
    return %c0_i32 : i32
  }
  func.func @transform_4(%arg0: i32) -> (i32, i32) {
    %c0_i32 = arith.constant 0 : i32
    %c0_i32_0 = arith.constant 0 : i32
    %c0_i32_1 = arith.constant 0 : i32
    return %c0_i32, %c0_i32_0 : i32, i32
  }
  func.func @transform_5(%arg0: i32) -> (i32, i32) {
    %c0_i32 = arith.constant 0 : i32
    %c0_i32_0 = arith.constant 0 : i32
    return %arg0, %c0_i32 : i32, i32
  }
}

module attributes {stable_mosaic.version = 14 : i64} {
  func.func @_tc_c_body(%arg0: i32, %arg1: memref<2x1024x128xf32, #tpu.memory_space<vmem>>, %arg2: memref<1024x128xf32, #tpu.memory_space<vmem>>, %arg3: memref<2x1024xf32, #tpu.memory_space<vmem>>, %arg4: memref<128xf32, #tpu.memory_space<vmem>>, %arg5: memref<1024x128xf32, #tpu.memory_space<vmem>>) attributes {dimension_semantics = [#tpu.dimension_semantics<arbitrary>], iteration_bounds = array<i64: 10>, scalar_prefetch = 0 : i64, scratch_operands = 0 : i64, tpu.core_type = #tpu.core_type<tc>, window_params = [{transform_indices = @transform_0, window_bounds = array<i64: 2, 1024, 128>}, {transform_indices = @transform_1, window_bounds = array<i64: 1024, 128>}, {transform_indices = @transform_2, window_bounds = array<i64: 2, 1024>}, {pipeline_mode = #tpu.pipeline_mode<synchronous>, transform_indices = @transform_3, window_bounds = array<i64: 128>}, {transform_indices = @transform_4, window_bounds = array<i64: 1024, 128>}]} {
    %get3A = arith.constant 0 : index
    %get3A_0 = arith.constant 0 : index
    %get3A_1 = vector.load %arg3[%get3A, %get3A_0] : memref<2x1024xf32, #tpu.memory_space<vmem>>, vector<2x1024xf32>
    %reduce_sum3A = arith.constant dense<0.000000e+00> : vector<1024xf32>
    %reduce_sum3A_2 = vector.multi_reduction <add>, %get3A_1, %reduce_sum3A [0] : vector<2x1024xf32> to vector<1024xf32>
    %add3A = arith.constant 1.000000e+00 : f32
    %add3A_3 = vector.broadcast %add3A : f32 to vector<1024xf32>
    %add3A_4 = arith.addf %reduce_sum3A_2, %add3A_3 : vector<1024xf32>
    %rsqrt3A = math.rsqrt %add3A_4 : vector<1024xf32>
    %get3A_5 = arith.constant 0 : index
    %get3A_6 = arith.constant 0 : index
    %get3A_7 = arith.constant 0 : index
    %get3A_8 = vector.load %arg1[%get3A_5, %get3A_6, %get3A_7] : memref<2x1024x128xf32, #tpu.memory_space<vmem>>, vector<1x1024x128xf32>
    %get3A_9 = vector.shape_cast %get3A_8 : vector<1x1024x128xf32> to vector<1024x128xf32>
    %get3A_10 = arith.constant 1 : index
    %get3A_11 = arith.constant 0 : index
    %get3A_12 = arith.constant 0 : index
    %get3A_13 = vector.load %arg1[%get3A_10, %get3A_11, %get3A_12] : memref<2x1024x128xf32, #tpu.memory_space<vmem>>, vector<1x1024x128xf32>
    %get3A_14 = vector.shape_cast %get3A_13 : vector<1x1024x128xf32> to vector<1024x128xf32>
    %add3A_15 = arith.addf %get3A_9, %get3A_14 : vector<1024x128xf32>
    %get3A_16 = arith.constant 0 : index
    %get3A_17 = arith.constant 0 : index
    %get3A_18 = vector.load %arg2[%get3A_16, %get3A_17] : memref<1024x128xf32, #tpu.memory_space<vmem>>, vector<1024x128xf32>
    %add3A_19 = arith.addf %add3A_15, %get3A_18 : vector<1024x128xf32>
    %broadcast_in_dim3A = vector.shape_cast %rsqrt3A : vector<1024xf32> to vector<1024x1xf32>
    %mul3A = vector.broadcast %broadcast_in_dim3A : vector<1024x1xf32> to vector<1024x128xf32>
    %mul3A_20 = arith.mulf %add3A_19, %mul3A : vector<1024x128xf32>
    %get3A_21 = arith.constant 0 : index
    %get3A_22 = vector.load %arg4[%get3A_21] : memref<128xf32, #tpu.memory_space<vmem>>, vector<128xf32>
    %broadcast_in_dim3A_23 = vector.shape_cast %get3A_22 : vector<128xf32> to vector<1x128xf32>
    %add3A_24 = vector.broadcast %broadcast_in_dim3A_23 : vector<1x128xf32> to vector<1024x128xf32>
    %add3A_25 = arith.addf %mul3A_20, %add3A_24 : vector<1024x128xf32>
    %swap3A = arith.constant 0 : index
    %swap3A_26 = arith.constant 0 : index
    %swap3A_27 = vector.load %arg5[%swap3A, %swap3A_26] : memref<1024x128xf32, #tpu.memory_space<vmem>>, vector<1024x128xf32>
    tpu.vector_store %arg5[%swap3A, %swap3A_26], %add3A_25 {strides = array<i32>} : memref<1024x128xf32, #tpu.memory_space<vmem>>, vector<1024x128xf32>,
    return
  }
  func.func @transform_0(%arg0: i32) -> (i32, i32, i32) {
    %c0_i32 = arith.constant 0 : i32
    %c0_i32_0 = arith.constant 0 : i32
    %c0_i32_1 = arith.constant 0 : i32
    return %c0_i32, %arg0, %c0_i32_0 : i32, i32, i32
  }
  func.func @transform_1(%arg0: i32) -> (i32, i32) {
    %c0_i32 = arith.constant 0 : i32
    %c0_i32_0 = arith.constant 0 : i32
    return %arg0, %c0_i32 : i32, i32
  }
  func.func @transform_2(%arg0: i32) -> (i32, i32) {
    %c0_i32 = arith.constant 0 : i32
    %c0_i32_0 = arith.constant 0 : i32
    return %c0_i32, %arg0 : i32, i32
  }
  func.func @transform_3(%arg0: i32) -> i32 {
    %c0_i32 = arith.constant 0 : i32
    %c0_i32_0 = arith.constant 0 : i32
    return %c0_i32 : i32
  }
  func.func @transform_4(%arg0: i32) -> (i32, i32) {
    %c0_i32 = arith.constant 0 : i32
    %c0_i32_0 = arith.constant 0 : i32
    return %arg0, %c0_i32 : i32, i32
  }
}

</mosaic_0001>

<sc_bundles>
// kernel: _run.12.cloned.1.call-start
scs
__scs_entry_jumppad:
0x0: {  	(pc) =	sbr.rel $0x88, $3  }
0x1: {  	(tag) =	ssettag $0x0;
	lr =	simm.s32 $0x1  }
0x2: {  	[smem:$0x3F9B] =	sst lr;
	_ =	strace $0xD0000000  }
0x3: {  	_ = 	snop  }
0x4: {  	_ = 	snop  }
0x5: {  	_ = 	snop  }
0x6: {  	_ = 	snop  }
0x7: {  	_ = 	snop  }
__scs_overlays_trampoline_lowered:
0x8: {  	[smem:$0x3FAA] =	sst s0  }
0x9: {  	[smem:$0x3FAB] =	sst s1  }
0xa: {  	[smem:$0x3FAC] =	sst s2  }
0xb: {  	[smem:$0x3FAD] =	sst s3  }
0xc: {  	[smem:$0x3FAE] =	sst s4  }
0xd: {  	[smem:$0x3FAF] =	sst s5  }
0xe: {  	[smem:$0x3FB0] =	sst s6  }
0xf: {  	[smem:$0x3FB1] =	sst s7  }
0x10: {  	[smem:$0x3FB2] =	sst s8  }
0x11: {  	[smem:$0x3FB3] =	sst s9;
	s0 =	simm.s32 @!p0 $0x0  }
0x12: {  	s1 =	sld [smem:$0x3F99];
	s0 =	simm.s32 @p0 $0x1  }
0x13: {  	[smem:$0x3FB4] =	sst s0;
	s0 =	simm.s32 @!p1 $0x0  }
0x14: {  	s2 =	sld [smem:$0x3F98];
	s0 =	simm.s32 @p1 $0x1  }
0x15: {  	[smem:$0x3FB5] =	sst s0;
	s0 =	simm.s32 @!p2 $0x0  }
0x16: {  	s3 =	sld [smem:$0x3FDB];
	s0 =	simm.s32 @p2 $0x1  }
0x17: {  	s4 =	simm.s32 $0x1BF5;
	[smem:$0x3FB7] =	sst s0  }
0x18: {  	s0 =	sld [smem:$0x3F9A];
	_ =	swait.ge [sflag:s4], $0x0  }
0x19: {  	s7 =	sld [smem:$0x3F9B]  }
0x1a: {  	s8 =	sadd.s32 $0xFFFFE003, lr  }
0x1b: {  	s9 =	sadd.s32 $0xFFFFFEF7, lr;
	s5 =	simm.s32 $0xFFFFFFFF;
	p2 =	slt.u32 s8, $0xFFFFF086  }
0x1c: {  	p1 =	slt.u32 s9, $0xF7A;
	s5 =	simm.s32 @!p2 $0x0  }
0x1d: {  	s5 =	simm.s32 @p1 $0x1;
	p0 =	seq.s32 s7, s2  }
0x1e: {  	s7 =	smul.u32 @!p0 $0xF7A, s2;
	p2 =	seq.s32 @!p0 s5, $0x0  }
0x1f: {  	s9 =	smul.u32 $0xF7A, s1;
	s8 =	simm.s32 @!p0 $0x1BF5;
	p2 =	por !p2, p0  }
0x20: {  	[sflag:s8] =	ssyncset.s32 @!p0 $0xFFFFF086;
	s6 =	sadd.s32 @!p0 s3, s7;
	s7 =	simm.s32 @!p0 $0x108  }
0x21: {  	s3 =	sadd.s32 s3, s9;
	s6 =	sadd.s32 @!p0 $0x88, s6;
	s7 =	simm.s32 @p2 $0x1082  }
0x22: {  	[simem:s7], [sflag:s8] =	dma.local @!p0 [hbm:s6], $0xF7A  }
0x23: {  	s9 =	sor.u32 $0xD0000000, s2;
	s6 =	simm.s32 $0x108;
	_ =	swait.ge @!p0 [sflag:s8], $0x0  }
0x24: {  	s3 =	sadd.s32 $0x88, s3;
	s6 =	simm.s32 @!p1 $0x1082;
	[sflag:s4] =	ssyncset.s32 $0xFFFFF086  }
0x25: {  	[simem:s6], [sflag:s4] =	dma.local [hbm:s3], $0xF7A  }
0x26: {  	[smem:$0x3F9B] =	sst s1;
	(tag) =	ssettag s2;
	_ =	strace s9  }
0x27: {  	s1 =	sld [smem:$0x3FAB]  }
0x28: {  	s2 =	sld [smem:$0x3FAC]  }
0x29: {  	s4 =	sld [smem:$0x3FAE]  }
0x2a: {  	p0 =	seq.s32 s5, $0x0;
	s5 =	sld [smem:$0x3FAF]  }
0x2b: {  	s6 =	sld [smem:$0x3FB0]  }
0x2c: {  	s7 =	sld [smem:$0x3FB1]  }
0x2d: {  	s3 =	simm.s32 $0x108;
	s8 =	sld [smem:$0x3FB2]  }
0x2e: {  	s3 =	simm.s32 @!p0 $0x1082;
	s9 =	sld [smem:$0x3FB3]  }
0x2f: {  	lr =	sadd.s32 s0, s3;
	s0 =	sld [smem:$0x3FAA]  }
0x30: {  	s3 =	sld [smem:$0x3FAD]  }
0x31: {  	[smem:$0x3FB6] =	sst s10  }
0x32: {  	s10 =	sld [smem:$0x3FB4];
	_ =	sdelay $0x3  }
0x33: {  	p0 =	seq.s32 s10, $0x1;
	s10 =	sld [smem:$0x3FB6];
	_ =	sdelay $0x3  }
0x34: {  	[smem:$0x3FB6] =	sst s10  }
0x35: {  	s10 =	sld [smem:$0x3FB5];
	_ =	sdelay $0x3  }
0x36: {  	p1 =	seq.s32 s10, $0x1;
	s10 =	sld [smem:$0x3FB6];
	_ =	sdelay $0x3  }
0x37: {  	[smem:$0x3FB6] =	sst s10  }
0x38: {  	s10 =	sld [smem:$0x3FB7]  }
0x39: {  	_ = 	snop;
	(pc) =	sbr.ind lr, $3  }
0x3a: {  	_ = 	snop  }
0x3b: {  	_ = 	snop  }
0x3c: {  	p2 =	seq.s32 s10, $0x1;
	s10 =	sld [smem:$0x3FB6]  }
0x3d: {  	_ =	shalt  }
0x3e: {  	_ =	shalt  }
0x3f: {  	_ =	shalt  }
0x40: {  	_ =	shalt  }
0x41: {  	_ =	shalt  }
0x42: {  	_ =	shalt  }
0x43: {  	_ =	shalt  }
0x44: {  	_ =	shalt  }
0x45: {  	_ =	shalt  }
0x46: {  	_ =	shalt  }
0x47: {  	_ =	shalt  }
0x48: {  	_ =	shalt  }
0x49: {  	_ =	shalt  }
0x4a: {  	_ =	shalt  }
0x4b: {  	_ =	shalt  }
0x4c: {  	_ =	shalt  }
0x4d: {  	_ =	shalt  }
0x4e: {  	_ =	shalt  }
0x4f: {  	_ =	shalt  }
0x50: {  	_ =	shalt  }
0x51: {  	_ =	shalt  }
0x52: {  	_ =	shalt  }
0x53: {  	_ =	shalt  }
0x54: {  	_ =	shalt  }
0x55: {  	_ =	shalt  }
0x56: {  	_ =	shalt  }
0x57: {  	_ =	shalt  }
0x58: {  	_ =	shalt  }
0x59: {  	_ =	shalt  }
0x5a: {  	_ =	shalt  }
0x5b: {  	_ =	shalt  }
0x5c: {  	_ =	shalt  }
0x5d: {  	_ =	shalt  }
0x5e: {  	_ =	shalt  }
0x5f: {  	_ =	shalt  }
0x60: {  	_ =	shalt  }
0x61: {  	_ =	shalt  }
0x62: {  	_ =	shalt  }
0x63: {  	_ =	shalt  }
0x64: {  	_ =	shalt  }
0x65: {  	_ =	shalt  }
0x66: {  	_ =	shalt  }
0x67: {  	_ =	shalt  }
0x68: {  	_ =	shalt  }
0x69: {  	_ =	shalt  }
0x6a: {  	_ =	shalt  }
0x6b: {  	_ =	shalt  }
0x6c: {  	_ =	shalt  }
0x6d: {  	_ =	shalt  }
0x6e: {  	_ =	shalt  }
0x6f: {  	_ =	shalt  }
0x70: {  	_ =	shalt  }
0x71: {  	_ =	shalt  }
0x72: {  	_ =	shalt  }
0x73: {  	_ =	shalt  }
0x74: {  	_ =	shalt  }
0x75: {  	_ =	shalt  }
0x76: {  	_ =	shalt  }
0x77: {  	_ =	shalt  }
0x78: {  	_ =	shalt  }
0x79: {  	_ =	shalt  }
0x7a: {  	_ =	shalt  }
0x7b: {  	_ =	shalt  }
0x7c: {  	_ =	shalt  }
0x7d: {  	_ =	shalt  }
0x7e: {  	_ =	shalt  }
0x7f: {  	_ =	shalt  }
0x80: {  	_ =	shalt  }
0x81: {  	_ =	shalt  }
0x82: {  	_ =	shalt  }
0x83: {  	_ =	shalt  }
0x84: {  	_ =	shalt  }
0x85: {  	_ =	shalt  }
0x86: {  	_ =	shalt  }
0x87: {  	_ =	shalt  }
.Lfunc_end0:
.L_simem_size_0:
called_computation.1_lowered:
.L_overlay_start_0:
0x88: {  	s2 =	sld [smem:$0x3FD9]  }
0x89: {  	s3 =	sld [smem:$0x3FFE];
	_ =	sdelay $0x1  }
0x8a: {  	s1 =	srdreg.scid  }
0x8b: {  	s0 =	sand.u32 $0x1, s1  }
0x8c: {  	s17 =	sshll.u32 s0, $0xA;
	s2 =	sadd.s32 s3, s2  }
0x8d: {  	s2 =	sadd.s32 s2, s17  }
0x8e: {  	[smem:$0x3FC2] =	sst s2  }
0x8f: {  	_ = 	snop  }
0x90: {  	s2 =	sld [smem:$0x3FD0];
	(tm) =	ssettm $0x1  }
0x91: {  	s18 =	sld [smem:$0x3FFB];
	_ =	sdelay $0x3  }
0x92: {  	_ =	strace s18  }
0x93: {  	s3 =	sld [smem:$0x3FFC];
	_ =	sdelay $0x3  }
0x94: {  	_ =	strace s3  }
0x95: {  	s3 =	sld [smem:$0x3FFD];
	_ =	sdelay $0x3  }
0x96: {  	_ =	strace s3  }
0x97: {  	_ =	strace $0x8FFFFFFF  }
0x98: {  	s19 =	sld [smem:$0x3FDB];
	_ =	sdelay $0x1  }
0x99: {  	s4 =	simm.s32 $_scs_section_size  }
0x9a: {  	s5 =	simm.s32 $_size__tile_overlayer_lowered;
	s6 =	simm.s32 $_tile_overlayer_lowered  }
0x9b: {  	s22 =	simm.s32 $0x1BFF;
	s21 =	sshll.u32 s6, $0x1;
	s3 =	sadd.s32 s4, s19  }
0x9c: {  	s7 =	simm.s32 $0x0;
	s20 =	sshll.u32 s5, $0x1;
	s5 =	sadd.s32 s21, s3  }
0x9d: {  	[timem:s7], [sflag:s22] =	dma.local [hbm:s5], s20  }
0x9e: {  	_ =	swait.ge [sflag:s22], s20  }
0x9f: {  	s4 =	ssub.s32 $0x0, s20;
	[sflag:s22] =	ssyncset.done $0x0  }
0xa0: {  	[sflag:s22] =	ssyncadd.s32 s4;
	_ =	sdelay $0x1  }
0xa1: {  	s23 =	simm.s32 $0x1B8B  }
0xa2: {  	_ =	swait.ge [sflag:s23], $0x1  }
0xa3: {  	[sflag:s23] =	ssyncset.done $0x0  }
0xa4: {  	s25 =	simm.s32 $0x1B8E;
	s24 =	sld [smem:$0x3FFE];
	[sflag:s23] =	ssyncadd.s32 $0xFFFFFFFF  }
0xa5: {  	s26 =	simm.s32 $execute0_lowered;
	[smem:$0x3FD2] =	sst s25  }
0xa6: {  	s5 =	sshll.u32 s26, $0x1;
	_ =	strace $0x80000049;
	[dreg:$0x1] =	wrdreg $0xFFFFFFFF  }
0xa7: {  	s28 =	simm.s32 $_size_execute0_lowered;
	s3 =	sadd.s32 s3, s5;
	[dreg:$0x0] =	wrdreg $0x0  }
0xa8: {  	s5 =	sshll.u32 s28, $0x1;
	[dreg:$0x2] =	wrdreg s3  }
0xa9: {  	[dreg:$0x3] =	wrdreg s5  }
0xaa: {  	[dreg:$0x4] =	wrdreg $0xC0  }
0xab: {  	_ =	task [dreg:s7], $0x5FFFF  }
0xac: {  	[dreg:$0x1] =	wrdreg $0xFFFFFFFF  }
0xad: {  	[dreg:$0x0] =	wrdreg $0x60  }
0xae: {  	[dreg:$0x2] =	wrdreg s24  }
0xaf: {  	[dreg:$0x3] =	wrdreg s2  }
0xb0: {  	[dreg:$0x4] =	wrdreg $0x8A000  }
0xb1: {  	[dreg:$0x5] =	wrdreg $0x9  }
0xb2: {  	_ =	task.clear_ibuf [dreg:s7], $0x6FFFF;
	_ =	strace $0x90000049  }
0xb3: {  	s29 =	simm.s32 $0x9;
	_ =	strace $0x8000004B  }
0xb4: {  	_ =	swait.ge [sflag:s29], $0x1  }
0xb5: {  	[sflag:s29] =	ssyncadd.s32 $0xFFFFFFFF  }
0xb6: {  	_ =	strace $0x9000004B  }
0xb7: {  	_ =	sfence  }
0xb8: {  	s30 =	sld [smem:$0x0];
	_ =	sdelay $0x2  }
0xb9: {  	s31 =	sshll.u32 s1, $0xD;
	s1 =	sshrl.u32 s1, $0x2  }
0xba: {  	s3 =	sand.u32 $0x4000, s31;
	s1 =	sadd.s32 s1, s30  }
0xbb: {  	s0 =	sor.u32 s3, s0;
	s1 =	sshll.u32 s1, $0x11  }
0xbc: {  	s0 =	sor.u32 s1, s0  }
0xbd: {  	s0 =	sadd.s32 $0x8F2B, s0  }
0xbe: {  	[sflag:s0] =	ssyncadd.remote.s32 $0x1  }
0xbf: {  	_ =	sfence.sel $0xFFFF  }
0xc0: {  	[dreg:$0x0] =	wrdreg $0xFFFFFFFF;
	(pc) =	sbr.abs _section_cstart, $3  }
0xc1: {  	[dreg:$0x1] =	wrdreg $0xFFFFFFFF  }
0xc2: {  	_ =	task.clear_ibuf [dreg:s7], $0x2FFFF;
	_ =	strace $0x9FFFFFFF  }
0xc3: {  	(tm) =	ssettm $0x7FFFFFFF  }
tec
execute0_lowered:
.L_overlay_start_1:
0x0: {  	(tag) =	ssettag $0x1  }
0x1: {  	s0 =	rddreg [dreg:$0x0]  }
0x2: {  	s1 =	rddreg [dreg:$0x1];
	s11 =	stileid.u32  }
0x3: {  	s2 =	rddreg [dreg:$0x2];
	s5 =	smul.u32 $0x94, s11  }
0x4: {  	s4 =	srdreg.scid;
	s25 =	smul.u32 $0xC, s11  }
0x5: {  	s3 =	simm.s32 $0x0;
	s6 =	sand.u32 $0x1, s4;
	s9 =	smul.u32 $0x14000, s11  }
0x6: {  	[smem:$0x7FF] =	sst s3;
	s4 =	sadd.s32 $0xCC00, s0;
	s11 =	smul.u32 $0x50000, s11  }
0x7: {  	s7 =	smul.u32 $0x140000, s6;
	p0 =	seq.s32 s6, $0x0;
	s6 =	ssub.s32 $0x2, s6  }
0x8: {  	_ =	strace $0x8000004A;
	s8 =	sadd.s32 $0x940, s25;
	s10 =	sshrl.u32 s6, $0x1  }
0x9: {  	s8 =	smov.u32 @p0 s5;
	s26 =	sadd.s32 s9, s7;
	s6 =	ssub.s32 s6, s10  }
0xa: {  	s10 =	sshrl.u32 s11, $0x2;
	s8 =	sshll.u32 s8, $0x4;
	s9 =	sshrl.u32 s26, $0x3  }
0xb: {  	s12 =	smax.u32 s6, $0x1;
	s7 =	sadd.s32 s8, s0;
	s0 =	sadd.s32 s9, s0  }
0xc: {  	s9 =	sadd.s32 s1, s8;
	[dreg:$0x6] =	wrdreg s12;
	s28 =	sadd.s32 $0x2C00, s7  }
0xd: {  	s8 =	sadd.s32 s10, s2;
	s0 =	sadd.s32 $0x34C00, s0;
	[dreg:$0x4] =	wrdreg s28  }
0xe: {  	s13 =	sadd.s32 $0x800, s8;
	[dreg:$0x5] =	wrdreg s0  }
0xf: {  	s14 =	sadd.s32 $0x1000, s8;
	[dreg:$0x7] =	wrdreg s13  }
0x10: {  	s15 =	sadd.s32 $0x1800, s8;
	[dreg:$0x8] =	wrdreg s14  }
0x11: {  	s16 =	sadd.s32 $0x2000, s8;
	[dreg:$0x9] =	wrdreg s15  }
0x12: {  	s17 =	sadd.s32 $0x2800, s8;
	[dreg:$0xa] =	wrdreg s16  }
0x13: {  	s18 =	sadd.s32 $0x3000, s8;
	[dreg:$0xb] =	wrdreg s17  }
0x14: {  	s19 =	sadd.s32 $0x3800, s8;
	[dreg:$0xc] =	wrdreg s18  }
0x15: {  	s20 =	sadd.s32 $0x4000, s8;
	[dreg:$0xd] =	wrdreg s19  }
0x16: {  	s21 =	sadd.s32 $0x4800, s8;
	[dreg:$0xe] =	wrdreg s20  }
0x17: {  	s22 =	sadd.s32 $0x5000, s8;
	[dreg:$0xf] =	wrdreg s21  }
0x18: {  	s5 =	simm.s32 $0x94;
	s23 =	sadd.s32 $0x5800, s8;
	[dreg:$0x10] =	wrdreg s22  }
0x19: {  	s5 =	simm.s32 @!p0 $0xC;
	s24 =	sadd.s32 $0x6000, s8;
	[dreg:$0x11] =	wrdreg s23  }
0x1a: {  	s11 =	sshrl.u32 s5, $0x1;
	s25 =	sadd.s32 $0x6800, s8;
	[dreg:$0x12] =	wrdreg s24  }
0x1b: {  	s26 =	sadd.s32 $0xFFFFFFFF, s11;
	[dreg:$0x13] =	wrdreg s25  }
0x1c: {  	s1 =	sadd.s32 $0x7800, s8;
	[dreg:$0x14] =	wrdreg s26  }
0x1d: {  	s6 =	sadd.s32 $0x8000, s8;
	[dreg:$0x16] =	wrdreg s1  }
0x1e: {  	s10 =	sadd.s32 $0x9000, s8;
	[dreg:$0x17] =	wrdreg s6  }
0x1f: {  	s11 =	sadd.s32 $0x9800, s8;
	[dreg:$0x19] =	wrdreg s10  }
0x20: {  	s12 =	sadd.s32 $0xA000, s8;
	[dreg:$0x1a] =	wrdreg s11  }
0x21: {  	s28 =	sadd.s32 $0x7000, s8;
	[dreg:$0x1b] =	wrdreg s12  }
0x22: {  	s16 =	sadd.s32 $0x2C20, s7;
	s7 =	sadd.s32 $0x8800, s8;
	[dreg:$0x15] =	wrdreg s28  }
0x23: {  	s13 =	sadd.s32 $0xA800, s8;
	[dreg:$0x18] =	wrdreg s7  }
0x24: {  	s14 =	sadd.s32 $0xB000, s8;
	[dreg:$0x1c] =	wrdreg s13  }
0x25: {  	s15 =	sadd.s32 $0xB800, s8;
	[dreg:$0x1d] =	wrdreg s14  }
0x26: {  	s17 =	sadd.s32 $0xC000, s8;
	[dreg:$0x1e] =	wrdreg s15  }
0x27: {  	s29 =	simm.s32 $0x4;
	s18 =	sadd.s32 $0xC800, s8;
	[dreg:$0x1f] =	wrdreg s17  }
0x28: {  	s30 =	simm.s32 $0x100;
	s19 =	sadd.s32 $0xD000, s8;
	[smem:$0x7F4] =	sst s18  }
0x29: {  	s31 =	simm.s32 $0x80;
	s20 =	sadd.s32 $0xD800, s8;
	[smem:$0x7F5] =	sst s19  }
0x2a: {  	s21 =	sadd.s32 $0xE000, s8;
	s22 =	sadd.s32 $0xE800, s8;
	[smem:$0x7F6] =	sst s20  }
0x2b: {  	s23 =	sadd.s32 $0xF000, s8;
	s24 =	sadd.s32 $0xF800, s8;
	[smem:$0x7F7] =	sst s21  }
0x2c: {  	s25 =	sadd.s32 $0x10000, s8;
	s26 =	sadd.s32 $0x10800, s8;
	[smem:$0x7F8] =	sst s22  }
0x2d: {  	s0 =	simm.s32 $0x200;
	s1 =	simm.s32 $0x8200;
	[smem:$0x7F9] =	sst s23  }
0x2e: {  	s6 =	simm.s32 $0x3;
	s10 =	simm.s32 $0x4200;
	[smem:$0x7FA] =	sst s24  }
0x2f: {  	s11 =	simm.s32 $0x1;
	s12 =	simm.s32 $0x2;
	[smem:$0x7FB] =	sst s25  }
0x30: {  	[smem:$0x7FC] =	sst s26;
	s28 =	sadd.s32 $0x11000, s8;
	s21 =	sadd.s32 $0x11800, s8  }
0x31: {  	s22 =	sadd.s32 $0x12000, s8;
	s23 =	sadd.s32 $0x12800, s8;
	s24 =	sadd.s32 $0x13000, s8  }
0x32: {  	s26 =	sadd.s32 $0x13800, s8;
	s20 =	smov.u32 s9;
	s15 =	sadd.s32 $0x20, s9  }
0x33: {  	v0 =	vimm.f32 $0.0e+00;
	s9 =	simm.s32 $0x180;
	s13 =	simm.s32 $0x0;
	[smem:$0x7FD] =	sst s28  }
.LBB2_1:
0x34: {  	s7 =	rddreg [dreg:$0x4]  }
0x35: {  	[tilespmem:s3], [sflag:$0x4] =	stream.linear.gather [hbm4b:s7+s3], $0x80, $0x38;
	[tilespmem:$0x1CA00] =	vst v63  }
0x36: {  	_ =	swait.ge [sflag:s29], $0x80  }
0x37: {  	[sflag:s29] =	ssyncset.done $0x0  }
0x38: {  	[sflag:s29] =	ssyncadd.s32 $0xFFFFFF80  }
0x39: {  	[tilespmem:s30], [sflag:$0x4] =	stream.linear.gather [hbm4b:s20+s3], $0x80, $0x38;
	[tilespmem:$0x1CA00] =	vst v63  }
0x3a: {  	s14 =	sand.u32 $0x1E00, s3;
	s17 =	sand.u32 $0x70, s3;
	_ =	swait.ge [sflag:s29], $0x80  }
0x3b: {  	s25 =	sshrl.u32 s14, $0x2;
	s14 =	simm.s32 $0x40;
	[sflag:s29] =	ssyncset.done $0x0  }
0x3c: {  	s25 =	sor.u32 s17, s25;
	s17 =	simm.s32 $0x0;
	[sflag:s29] =	ssyncadd.s32 $0xFFFFFF80  }
0x3d: {  	[tilespmem:s0], [sflag:$0x1] =	stream.indirect.gather [hbm4b:s4+s31], $0x80, s3, s31, $0xb8;
	[tilespmem:$0x1CA00] =	vst v63  }
.LBB2_2:
0x3e: {  	p0 =	sne.s32 s14, $0x1FC0  }
0x3f: {  	[tilespmem:s25+$0x8200] =	vst v0;
	s17 =	sadd.s32 $0x10, s17;
	s25 =	smov.u32 s14;
	s14 =	sadd.s32 $0x40, s14  }
.Ltmp0:
0x40: {  	(pc) =	sbr.rel @p0 .LBB2_2-.Ltmp0, $4  }
0x41: {  	_ = 	snop  }
0x42: {  	s25 =	sand.u32 $0x1E00, s25  }
0x43: {  	s28 =	sand.u32 $0x70, s17;
	s25 =	sshrl.u32 s25, $0x2  }
0x44: {  	s25 =	sor.u32 s28, s25  }
0x45: {  	[tilespmem:s25+$0x8200] =	vst v0;
	s7 =	rddreg [dreg:$0x7]  }
0x46: {  	[spmem:s8] =	stream.linear.scatter [tilespmem:s1], [sflag:$0x3], $0x800, $0x38;
	[tilespmem:$0x1CA00] =	vst v63  }
0x47: {  	s19 =	rddreg [dreg:$0x8]  }
0x48: {  	[spmem:s7] =	stream.linear.scatter [tilespmem:s1], [sflag:$0x3], $0x800, $0x38;
	[tilespmem:$0x1CA00] =	vst v63  }
0x49: {  	s25 =	rddreg [dreg:$0x9]  }
0x4a: {  	[spmem:s19] =	stream.linear.scatter [tilespmem:s1], [sflag:$0x3], $0x800, $0x38;
	[tilespmem:$0x1CA00] =	vst v63  }
0x4b: {  	s28 =	rddreg [dreg:$0xa]  }
0x4c: {  	[spmem:s25] =	stream.linear.scatter [tilespmem:s1], [sflag:$0x3], $0x800, $0x38;
	[tilespmem:$0x1CA00] =	vst v63  }
0x4d: {  	s14 =	rddreg [dreg:$0xb]  }
0x4e: {  	[spmem:s28] =	stream.linear.scatter [tilespmem:s1], [sflag:$0x3], $0x800, $0x38;
	[tilespmem:$0x1CA00] =	vst v63  }
0x4f: {  	s17 =	rddreg [dreg:$0xc]  }
0x50: {  	[spmem:s14] =	stream.linear.scatter [tilespmem:s1], [sflag:$0x3], $0x800, $0x38;
	[tilespmem:$0x1CA00] =	vst v63  }
0x51: {  	s18 =	rddreg [dreg:$0xd]  }
0x52: {  	[spmem:s17] =	stream.linear.scatter [tilespmem:s1], [sflag:$0x3], $0x800, $0x38;
	[tilespmem:$0x1CA00] =	vst v63  }
0x53: {  	s19 =	rddreg [dreg:$0xe]  }
0x54: {  	[spmem:s18] =	stream.linear.scatter [tilespmem:s1], [sflag:$0x3], $0x800, $0x38;
	[tilespmem:$0x1CA00] =	vst v63  }
0x55: {  	s25 =	rddreg [dreg:$0xf]  }
0x56: {  	[spmem:s19] =	stream.linear.scatter [tilespmem:s1], [sflag:$0x3], $0x800, $0x38;
	[tilespmem:$0x1CA00] =	vst v63  }
0x57: {  	s28 =	rddreg [dreg:$0x10]  }
0x58: {  	[spmem:s25] =	stream.linear.scatter [tilespmem:s1], [sflag:$0x3], $0x800, $0x38;
	[tilespmem:$0x1CA00] =	vst v63  }
0x59: {  	s14 =	rddreg [dreg:$0x11]  }
0x5a: {  	[spmem:s28] =	stream.linear.scatter [tilespmem:s1], [sflag:$0x3], $0x800, $0x38;
	[tilespmem:$0x1CA00] =	vst v63  }
0x5b: {  	s17 =	rddreg [dreg:$0x12]  }
0x5c: {  	[spmem:s14] =	stream.linear.scatter [tilespmem:s1], [sflag:$0x3], $0x800, $0x38;
	[tilespmem:$0x1CA00] =	vst v63  }
0x5d: {  	s18 =	rddreg [dreg:$0x13]  }
0x5e: {  	[spmem:s17] =	stream.linear.scatter [tilespmem:s1], [sflag:$0x3], $0x800, $0x38;
	[tilespmem:$0x1CA00] =	vst v63  }
0x5f: {  	s19 =	rddreg [dreg:$0x15]  }
0x60: {  	[spmem:s18] =	stream.linear.scatter [tilespmem:s1], [sflag:$0x3], $0x800, $0x38;
	[tilespmem:$0x1CA00] =	vst v63  }
0x61: {  	s25 =	rddreg [dreg:$0x16]  }
0x62: {  	[spmem:s19] =	stream.linear.scatter [tilespmem:s1], [sflag:$0x3], $0x800, $0x38;
	[tilespmem:$0x1CA00] =	vst v63  }
0x63: {  	s28 =	rddreg [dreg:$0x17]  }
0x64: {  	[spmem:s25] =	stream.linear.scatter [tilespmem:s1], [sflag:$0x3], $0x800, $0x38;
	[tilespmem:$0x1CA00] =	vst v63  }
0x65: {  	s14 =	rddreg [dreg:$0x18]  }
0x66: {  	[spmem:s28] =	stream.linear.scatter [tilespmem:s1], [sflag:$0x3], $0x800, $0x38;
	[tilespmem:$0x1CA00] =	vst v63  }
0x67: {  	s17 =	rddreg [dreg:$0x19]  }
0x68: {  	[spmem:s14] =	stream.linear.scatter [tilespmem:s1], [sflag:$0x3], $0x800, $0x38;
	[tilespmem:$0x1CA00] =	vst v63  }
0x69: {  	s18 =	rddreg [dreg:$0x1a]  }
0x6a: {  	[spmem:s17] =	stream.linear.scatter [tilespmem:s1], [sflag:$0x3], $0x800, $0x38;
	[tilespmem:$0x1CA00] =	vst v63  }
0x6b: {  	s19 =	rddreg [dreg:$0x1b]  }
0x6c: {  	[spmem:s18] =	stream.linear.scatter [tilespmem:s1], [sflag:$0x3], $0x800, $0x38;
	[tilespmem:$0x1CA00] =	vst v63  }
0x6d: {  	s25 =	rddreg [dreg:$0x1c]  }
0x6e: {  	[spmem:s19] =	stream.linear.scatter [tilespmem:s1], [sflag:$0x3], $0x800, $0x38;
	[tilespmem:$0x1CA00] =	vst v63  }
0x6f: {  	s28 =	rddreg [dreg:$0x1d]  }
0x70: {  	[spmem:s25] =	stream.linear.scatter [tilespmem:s1], [sflag:$0x3], $0x800, $0x38;
	[tilespmem:$0x1CA00] =	vst v63  }
0x71: {  	s14 =	rddreg [dreg:$0x1e]  }
0x72: {  	[spmem:s28] =	stream.linear.scatter [tilespmem:s1], [sflag:$0x3], $0x800, $0x38;
	[tilespmem:$0x1CA00] =	vst v63  }
0x73: {  	s17 =	rddreg [dreg:$0x1f]  }
0x74: {  	[spmem:s14] =	stream.linear.scatter [tilespmem:s1], [sflag:$0x3], $0x800, $0x38;
	[tilespmem:$0x1CA00] =	vst v63  }
0x75: {  	s18 =	sld [smem:$0x7F4]  }
0x76: {  	[spmem:s17] =	stream.linear.scatter [tilespmem:s1], [sflag:$0x3], $0x800, $0x38;
	[tilespmem:$0x1CA00] =	vst v63  }
0x77: {  	s19 =	sld [smem:$0x7F5]  }
0x78: {  	[spmem:s18] =	stream.linear.scatter [tilespmem:s1], [sflag:$0x3], $0x800, $0x38;
	[tilespmem:$0x1CA00] =	vst v63  }
0x79: {  	s25 =	sld [smem:$0x7F6]  }
0x7a: {  	[spmem:s19] =	stream.linear.scatter [tilespmem:s1], [sflag:$0x3], $0x800, $0x38;
	[tilespmem:$0x1CA00] =	vst v63  }
0x7b: {  	s28 =	sld [smem:$0x7F7]  }
0x7c: {  	[spmem:s25] =	stream.linear.scatter [tilespmem:s1], [sflag:$0x3], $0x800, $0x38;
	[tilespmem:$0x1CA00] =	vst v63  }
0x7d: {  	s14 =	sld [smem:$0x7F8]  }
0x7e: {  	[spmem:s28] =	stream.linear.scatter [tilespmem:s1], [sflag:$0x3], $0x800, $0x38;
	[tilespmem:$0x1CA00] =	vst v63  }
0x7f: {  	s17 =	sld [smem:$0x7F9]  }
0x80: {  	[spmem:s14] =	stream.linear.scatter [tilespmem:s1], [sflag:$0x3], $0x800, $0x38;
	[tilespmem:$0x1CA00] =	vst v63  }
0x81: {  	s18 =	sld [smem:$0x7FA]  }
0x82: {  	[spmem:s17] =	stream.linear.scatter [tilespmem:s1], [sflag:$0x3], $0x800, $0x38;
	[tilespmem:$0x1CA00] =	vst v63  }
0x83: {  	s19 =	sld [smem:$0x7FB]  }
0x84: {  	[spmem:s18] =	stream.linear.scatter [tilespmem:s1], [sflag:$0x3], $0x800, $0x38;
	[tilespmem:$0x1CA00] =	vst v63  }
0x85: {  	s25 =	sld [smem:$0x7FC]  }
0x86: {  	[spmem:s19] =	stream.linear.scatter [tilespmem:s1], [sflag:$0x3], $0x800, $0x38;
	[tilespmem:$0x1CA00] =	vst v63  }
0x87: {  	s28 =	sld [smem:$0x7FD]  }
0x88: {  	[spmem:s25] =	stream.linear.scatter [tilespmem:s1], [sflag:$0x3], $0x800, $0x38;
	[tilespmem:$0x1CA00] =	vst v63  }
0x89: {  	_ = 	snop  }
0x8a: {  	[spmem:s28] =	stream.linear.scatter [tilespmem:s1], [sflag:$0x3], $0x800, $0x38;
	[tilespmem:$0x1CA00] =	vst v63  }
0x8b: {  	_ = 	snop  }
0x8c: {  	[spmem:s21] =	stream.linear.scatter [tilespmem:s1], [sflag:$0x3], $0x800, $0x38;
	[tilespmem:$0x1CA00] =	vst v63  }
0x8d: {  	_ = 	snop  }
0x8e: {  	[spmem:s22] =	stream.linear.scatter [tilespmem:s1], [sflag:$0x3], $0x800, $0x38;
	[tilespmem:$0x1CA00] =	vst v63  }
0x8f: {  	_ = 	snop  }
0x90: {  	[spmem:s23] =	stream.linear.scatter [tilespmem:s1], [sflag:$0x3], $0x800, $0x38;
	[tilespmem:$0x1CA00] =	vst v63  }
0x91: {  	_ = 	snop  }
0x92: {  	[spmem:s24] =	stream.linear.scatter [tilespmem:s1], [sflag:$0x3], $0x800, $0x38;
	[tilespmem:$0x1CA00] =	vst v63  }
0x93: {  	_ = 	snop  }
0x94: {  	[spmem:s26] =	stream.linear.scatter [tilespmem:s1], [sflag:$0x3], $0x800, $0x38;
	[tilespmem:$0x1CA00] =	vst v63  }
0x95: {  	_ =	swait.ge [sflag:s6], $0x800  }
0x96: {  	s14 =	simm.s32 $0x27;
	[sflag:s6] =	ssyncset.done $0x0  }
.LBB2_4:
0x97: {  	p0 =	sne.s32 s14, $0x1;
	s14 =	sadd.s32 $0xFFFFFFFF, s14;
	[sflag:s6] =	ssyncadd.s32 $0xFFFFF800  }
.Ltmp1:
0x98: {  	(pc) =	sbr.rel @p0 .LBB2_4-.Ltmp1, $3  }
0x99: {  	_ =	sdelay $0x1  }
0x9a: {  	_ =	swait.ge [sflag:s6], $0x800  }
0x9b: {  	[sflag:s6] =	ssyncset.done $0x0  }
0x9c: {  	s7 =	rddreg [dreg:$0x14]  }
0x9d: {  	s17 =	sadd.s32 $0xFFFFFFFF, s7  }
0x9e: {  	p1 =	sne.s32 s17, $0x0  }
.Ltmp2:
0x9f: {  	_ = 	snop;
	(pc) =	sbr.rel @!p1 .LBB2_8-.Ltmp2, $4  }
0xa0: {  	_ = 	snop  }
0xa1: {  	[sflag:s6] =	ssyncadd.s32 $0xFFFFF800  }
0xa2: {  	s14 =	simm.s32 $0x2;
	[bflag:$0x0] =	sbarrier.arrive $0xFFFF  }
0xa3: {  	p0 =	por $0x0, $0x0;
	s25 =	smov.u32 s16;
	s28 =	smov.u32 s15  }
0xa4: {  	s14 =	sadd.s32 $0xFFFFFFF0, s16  }
0xa5: {  	[tilespmem:s31], [sflag:$0x4] =	stream.linear.gather [hbm4b:s14+s3], $0x80, $0x38;
	[tilespmem:$0x1CA00] =	vst v63  }
0xa6: {  	_ =	swait.ge [sflag:s29], $0x80  }
0xa7: {  	[sflag:s29] =	ssyncset.done $0x0  }
0xa8: {  	s25 =	sadd.s32 $0xFFFFFFF0, s15;
	[sflag:s29] =	ssyncadd.s32 $0xFFFFFF80  }
0xa9: {  	[tilespmem:s9], [sflag:$0x4] =	stream.linear.gather [hbm4b:s25+s3], $0x80, $0x38;
	[tilespmem:$0x1CA00] =	vst v63  }
0xaa: {  	_ =	swait.ge [sflag:s29], $0x80  }
0xab: {  	[sflag:s29] =	ssyncset.done $0x0  }
0xac: {  	[sflag:s29] =	ssyncadd.s32 $0xFFFFFF80  }
0xad: {  	[tilespmem:s10], [sflag:$0x2] =	stream.indirect.gather [hbm4b:s4+s31], $0x80, s31, s31, $0xb8;
	[tilespmem:$0x1CA00] =	vst v63  }
0xae: {  	_ =	swait.ge [sflag:s11], $0x4000  }
0xaf: {  	[sflag:s11] =	ssyncset.done $0x0  }
0xb0: {  	[sflag:s11] =	ssyncadd.s32 $0xFFFFC000  }
0xb1: {  	[spmem:s2] =	stream.indirect.scatter.add.f32 [tilespmem:s0], [sflag:$0x4], $0x80, s30, s31, $0xb8;
	[tilespmem:$0x1CA00] =	vst v63  }
0xb2: {  	_ =	swait.ge [sflag:s29], $0x4000  }
0xb3: {  	p0 =	sle.u32 s5, $0x2;
	[sflag:s29] =	ssyncset.done $0x0  }
0xb4: {  	s14 =	simm.s32 @!p0 $0x0;
	s25 =	simm.s32 @!p0 $0x4;
	[sflag:s29] =	ssyncadd.s32 $0xFFFFC000  }
0xb5: {  	[tilespmem:s14], [sflag:$0x4] =	stream.linear.gather @!p0 [hbm4b:s16+s14], $0x80, $0x38;
	[tilespmem:$0x1CA00] =	vst v63  }
0xb6: {  	_ =	swait.ge @!p0 [sflag:s25], $0x80  }
0xb7: {  	[sflag:s25] =	ssyncset.done @!p0 $0x0  }
0xb8: {  	s28 =	simm.s32 @!p0 $0x100;
	[sflag:s25] =	ssyncadd.s32 @!p0 $0xFFFFFF80  }
0xb9: {  	[tilespmem:s28], [sflag:$0x4] =	stream.linear.gather @!p0 [hbm4b:s15+s14], $0x80, $0x38;
	[tilespmem:$0x1CA00] =	vst v63  }
0xba: {  	_ =	swait.ge @!p0 [sflag:s25], $0x80  }
0xbb: {  	s17 =	sadd.s32 $0xFFFFFFFF, s17;
	[sflag:s25] =	ssyncset.done @!p0 $0x0  }
0xbc: {  	s28 =	simm.s32 @!p0 $0x200;
	[sflag:s25] =	ssyncadd.s32 @!p0 $0xFFFFFF80;
	s25 =	simm.s32 @!p0 $0x80  }
0xbd: {  	[tilespmem:s28], [sflag:$0x1] =	stream.indirect.gather @!p0 [hbm4b:s4+s25], $0x80, s14, s25, $0xb8;
	[tilespmem:$0x1CA00] =	vst v63  }
0xbe: {  	p1 =	sne.s32 s17, $0x0;
	_ =	swait.ge [sflag:s12], $0x4000  }
.Ltmp3:
0xbf: {  	[sflag:s12] =	ssyncset.done $0x0;
	(pc) =	sbr.rel @!p1 .LBB2_8-.Ltmp3, $4  }
0xc0: {  	[sflag:s12] =	ssyncadd.s32 $0xFFFFC000  }
0xc1: {  	[spmem:s2] =	stream.indirect.scatter.add.f32 [tilespmem:s10], [sflag:$0x4], $0x80, s9, s31, $0xb8;
	[tilespmem:$0x1CA00] =	vst v63  }
0xc2: {  	s14 =	simm.s32 $0x4;
	s28 =	sadd.s32 $0x20, s15;
	_ =	swait.ge [sflag:s29], $0x4000  }
0xc3: {  	s25 =	sadd.s32 $0x20, s16;
	p0 =	por $0x1, $0x1;
	[sflag:s29] =	ssyncset.done $0x0  }
.LBB2_7:
0xc4: {  	s17 =	sadd.s32 $0xFFFFFFFF, s17;
	s7 =	sadd.s32 $0xFFFFFFF0, s25;
	[sflag:s29] =	ssyncadd.s32 $0xFFFFC000  }
0xc5: {  	[tilespmem:s31], [sflag:$0x4] =	stream.linear.gather [hbm4b:s7+s3], $0x80, $0x38;
	[tilespmem:$0x1CA00] =	vst v63  }
0xc6: {  	p1 =	sne.s32 s17, $0x0;
	_ =	swait.ge [sflag:s29], $0x80  }
0xc7: {  	[sflag:s29] =	ssyncset.done $0x0  }
0xc8: {  	s7 =	sadd.s32 $0xFFFFFFF0, s28;
	[sflag:s29] =	ssyncadd.s32 $0xFFFFFF80  }
0xc9: {  	[tilespmem:s9], [sflag:$0x4] =	stream.linear.gather [hbm4b:s7+s3], $0x80, $0x38;
	[tilespmem:$0x1CA00] =	vst v63  }
0xca: {  	_ =	swait.ge [sflag:s29], $0x80  }
0xcb: {  	[sflag:s29] =	ssyncset.done $0x0  }
0xcc: {  	[sflag:s29] =	ssyncadd.s32 $0xFFFFFF80  }
0xcd: {  	[tilespmem:s10], [sflag:$0x2] =	stream.indirect.gather [hbm4b:s4+s31], $0x80, s31, s31, $0xb8;
	[tilespmem:$0x1CA00] =	vst v63  }
0xce: {  	_ =	swait.ge [sflag:s11], $0x4000  }
0xcf: {  	[sflag:s11] =	ssyncset.done $0x0  }
0xd0: {  	[sflag:s11] =	ssyncadd.s32 $0xFFFFC000  }
0xd1: {  	[spmem:s2] =	stream.indirect.scatter.add.f32 [tilespmem:s0], [sflag:$0x4], $0x80, s30, s31, $0xb8;
	[tilespmem:$0x1CA00] =	vst v63  }
0xd2: {  	_ =	swait.ge [sflag:s29], $0x4000  }
0xd3: {  	p2 =	sge.u32 s14, s5;
	[sflag:s29] =	ssyncset.done $0x0  }
0xd4: {  	s18 =	simm.s32 @!p2 $0x4;
	s7 =	simm.s32 @!p2 $0x0;
	[sflag:s29] =	ssyncadd.s32 $0xFFFFC000  }
0xd5: {  	[tilespmem:s7], [sflag:$0x4] =	stream.linear.gather @!p2 [hbm4b:s25+s7], $0x80, $0x38;
	[tilespmem:$0x1CA00] =	vst v63  }
0xd6: {  	_ =	swait.ge @!p2 [sflag:s18], $0x80  }
0xd7: {  	[sflag:s18] =	ssyncset.done @!p2 $0x0  }
0xd8: {  	s19 =	simm.s32 @!p2 $0x100;
	[sflag:s18] =	ssyncadd.s32 @!p2 $0xFFFFFF80  }
0xd9: {  	[tilespmem:s19], [sflag:$0x4] =	stream.linear.gather @!p2 [hbm4b:s28+s7], $0x80, $0x38;
	[tilespmem:$0x1CA00] =	vst v63  }
0xda: {  	_ =	swait.ge @!p2 [sflag:s18], $0x80  }
0xdb: {  	[sflag:s18] =	ssyncset.done @!p2 $0x0  }
0xdc: {  	s19 =	simm.s32 @!p2 $0x200;
	[sflag:s18] =	ssyncadd.s32 @!p2 $0xFFFFFF80;
	s18 =	simm.s32 @!p2 $0x80  }
0xdd: {  	[tilespmem:s19], [sflag:$0x1] =	stream.indirect.gather @!p2 [hbm4b:s4+s18], $0x80, s7, s18, $0xb8;
	[tilespmem:$0x1CA00] =	vst v63  }
0xde: {  	_ =	swait.ge [sflag:s12], $0x4000  }
.Ltmp4:
0xdf: {  	[sflag:s12] =	ssyncset.done $0x0;
	(pc) =	sbr.rel @p1 .LBB2_7-.Ltmp4, $4  }
0xe0: {  	[sflag:s12] =	ssyncadd.s32 $0xFFFFC000  }
0xe1: {  	[spmem:s2] =	stream.indirect.scatter.add.f32 [tilespmem:s10], [sflag:$0x4], $0x80, s9, s31, $0xb8;
	[tilespmem:$0x1CA00] =	vst v63  }
0xe2: {  	s14 =	sadd.s32 $0x2, s14;
	_ =	swait.ge [sflag:s29], $0x4000  }
0xe3: {  	s25 =	sadd.s32 $0x20, s25;
	s28 =	sadd.s32 $0x20, s28;
	[sflag:s29] =	ssyncset.done $0x0  }
.LBB2_8:
0xe4: {  	s7 =	sadd.s32 $0xFFFFFFF0, s25;
	[sflag:s29] =	ssyncadd.s32 @p0 $0xFFFFC000  }
0xe5: {  	[tilespmem:s31], [sflag:$0x4] =	stream.linear.gather [hbm4b:s7+s3], $0x80, $0x38;
	[tilespmem:$0x1CA00] =	vst v63  }
0xe6: {  	_ =	swait.ge [sflag:s29], $0x80  }
0xe7: {  	[sflag:s29] =	ssyncset.done $0x0  }
0xe8: {  	s18 =	sadd.s32 $0xFFFFFFF0, s28;
	[sflag:s29] =	ssyncadd.s32 $0xFFFFFF80  }
0xe9: {  	[tilespmem:s9], [sflag:$0x4] =	stream.linear.gather [hbm4b:s18+s3], $0x80, $0x38;
	[tilespmem:$0x1CA00] =	vst v63  }
0xea: {  	_ =	swait.ge [sflag:s29], $0x80  }
0xeb: {  	[sflag:s29] =	ssyncset.done $0x0  }
0xec: {  	[sflag:s29] =	ssyncadd.s32 $0xFFFFFF80  }
0xed: {  	[tilespmem:s10], [sflag:$0x2] =	stream.indirect.gather [hbm4b:s4+s31], $0x80, s31, s31, $0xb8;
	[tilespmem:$0x1CA00] =	vst v63  }
0xee: {  	_ =	swait.ge [sflag:s11], $0x4000  }
0xef: {  	[sflag:s11] =	ssyncset.done $0x0  }
0xf0: {  	[sflag:s11] =	ssyncadd.s32 $0xFFFFC000  }
0xf1: {  	[spmem:s2] =	stream.indirect.scatter.add.f32 [tilespmem:s0], [sflag:$0x4], $0x80, s30, s31, $0xb8;
	[tilespmem:$0x1CA00] =	vst v63  }
0xf2: {  	_ =	swait.ge [sflag:s29], $0x4000  }
0xf3: {  	p0 =	sge.u32 s14, s5;
	[sflag:s29] =	ssyncset.done $0x0  }
0xf4: {  	s7 =	simm.s32 @!p0 $0x0;
	s17 =	simm.s32 @!p0 $0x4;
	[sflag:s29] =	ssyncadd.s32 $0xFFFFC000  }
0xf5: {  	[tilespmem:s7], [sflag:$0x4] =	stream.linear.gather @!p0 [hbm4b:s25+s7], $0x80, $0x38;
	[tilespmem:$0x1CA00] =	vst v63  }
0xf6: {  	_ =	swait.ge @!p0 [sflag:s17], $0x80  }
0xf7: {  	[sflag:s17] =	ssyncset.done @!p0 $0x0  }
0xf8: {  	s18 =	simm.s32 @!p0 $0x100;
	[sflag:s17] =	ssyncadd.s32 @!p0 $0xFFFFFF80  }
0xf9: {  	[tilespmem:s18], [sflag:$0x4] =	stream.linear.gather @!p0 [hbm4b:s28+s7], $0x80, $0x38;
	[tilespmem:$0x1CA00] =	vst v63  }
0xfa: {  	_ =	swait.ge @!p0 [sflag:s17], $0x80  }
0xfb: {  	[sflag:s17] =	ssyncset.done @!p0 $0x0  }
0xfc: {  	s18 =	simm.s32 @!p0 $0x200;
	[sflag:s17] =	ssyncadd.s32 @!p0 $0xFFFFFF80;
	s17 =	simm.s32 @!p0 $0x80  }
0xfd: {  	[tilespmem:s18], [sflag:$0x1] =	stream.indirect.gather @!p0 [hbm4b:s4+s17], $0x80, s7, s17, $0xb8;
	[tilespmem:$0x1CA00] =	vst v63  }
0xfe: {  	_ =	swait.ge [sflag:s12], $0x4000  }
0xff: {  	[sflag:s12] =	ssyncset.done $0x0  }
0x100: {  	[sflag:s12] =	ssyncadd.s32 $0xFFFFC000  }
0x101: {  	[spmem:s2] =	stream.indirect.scatter.add.f32 [tilespmem:s10], [sflag:$0x4], $0x80, s9, s31, $0xb8;
	[tilespmem:$0x1CA00] =	vst v63  }
0x102: {  	_ =	swait.ge [sflag:s29], $0x4000  }
0x103: {  	s7 =	sadd.s32 $0x20, s25;
	[sflag:s29] =	ssyncset.done $0x0  }
0x104: {  	s19 =	sadd.s32 $0xFFFFFFF0, s7;
	[sflag:s29] =	ssyncadd.s32 $0xFFFFC000  }
0x105: {  	[tilespmem:s31], [sflag:$0x4] =	stream.linear.gather [hbm4b:s19+s3], $0x80, $0x38;
	[tilespmem:$0x1CA00] =	vst v63  }
0x106: {  	_ =	swait.ge [sflag:s29], $0x80  }
0x107: {  	s17 =	sadd.s32 $0x20, s28;
	[sflag:s29] =	ssyncset.done $0x0  }
0x108: {  	s25 =	sadd.s32 $0xFFFFFFF0, s17;
	[sflag:s29] =	ssyncadd.s32 $0xFFFFFF80  }
0x109: {  	[tilespmem:s9], [sflag:$0x4] =	stream.linear.gather [hbm4b:s25+s3], $0x80, $0x38;
	[tilespmem:$0x1CA00] =	vst v63  }
0x10a: {  	_ =	swait.ge [sflag:s29], $0x80  }
0x10b: {  	[sflag:s29] =	ssyncset.done $0x0  }
0x10c: {  	[sflag:s29] =	ssyncadd.s32 $0xFFFFFF80  }
0x10d: {  	[tilespmem:s10], [sflag:$0x2] =	stream.indirect.gather [hbm4b:s4+s31], $0x80, s31, s31, $0xb8;
	[tilespmem:$0x1CA00] =	vst v63  }
0x10e: {  	_ =	swait.ge [sflag:s11], $0x4000  }
0x10f: {  	[sflag:s11] =	ssyncset.done $0x0  }
0x110: {  	[sflag:s11] =	ssyncadd.s32 $0xFFFFC000  }
0x111: {  	[spmem:s2] =	stream.indirect.scatter.add.f32 [tilespmem:s0], [sflag:$0x4], $0x80, s30, s31, $0xb8;
	[tilespmem:$0x1CA00] =	vst v63  }
0x112: {  	s28 =	sadd.s32 $0x2, s14;
	_ =	swait.ge [sflag:s29], $0x4000  }
0x113: {  	p0 =	sge.u32 s28, s5;
	[sflag:s29] =	ssyncset.done $0x0  }
0x114: {  	s14 =	simm.s32 @!p0 $0x0;
	[sflag:s29] =	ssyncadd.s32 $0xFFFFC000  }
0x115: {  	[tilespmem:s14], [sflag:$0x4] =	stream.linear.gather @!p0 [hbm4b:s7+s14], $0x80, $0x38;
	[tilespmem:$0x1CA00] =	vst v63  }
0x116: {  	s7 =	simm.s32 @!p0 $0x4  }
0x117: {  	_ =	swait.ge @!p0 [sflag:s7], $0x80  }
0x118: {  	[sflag:s7] =	ssyncset.done @!p0 $0x0  }
0x119: {  	s18 =	simm.s32 @!p0 $0x100;
	[sflag:s7] =	ssyncadd.s32 @!p0 $0xFFFFFF80  }
0x11a: {  	[tilespmem:s18], [sflag:$0x4] =	stream.linear.gather @!p0 [hbm4b:s17+s14], $0x80, $0x38;
	[tilespmem:$0x1CA00] =	vst v63  }
0x11b: {  	_ =	swait.ge @!p0 [sflag:s7], $0x80  }
0x11c: {  	[sflag:s7] =	ssyncset.done @!p0 $0x0  }
0x11d: {  	s17 =	simm.s32 @!p0 $0x200;
	[sflag:s7] =	ssyncadd.s32 @!p0 $0xFFFFFF80;
	s7 =	simm.s32 @!p0 $0x80  }
0x11e: {  	[tilespmem:s17], [sflag:$0x1] =	stream.indirect.gather @!p0 [hbm4b:s4+s7], $0x80, s14, s7, $0xb8;
	[tilespmem:$0x1CA00] =	vst v63  }
0x11f: {  	_ =	swait.ge [sflag:s12], $0x4000  }
0x120: {  	[sflag:s12] =	ssyncset.done $0x0  }
0x121: {  	[sflag:s12] =	ssyncadd.s32 $0xFFFFC000  }
0x122: {  	[spmem:s2] =	stream.indirect.scatter.add.f32 [tilespmem:s10], [sflag:$0x4], $0x80, s9, s31, $0xb8;
	[tilespmem:$0x1CA00] =	vst v63  }
0x123: {  	_ =	swait.ge [sflag:s29], $0x4000  }
0x124: {  	[sflag:s29] =	ssyncset.done $0x0  }
0x125: {  	s18 =	stileid.u32;
	[sflag:s29] =	ssyncadd.s32 $0xFFFFC000  }
0x126: {  	s7 =	sshll.u32 s18, $0x6;
	[bflag:$0x0] =	sbarrier.arrive $0xFFFF  }
0x127: {  	s19 =	sshrl.u32 s8, $0x3;
	s7 =	sor.u32 $0x1C04, s7;
	s25 =	rddreg [dreg:$0x5]  }
0x128: {  	[hbm:s25], [sflag:s7] =	dma.local [spmem:s19], $0x2800  }
0x129: {  	_ =	swait.ge [sflag:s29], $0x2800  }
0x12a: {  	s13 =	sadd.s32 $0x1, s13;
	s28 =	rddreg [dreg:$0x6]  }
0x12b: {  	p0 =	sne.s32 s13, s28  }
.Ltmp5:
0x12c: {  	_ = 	snop;
	(pc) =	sbr.rel @p0 .LBB2_1-.Ltmp5, $3  }
0x12d: {  	_ =	sdelay $0x1  }
0x12e: {  	[sflag:s29] =	ssyncset.done $0x0  }
0x12f: {  	[sflag:s29] =	ssyncadd.s32 $0xFFFFD800  }
0x130: {  	_ =	sfence.sel $0x180000  }
0x131: {  	[bflag:$0x0] =	sbarrier.arrive $0xFFFF  }
0x132: {  	_ =	strace $0x9000004A  }
0x133: {  	s0 =	stileid.u32;
	[bflag:$0x2] =	sbarrier.arrive $0xFFFF  }
0x134: {  	p0 =	sne.s32 s0, $0x0;
	s0 =	rddreg [dreg:$0x3]  }
0x135: {  	s0 =	sadd.s32 @!p0 $0x100000, s0  }
0x136: {  	[sflag:s0] =	ssyncadd.tile.s32 @!p0 $0x1;
	_ =	shalt  }
.Lfunc_end2:
_tile_overlayer_lowered:
.L_overlay_start_2:
0x137: {  	(tag) =	ssettag $0x2  }
0x138: {  	s0 =	rddreg [dreg:$0x0];
	s2 =	stileid.u32  }
0x139: {  	s1 =	rddreg [dreg:$0x1];
	p0 =	sne.s32 s2, $0x0  }
0x13a: {  	s3 =	rddreg [dreg:$0x2];
	[bflag:$0x3] =	sbarrier.arrive $0xFFFF;
	s2 =	simm.s32 @!p0 $0x1C04  }
0x13b: {  	[timem:s3], [sflag:s2] =	dma.local @!p0 [hbm:s0], s1  }
0x13c: {  	s0 =	simm.s32 @!p0 $0x4  }
0x13d: {  	_ =	swait.ge @!p0 [sflag:s0], s1  }
0x13e: {  	s1 =	ssub.s32 @!p0 $0x0, s1;
	[sflag:s0] =	ssyncset.done @!p0 $0x0  }
0x13f: {  	[sflag:s0] =	ssyncadd.s32 @!p0 s1  }
0x140: {  	[bflag:$0x3] =	sbarrier.arrive $0xFFFF  }
0x141: {  	_ =	shalt  }

// kernel: _run.15.cloned.1.call-start
scs
__scs_entry_jumppad:
0x0: {  	(pc) =	sbr.rel $0x88, $3  }
0x1: {  	(tag) =	ssettag $0x0;
	lr =	simm.s32 $0x1  }
0x2: {  	[smem:$0x3F9B] =	sst lr;
	_ =	strace $0xD0000000  }
0x3: {  	_ = 	snop  }
0x4: {  	_ = 	snop  }
0x5: {  	_ = 	snop  }
0x6: {  	_ = 	snop  }
0x7: {  	_ = 	snop  }
__scs_overlays_trampoline_lowered:
0x8: {  	[smem:$0x3FAA] =	sst s0  }
0x9: {  	[smem:$0x3FAB] =	sst s1  }
0xa: {  	[smem:$0x3FAC] =	sst s2  }
0xb: {  	[smem:$0x3FAD] =	sst s3  }
0xc: {  	[smem:$0x3FAE] =	sst s4  }
0xd: {  	[smem:$0x3FAF] =	sst s5  }
0xe: {  	[smem:$0x3FB0] =	sst s6  }
0xf: {  	[smem:$0x3FB1] =	sst s7  }
0x10: {  	[smem:$0x3FB2] =	sst s8  }
0x11: {  	[smem:$0x3FB3] =	sst s9;
	s0 =	simm.s32 @!p0 $0x0  }
0x12: {  	s1 =	sld [smem:$0x3F99];
	s0 =	simm.s32 @p0 $0x1  }
0x13: {  	[smem:$0x3FB4] =	sst s0;
	s0 =	simm.s32 @!p1 $0x0  }
0x14: {  	s2 =	sld [smem:$0x3F98];
	s0 =	simm.s32 @p1 $0x1  }
0x15: {  	[smem:$0x3FB5] =	sst s0;
	s0 =	simm.s32 @!p2 $0x0  }
0x16: {  	s3 =	sld [smem:$0x3FDB];
	s0 =	simm.s32 @p2 $0x1  }
0x17: {  	s4 =	simm.s32 $0x1BF5;
	[smem:$0x3FB7] =	sst s0  }
0x18: {  	s0 =	sld [smem:$0x3F9A];
	_ =	swait.ge [sflag:s4], $0x0  }
0x19: {  	s7 =	sld [smem:$0x3F9B]  }
0x1a: {  	s8 =	sadd.s32 $0xFFFFE003, lr  }
0x1b: {  	s9 =	sadd.s32 $0xFFFFFEF7, lr;
	s5 =	simm.s32 $0xFFFFFFFF;
	p2 =	slt.u32 s8, $0xFFFFF086  }
0x1c: {  	p1 =	slt.u32 s9, $0xF7A;
	s5 =	simm.s32 @!p2 $0x0  }
0x1d: {  	s5 =	simm.s32 @p1 $0x1;
	p0 =	seq.s32 s7, s2  }
0x1e: {  	s7 =	smul.u32 @!p0 $0xF7A, s2;
	p2 =	seq.s32 @!p0 s5, $0x0  }
0x1f: {  	s9 =	smul.u32 $0xF7A, s1;
	s8 =	simm.s32 @!p0 $0x1BF5;
	p2 =	por !p2, p0  }
0x20: {  	[sflag:s8] =	ssyncset.s32 @!p0 $0xFFFFF086;
	s6 =	sadd.s32 @!p0 s3, s7;
	s7 =	simm.s32 @!p0 $0x108  }
0x21: {  	s3 =	sadd.s32 s3, s9;
	s6 =	sadd.s32 @!p0 $0x88, s6;
	s7 =	simm.s32 @p2 $0x1082  }
0x22: {  	[simem:s7], [sflag:s8] =	dma.local @!p0 [hbm:s6], $0xF7A  }
0x23: {  	s9 =	sor.u32 $0xD0000000, s2;
	s6 =	simm.s32 $0x108;
	_ =	swait.ge @!p0 [sflag:s8], $0x0  }
0x24: {  	s3 =	sadd.s32 $0x88, s3;
	s6 =	simm.s32 @!p1 $0x1082;
	[sflag:s4] =	ssyncset.s32 $0xFFFFF086  }
0x25: {  	[simem:s6], [sflag:s4] =	dma.local [hbm:s3], $0xF7A  }
0x26: {  	[smem:$0x3F9B] =	sst s1;
	(tag) =	ssettag s2;
	_ =	strace s9  }
0x27: {  	s1 =	sld [smem:$0x3FAB]  }
0x28: {  	s2 =	sld [smem:$0x3FAC]  }
0x29: {  	s4 =	sld [smem:$0x3FAE]  }
0x2a: {  	p0 =	seq.s32 s5, $0x0;
	s5 =	sld [smem:$0x3FAF]  }
0x2b: {  	s6 =	sld [smem:$0x3FB0]  }
0x2c: {  	s7 =	sld [smem:$0x3FB1]  }
0x2d: {  	s3 =	simm.s32 $0x108;
	s8 =	sld [smem:$0x3FB2]  }
0x2e: {  	s3 =	simm.s32 @!p0 $0x1082;
	s9 =	sld [smem:$0x3FB3]  }
0x2f: {  	lr =	sadd.s32 s0, s3;
	s0 =	sld [smem:$0x3FAA]  }
0x30: {  	s3 =	sld [smem:$0x3FAD]  }
0x31: {  	[smem:$0x3FB6] =	sst s10  }
0x32: {  	s10 =	sld [smem:$0x3FB4];
	_ =	sdelay $0x3  }
0x33: {  	p0 =	seq.s32 s10, $0x1;
	s10 =	sld [smem:$0x3FB6];
	_ =	sdelay $0x3  }
0x34: {  	[smem:$0x3FB6] =	sst s10  }
0x35: {  	s10 =	sld [smem:$0x3FB5];
	_ =	sdelay $0x3  }
0x36: {  	p1 =	seq.s32 s10, $0x1;
	s10 =	sld [smem:$0x3FB6];
	_ =	sdelay $0x3  }
0x37: {  	[smem:$0x3FB6] =	sst s10  }
0x38: {  	s10 =	sld [smem:$0x3FB7]  }
0x39: {  	_ = 	snop;
	(pc) =	sbr.ind lr, $3  }
0x3a: {  	_ = 	snop  }
0x3b: {  	_ = 	snop  }
0x3c: {  	p2 =	seq.s32 s10, $0x1;
	s10 =	sld [smem:$0x3FB6]  }
0x3d: {  	_ =	shalt  }
0x3e: {  	_ =	shalt  }
0x3f: {  	_ =	shalt  }
0x40: {  	_ =	shalt  }
0x41: {  	_ =	shalt  }
0x42: {  	_ =	shalt  }
0x43: {  	_ =	shalt  }
0x44: {  	_ =	shalt  }
0x45: {  	_ =	shalt  }
0x46: {  	_ =	shalt  }
0x47: {  	_ =	shalt  }
0x48: {  	_ =	shalt  }
0x49: {  	_ =	shalt  }
0x4a: {  	_ =	shalt  }
0x4b: {  	_ =	shalt  }
0x4c: {  	_ =	shalt  }
0x4d: {  	_ =	shalt  }
0x4e: {  	_ =	shalt  }
0x4f: {  	_ =	shalt  }
0x50: {  	_ =	shalt  }
0x51: {  	_ =	shalt  }
0x52: {  	_ =	shalt  }
0x53: {  	_ =	shalt  }
0x54: {  	_ =	shalt  }
0x55: {  	_ =	shalt  }
0x56: {  	_ =	shalt  }
0x57: {  	_ =	shalt  }
0x58: {  	_ =	shalt  }
0x59: {  	_ =	shalt  }
0x5a: {  	_ =	shalt  }
0x5b: {  	_ =	shalt  }
0x5c: {  	_ =	shalt  }
0x5d: {  	_ =	shalt  }
0x5e: {  	_ =	shalt  }
0x5f: {  	_ =	shalt  }
0x60: {  	_ =	shalt  }
0x61: {  	_ =	shalt  }
0x62: {  	_ =	shalt  }
0x63: {  	_ =	shalt  }
0x64: {  	_ =	shalt  }
0x65: {  	_ =	shalt  }
0x66: {  	_ =	shalt  }
0x67: {  	_ =	shalt  }
0x68: {  	_ =	shalt  }
0x69: {  	_ =	shalt  }
0x6a: {  	_ =	shalt  }
0x6b: {  	_ =	shalt  }
0x6c: {  	_ =	shalt  }
0x6d: {  	_ =	shalt  }
0x6e: {  	_ =	shalt  }
0x6f: {  	_ =	shalt  }
0x70: {  	_ =	shalt  }
0x71: {  	_ =	shalt  }
0x72: {  	_ =	shalt  }
0x73: {  	_ =	shalt  }
0x74: {  	_ =	shalt  }
0x75: {  	_ =	shalt  }
0x76: {  	_ =	shalt  }
0x77: {  	_ =	shalt  }
0x78: {  	_ =	shalt  }
0x79: {  	_ =	shalt  }
0x7a: {  	_ =	shalt  }
0x7b: {  	_ =	shalt  }
0x7c: {  	_ =	shalt  }
0x7d: {  	_ =	shalt  }
0x7e: {  	_ =	shalt  }
0x7f: {  	_ =	shalt  }
0x80: {  	_ =	shalt  }
0x81: {  	_ =	shalt  }
0x82: {  	_ =	shalt  }
0x83: {  	_ =	shalt  }
0x84: {  	_ =	shalt  }
0x85: {  	_ =	shalt  }
0x86: {  	_ =	shalt  }
0x87: {  	_ =	shalt  }
.Lfunc_end0:
.L_simem_size_0:
called_computation.2_lowered:
.L_overlay_start_0:
0x88: {  	s2 =	sld [smem:$0x3FD9]  }
0x89: {  	s3 =	sld [smem:$0x3FFE];
	_ =	sdelay $0x1  }
0x8a: {  	s1 =	srdreg.scid  }
0x8b: {  	s0 =	sand.u32 $0x1, s1  }
0x8c: {  	s17 =	sshll.u32 s0, $0xA;
	s2 =	sadd.s32 s3, s2  }
0x8d: {  	s2 =	sadd.s32 s2, s17  }
0x8e: {  	[smem:$0x3FC2] =	sst s2  }
0x8f: {  	_ = 	snop  }
0x90: {  	s2 =	sld [smem:$0x3FD0];
	(tm) =	ssettm $0x1  }
0x91: {  	s18 =	sld [smem:$0x3FFB];
	_ =	sdelay $0x3  }
0x92: {  	_ =	strace s18  }
0x93: {  	s3 =	sld [smem:$0x3FFC];
	_ =	sdelay $0x3  }
0x94: {  	_ =	strace s3  }
0x95: {  	s3 =	sld [smem:$0x3FFD];
	_ =	sdelay $0x3  }
0x96: {  	_ =	strace s3  }
0x97: {  	_ =	strace $0x8FFFFFFF  }
0x98: {  	s19 =	sld [smem:$0x3FDB];
	_ =	sdelay $0x1  }
0x99: {  	s4 =	simm.s32 $_scs_section_size  }
0x9a: {  	s5 =	simm.s32 $_size__tile_overlayer_lowered;
	s6 =	simm.s32 $_tile_overlayer_lowered  }
0x9b: {  	s22 =	simm.s32 $0x1BFF;
	s21 =	sshll.u32 s6, $0x1;
	s3 =	sadd.s32 s4, s19  }
0x9c: {  	s7 =	simm.s32 $0x0;
	s20 =	sshll.u32 s5, $0x1;
	s5 =	sadd.s32 s21, s3  }
0x9d: {  	[timem:s7], [sflag:s22] =	dma.local [hbm:s5], s20  }
0x9e: {  	_ =	swait.ge [sflag:s22], s20  }
0x9f: {  	s4 =	ssub.s32 $0x0, s20;
	[sflag:s22] =	ssyncset.done $0x0  }
0xa0: {  	[sflag:s22] =	ssyncadd.s32 s4;
	_ =	sdelay $0x1  }
0xa1: {  	s23 =	simm.s32 $0x1B8B  }
0xa2: {  	_ =	swait.ge [sflag:s23], $0x1  }
0xa3: {  	[sflag:s23] =	ssyncset.done $0x0  }
0xa4: {  	s25 =	simm.s32 $0x1B8E;
	s24 =	sld [smem:$0x3FFE];
	[sflag:s23] =	ssyncadd.s32 $0xFFFFFFFF  }
0xa5: {  	s26 =	simm.s32 $execute0_lowered;
	[smem:$0x3FD2] =	sst s25  }
0xa6: {  	s5 =	sshll.u32 s26, $0x1;
	_ =	strace $0x8000004C;
	[dreg:$0x1] =	wrdreg $0xFFFFFFFF  }
0xa7: {  	s28 =	simm.s32 $_size_execute0_lowered;
	s3 =	sadd.s32 s3, s5;
	[dreg:$0x0] =	wrdreg $0x0  }
0xa8: {  	s5 =	sshll.u32 s28, $0x1;
	[dreg:$0x2] =	wrdreg s3  }
0xa9: {  	[dreg:$0x3] =	wrdreg s5  }
0xaa: {  	[dreg:$0x4] =	wrdreg $0xC0  }
0xab: {  	_ =	task [dreg:s7], $0x5FFFF  }
0xac: {  	[dreg:$0x1] =	wrdreg $0xFFFFFFFF  }
0xad: {  	[dreg:$0x0] =	wrdreg $0x60  }
0xae: {  	[dreg:$0x2] =	wrdreg s24  }
0xaf: {  	[dreg:$0x3] =	wrdreg s2  }
0xb0: {  	[dreg:$0x4] =	wrdreg $0x8A000  }
0xb1: {  	[dreg:$0x5] =	wrdreg $0x9  }
0xb2: {  	_ =	task.clear_ibuf [dreg:s7], $0x6FFFF;
	_ =	strace $0x9000004C  }
0xb3: {  	s29 =	simm.s32 $0x9;
	_ =	strace $0x8000004E  }
0xb4: {  	_ =	swait.ge [sflag:s29], $0x1  }
0xb5: {  	[sflag:s29] =	ssyncadd.s32 $0xFFFFFFFF  }
0xb6: {  	_ =	strace $0x9000004E  }
0xb7: {  	_ =	sfence  }
0xb8: {  	s30 =	sld [smem:$0x0];
	_ =	sdelay $0x2  }
0xb9: {  	s31 =	sshll.u32 s1, $0xD;
	s1 =	sshrl.u32 s1, $0x2  }
0xba: {  	s3 =	sand.u32 $0x4000, s31;
	s1 =	sadd.s32 s1, s30  }
0xbb: {  	s0 =	sor.u32 s3, s0;
	s1 =	sshll.u32 s1, $0x11  }
0xbc: {  	s0 =	sor.u32 s1, s0  }
0xbd: {  	s0 =	sadd.s32 $0x8F2B, s0  }
0xbe: {  	[sflag:s0] =	ssyncadd.remote.s32 $0x1  }
0xbf: {  	_ =	sfence.sel $0xFFFF  }
0xc0: {  	[dreg:$0x0] =	wrdreg $0xFFFFFFFF;
	(pc) =	sbr.abs _section_cstart, $3  }
0xc1: {  	[dreg:$0x1] =	wrdreg $0xFFFFFFFF  }
0xc2: {  	_ =	task.clear_ibuf [dreg:s7], $0x2FFFF;
	_ =	strace $0x9FFFFFFF  }
0xc3: {  	(tm) =	ssettm $0x7FFFFFFF  }
tec
execute0_lowered:
.L_overlay_start_1:
0x0: {  	(tag) =	ssettag $0x1  }
0x1: {  	s0 =	rddreg [dreg:$0x0]  }
0x2: {  	s1 =	rddreg [dreg:$0x1];
	s11 =	stileid.u32  }
0x3: {  	s2 =	rddreg [dreg:$0x2];
	s5 =	smul.u32 $0x94, s11  }
0x4: {  	s4 =	srdreg.scid;
	s25 =	smul.u32 $0xC, s11  }
0x5: {  	s3 =	simm.s32 $0x0;
	s6 =	sand.u32 $0x1, s4;
	s9 =	smul.u32 $0x14000, s11  }
0x6: {  	[smem:$0x7FF] =	sst s3;
	s4 =	sadd.s32 $0xCC00, s0;
	s11 =	smul.u32 $0x50000, s11  }
0x7: {  	s7 =	smul.u32 $0x140000, s6;
	p0 =	seq.s32 s6, $0x0;
	s6 =	ssub.s32 $0x2, s6  }
0x8: {  	_ =	strace $0x8000004D;
	s8 =	sadd.s32 $0x940, s25;
	s10 =	sshrl.u32 s6, $0x1  }
0x9: {  	s8 =	smov.u32 @p0 s5;
	s26 =	sadd.s32 s9, s7;
	s6 =	ssub.s32 s6, s10  }
0xa: {  	s10 =	sshrl.u32 s11, $0x2;
	s8 =	sshll.u32 s8, $0x4;
	s9 =	sshrl.u32 s26, $0x3  }
0xb: {  	s12 =	smax.u32 s6, $0x1;
	s7 =	sadd.s32 s8, s0;
	s0 =	sadd.s32 s9, s0  }
0xc: {  	s9 =	sadd.s32 s1, s8;
	[dreg:$0x6] =	wrdreg s12;
	s28 =	sadd.s32 $0x2C00, s7  }
0xd: {  	s8 =	sadd.s32 s10, s2;
	s0 =	sadd.s32 $0x34C00, s0;
	[dreg:$0x4] =	wrdreg s28  }
0xe: {  	s13 =	sadd.s32 $0x800, s8;
	[dreg:$0x5] =	wrdreg s0  }
0xf: {  	s14 =	sadd.s32 $0x1000, s8;
	[dreg:$0x7] =	wrdreg s13  }
0x10: {  	s15 =	sadd.s32 $0x1800, s8;
	[dreg:$0x8] =	wrdreg s14  }
0x11: {  	s16 =	sadd.s32 $0x2000, s8;
	[dreg:$0x9] =	wrdreg s15  }
0x12: {  	s17 =	sadd.s32 $0x2800, s8;
	[dreg:$0xa] =	wrdreg s16  }
0x13: {  	s18 =	sadd.s32 $0x3000, s8;
	[dreg:$0xb] =	wrdreg s17  }
0x14: {  	s19 =	sadd.s32 $0x3800, s8;
	[dreg:$0xc] =	wrdreg s18  }
0x15: {  	s20 =	sadd.s32 $0x4000, s8;
	[dreg:$0xd] =	wrdreg s19  }
0x16: {  	s21 =	sadd.s32 $0x4800, s8;
	[dreg:$0xe] =	wrdreg s20  }
0x17: {  	s22 =	sadd.s32 $0x5000, s8;
	[dreg:$0xf] =	wrdreg s21  }
0x18: {  	s5 =	simm.s32 $0x94;
	s23 =	sadd.s32 $0x5800, s8;
	[dreg:$0x10] =	wrdreg s22  }
0x19: {  	s5 =	simm.s32 @!p0 $0xC;
	s24 =	sadd.s32 $0x6000, s8;
	[dreg:$0x11] =	wrdreg s23  }
0x1a: {  	s11 =	sshrl.u32 s5, $0x1;
	s25 =	sadd.s32 $0x6800, s8;
	[dreg:$0x12] =	wrdreg s24  }
0x1b: {  	s26 =	sadd.s32 $0xFFFFFFFF, s11;
	[dreg:$0x13] =	wrdreg s25  }
0x1c: {  	s1 =	sadd.s32 $0x7800, s8;
	[dreg:$0x14] =	wrdreg s26  }
0x1d: {  	s6 =	sadd.s32 $0x8000, s8;
	[dreg:$0x16] =	wrdreg s1  }
0x1e: {  	s10 =	sadd.s32 $0x9000, s8;
	[dreg:$0x17] =	wrdreg s6  }
0x1f: {  	s11 =	sadd.s32 $0x9800, s8;
	[dreg:$0x19] =	wrdreg s10  }
0x20: {  	s12 =	sadd.s32 $0xA000, s8;
	[dreg:$0x1a] =	wrdreg s11  }
0x21: {  	s28 =	sadd.s32 $0x7000, s8;
	[dreg:$0x1b] =	wrdreg s12  }
0x22: {  	s16 =	sadd.s32 $0x2C20, s7;
	s7 =	sadd.s32 $0x8800, s8;
	[dreg:$0x15] =	wrdreg s28  }
0x23: {  	s13 =	sadd.s32 $0xA800, s8;
	[dreg:$0x18] =	wrdreg s7  }
0x24: {  	s14 =	sadd.s32 $0xB000, s8;
	[dreg:$0x1c] =	wrdreg s13  }
0x25: {  	s15 =	sadd.s32 $0xB800, s8;
	[dreg:$0x1d] =	wrdreg s14  }
0x26: {  	s17 =	sadd.s32 $0xC000, s8;
	[dreg:$0x1e] =	wrdreg s15  }
0x27: {  	s29 =	simm.s32 $0x4;
	s18 =	sadd.s32 $0xC800, s8;
	[dreg:$0x1f] =	wrdreg s17  }
0x28: {  	s30 =	simm.s32 $0x100;
	s19 =	sadd.s32 $0xD000, s8;
	[smem:$0x7F4] =	sst s18  }
0x29: {  	s31 =	simm.s32 $0x80;
	s20 =	sadd.s32 $0xD800, s8;
	[smem:$0x7F5] =	sst s19  }
0x2a: {  	s21 =	sadd.s32 $0xE000, s8;
	s22 =	sadd.s32 $0xE800, s8;
	[smem:$0x7F6] =	sst s20  }
0x2b: {  	s23 =	sadd.s32 $0xF000, s8;
	s24 =	sadd.s32 $0xF800, s8;
	[smem:$0x7F7] =	sst s21  }
0x2c: {  	s25 =	sadd.s32 $0x10000, s8;
	s26 =	sadd.s32 $0x10800, s8;
	[smem:$0x7F8] =	sst s22  }
0x2d: {  	s0 =	simm.s32 $0x200;
	s1 =	simm.s32 $0x8200;
	[smem:$0x7F9] =	sst s23  }
0x2e: {  	s6 =	simm.s32 $0x3;
	s10 =	simm.s32 $0x4200;
	[smem:$0x7FA] =	sst s24  }
0x2f: {  	s11 =	simm.s32 $0x1;
	s12 =	simm.s32 $0x2;
	[smem:$0x7FB] =	sst s25  }
0x30: {  	[smem:$0x7FC] =	sst s26;
	s28 =	sadd.s32 $0x11000, s8;
	s21 =	sadd.s32 $0x11800, s8  }
0x31: {  	s22 =	sadd.s32 $0x12000, s8;
	s23 =	sadd.s32 $0x12800, s8;
	s24 =	sadd.s32 $0x13000, s8  }
0x32: {  	s26 =	sadd.s32 $0x13800, s8;
	s20 =	smov.u32 s9;
	s15 =	sadd.s32 $0x20, s9  }
0x33: {  	v0 =	vimm.f32 $0.0e+00;
	s9 =	simm.s32 $0x180;
	s13 =	simm.s32 $0x0;
	[smem:$0x7FD] =	sst s28  }
.LBB2_1:
0x34: {  	s7 =	rddreg [dreg:$0x4]  }
0x35: {  	[tilespmem:s3], [sflag:$0x4] =	stream.linear.gather [hbm4b:s7+s3], $0x80, $0x38;
	[tilespmem:$0x1CA00] =	vst v63  }
0x36: {  	_ =	swait.ge [sflag:s29], $0x80  }
0x37: {  	[sflag:s29] =	ssyncset.done $0x0  }
0x38: {  	[sflag:s29] =	ssyncadd.s32 $0xFFFFFF80  }
0x39: {  	[tilespmem:s30], [sflag:$0x4] =	stream.linear.gather [hbm4b:s20+s3], $0x80, $0x38;
	[tilespmem:$0x1CA00] =	vst v63  }
0x3a: {  	s14 =	sand.u32 $0x1E00, s3;
	s17 =	sand.u32 $0x70, s3;
	_ =	swait.ge [sflag:s29], $0x80  }
0x3b: {  	s25 =	sshrl.u32 s14, $0x2;
	s14 =	simm.s32 $0x40;
	[sflag:s29] =	ssyncset.done $0x0  }
0x3c: {  	s25 =	sor.u32 s17, s25;
	s17 =	simm.s32 $0x0;
	[sflag:s29] =	ssyncadd.s32 $0xFFFFFF80  }
0x3d: {  	[tilespmem:s0], [sflag:$0x1] =	stream.indirect.gather [hbm4b:s4+s31], $0x80, s3, s31, $0xb8;
	[tilespmem:$0x1CA00] =	vst v63  }
.LBB2_2:
0x3e: {  	p0 =	sne.s32 s14, $0x1FC0  }
0x3f: {  	[tilespmem:s25+$0x8200] =	vst v0;
	s17 =	sadd.s32 $0x10, s17;
	s25 =	smov.u32 s14;
	s14 =	sadd.s32 $0x40, s14  }
.Ltmp0:
0x40: {  	(pc) =	sbr.rel @p0 .LBB2_2-.Ltmp0, $4  }
0x41: {  	_ = 	snop  }
0x42: {  	s25 =	sand.u32 $0x1E00, s25  }
0x43: {  	s28 =	sand.u32 $0x70, s17;
	s25 =	sshrl.u32 s25, $0x2  }
0x44: {  	s25 =	sor.u32 s28, s25  }
0x45: {  	[tilespmem:s25+$0x8200] =	vst v0;
	s7 =	rddreg [dreg:$0x7]  }
0x46: {  	[spmem:s8] =	stream.linear.scatter [tilespmem:s1], [sflag:$0x3], $0x800, $0x38;
	[tilespmem:$0x1CA00] =	vst v63  }
0x47: {  	s19 =	rddreg [dreg:$0x8]  }
0x48: {  	[spmem:s7] =	stream.linear.scatter [tilespmem:s1], [sflag:$0x3], $0x800, $0x38;
	[tilespmem:$0x1CA00] =	vst v63  }
0x49: {  	s25 =	rddreg [dreg:$0x9]  }
0x4a: {  	[spmem:s19] =	stream.linear.scatter [tilespmem:s1], [sflag:$0x3], $0x800, $0x38;
	[tilespmem:$0x1CA00] =	vst v63  }
0x4b: {  	s28 =	rddreg [dreg:$0xa]  }
0x4c: {  	[spmem:s25] =	stream.linear.scatter [tilespmem:s1], [sflag:$0x3], $0x800, $0x38;
	[tilespmem:$0x1CA00] =	vst v63  }
0x4d: {  	s14 =	rddreg [dreg:$0xb]  }
0x4e: {  	[spmem:s28] =	stream.linear.scatter [tilespmem:s1], [sflag:$0x3], $0x800, $0x38;
	[tilespmem:$0x1CA00] =	vst v63  }
0x4f: {  	s17 =	rddreg [dreg:$0xc]  }
0x50: {  	[spmem:s14] =	stream.linear.scatter [tilespmem:s1], [sflag:$0x3], $0x800, $0x38;
	[tilespmem:$0x1CA00] =	vst v63  }
0x51: {  	s18 =	rddreg [dreg:$0xd]  }
0x52: {  	[spmem:s17] =	stream.linear.scatter [tilespmem:s1], [sflag:$0x3], $0x800, $0x38;
	[tilespmem:$0x1CA00] =	vst v63  }
0x53: {  	s19 =	rddreg [dreg:$0xe]  }
0x54: {  	[spmem:s18] =	stream.linear.scatter [tilespmem:s1], [sflag:$0x3], $0x800, $0x38;
	[tilespmem:$0x1CA00] =	vst v63  }
0x55: {  	s25 =	rddreg [dreg:$0xf]  }
0x56: {  	[spmem:s19] =	stream.linear.scatter [tilespmem:s1], [sflag:$0x3], $0x800, $0x38;
	[tilespmem:$0x1CA00] =	vst v63  }
0x57: {  	s28 =	rddreg [dreg:$0x10]  }
0x58: {  	[spmem:s25] =	stream.linear.scatter [tilespmem:s1], [sflag:$0x3], $0x800, $0x38;
	[tilespmem:$0x1CA00] =	vst v63  }
0x59: {  	s14 =	rddreg [dreg:$0x11]  }
0x5a: {  	[spmem:s28] =	stream.linear.scatter [tilespmem:s1], [sflag:$0x3], $0x800, $0x38;
	[tilespmem:$0x1CA00] =	vst v63  }
0x5b: {  	s17 =	rddreg [dreg:$0x12]  }
0x5c: {  	[spmem:s14] =	stream.linear.scatter [tilespmem:s1], [sflag:$0x3], $0x800, $0x38;
	[tilespmem:$0x1CA00] =	vst v63  }
0x5d: {  	s18 =	rddreg [dreg:$0x13]  }
0x5e: {  	[spmem:s17] =	stream.linear.scatter [tilespmem:s1], [sflag:$0x3], $0x800, $0x38;
	[tilespmem:$0x1CA00] =	vst v63  }
0x5f: {  	s19 =	rddreg [dreg:$0x15]  }
0x60: {  	[spmem:s18] =	stream.linear.scatter [tilespmem:s1], [sflag:$0x3], $0x800, $0x38;
	[tilespmem:$0x1CA00] =	vst v63  }
0x61: {  	s25 =	rddreg [dreg:$0x16]  }
0x62: {  	[spmem:s19] =	stream.linear.scatter [tilespmem:s1], [sflag:$0x3], $0x800, $0x38;
	[tilespmem:$0x1CA00] =	vst v63  }
0x63: {  	s28 =	rddreg [dreg:$0x17]  }
0x64: {  	[spmem:s25] =	stream.linear.scatter [tilespmem:s1], [sflag:$0x3], $0x800, $0x38;
	[tilespmem:$0x1CA00] =	vst v63  }
0x65: {  	s14 =	rddreg [dreg:$0x18]  }
0x66: {  	[spmem:s28] =	stream.linear.scatter [tilespmem:s1], [sflag:$0x3], $0x800, $0x38;
	[tilespmem:$0x1CA00] =	vst v63  }
0x67: {  	s17 =	rddreg [dreg:$0x19]  }
0x68: {  	[spmem:s14] =	stream.linear.scatter [tilespmem:s1], [sflag:$0x3], $0x800, $0x38;
	[tilespmem:$0x1CA00] =	vst v63  }
0x69: {  	s18 =	rddreg [dreg:$0x1a]  }
0x6a: {  	[spmem:s17] =	stream.linear.scatter [tilespmem:s1], [sflag:$0x3], $0x800, $0x38;
	[tilespmem:$0x1CA00] =	vst v63  }
0x6b: {  	s19 =	rddreg [dreg:$0x1b]  }
0x6c: {  	[spmem:s18] =	stream.linear.scatter [tilespmem:s1], [sflag:$0x3], $0x800, $0x38;
	[tilespmem:$0x1CA00] =	vst v63  }
0x6d: {  	s25 =	rddreg [dreg:$0x1c]  }
0x6e: {  	[spmem:s19] =	stream.linear.scatter [tilespmem:s1], [sflag:$0x3], $0x800, $0x38;
	[tilespmem:$0x1CA00] =	vst v63  }
0x6f: {  	s28 =	rddreg [dreg:$0x1d]  }
0x70: {  	[spmem:s25] =	stream.linear.scatter [tilespmem:s1], [sflag:$0x3], $0x800, $0x38;
	[tilespmem:$0x1CA00] =	vst v63  }
0x71: {  	s14 =	rddreg [dreg:$0x1e]  }
0x72: {  	[spmem:s28] =	stream.linear.scatter [tilespmem:s1], [sflag:$0x3], $0x800, $0x38;
	[tilespmem:$0x1CA00] =	vst v63  }
0x73: {  	s17 =	rddreg [dreg:$0x1f]  }
0x74: {  	[spmem:s14] =	stream.linear.scatter [tilespmem:s1], [sflag:$0x3], $0x800, $0x38;
	[tilespmem:$0x1CA00] =	vst v63  }
0x75: {  	s18 =	sld [smem:$0x7F4]  }
0x76: {  	[spmem:s17] =	stream.linear.scatter [tilespmem:s1], [sflag:$0x3], $0x800, $0x38;
	[tilespmem:$0x1CA00] =	vst v63  }
0x77: {  	s19 =	sld [smem:$0x7F5]  }
0x78: {  	[spmem:s18] =	stream.linear.scatter [tilespmem:s1], [sflag:$0x3], $0x800, $0x38;
	[tilespmem:$0x1CA00] =	vst v63  }
0x79: {  	s25 =	sld [smem:$0x7F6]  }
0x7a: {  	[spmem:s19] =	stream.linear.scatter [tilespmem:s1], [sflag:$0x3], $0x800, $0x38;
	[tilespmem:$0x1CA00] =	vst v63  }
0x7b: {  	s28 =	sld [smem:$0x7F7]  }
0x7c: {  	[spmem:s25] =	stream.linear.scatter [tilespmem:s1], [sflag:$0x3], $0x800, $0x38;
	[tilespmem:$0x1CA00] =	vst v63  }
0x7d: {  	s14 =	sld [smem:$0x7F8]  }
0x7e: {  	[spmem:s28] =	stream.linear.scatter [tilespmem:s1], [sflag:$0x3], $0x800, $0x38;
	[tilespmem:$0x1CA00] =	vst v63  }
0x7f: {  	s17 =	sld [smem:$0x7F9]  }
0x80: {  	[spmem:s14] =	stream.linear.scatter [tilespmem:s1], [sflag:$0x3], $0x800, $0x38;
	[tilespmem:$0x1CA00] =	vst v63  }
0x81: {  	s18 =	sld [smem:$0x7FA]  }
0x82: {  	[spmem:s17] =	stream.linear.scatter [tilespmem:s1], [sflag:$0x3], $0x800, $0x38;
	[tilespmem:$0x1CA00] =	vst v63  }
0x83: {  	s19 =	sld [smem:$0x7FB]  }
0x84: {  	[spmem:s18] =	stream.linear.scatter [tilespmem:s1], [sflag:$0x3], $0x800, $0x38;
	[tilespmem:$0x1CA00] =	vst v63  }
0x85: {  	s25 =	sld [smem:$0x7FC]  }
0x86: {  	[spmem:s19] =	stream.linear.scatter [tilespmem:s1], [sflag:$0x3], $0x800, $0x38;
	[tilespmem:$0x1CA00] =	vst v63  }
0x87: {  	s28 =	sld [smem:$0x7FD]  }
0x88: {  	[spmem:s25] =	stream.linear.scatter [tilespmem:s1], [sflag:$0x3], $0x800, $0x38;
	[tilespmem:$0x1CA00] =	vst v63  }
0x89: {  	_ = 	snop  }
0x8a: {  	[spmem:s28] =	stream.linear.scatter [tilespmem:s1], [sflag:$0x3], $0x800, $0x38;
	[tilespmem:$0x1CA00] =	vst v63  }
0x8b: {  	_ = 	snop  }
0x8c: {  	[spmem:s21] =	stream.linear.scatter [tilespmem:s1], [sflag:$0x3], $0x800, $0x38;
	[tilespmem:$0x1CA00] =	vst v63  }
0x8d: {  	_ = 	snop  }
0x8e: {  	[spmem:s22] =	stream.linear.scatter [tilespmem:s1], [sflag:$0x3], $0x800, $0x38;
	[tilespmem:$0x1CA00] =	vst v63  }
0x8f: {  	_ = 	snop  }
0x90: {  	[spmem:s23] =	stream.linear.scatter [tilespmem:s1], [sflag:$0x3], $0x800, $0x38;
	[tilespmem:$0x1CA00] =	vst v63  }
0x91: {  	_ = 	snop  }
0x92: {  	[spmem:s24] =	stream.linear.scatter [tilespmem:s1], [sflag:$0x3], $0x800, $0x38;
	[tilespmem:$0x1CA00] =	vst v63  }
0x93: {  	_ = 	snop  }
0x94: {  	[spmem:s26] =	stream.linear.scatter [tilespmem:s1], [sflag:$0x3], $0x800, $0x38;
	[tilespmem:$0x1CA00] =	vst v63  }
0x95: {  	_ =	swait.ge [sflag:s6], $0x800  }
0x96: {  	s14 =	simm.s32 $0x27;
	[sflag:s6] =	ssyncset.done $0x0  }
.LBB2_4:
0x97: {  	p0 =	sne.s32 s14, $0x1;
	s14 =	sadd.s32 $0xFFFFFFFF, s14;
	[sflag:s6] =	ssyncadd.s32 $0xFFFFF800  }
.Ltmp1:
0x98: {  	(pc) =	sbr.rel @p0 .LBB2_4-.Ltmp1, $3  }
0x99: {  	_ =	sdelay $0x1  }
0x9a: {  	_ =	swait.ge [sflag:s6], $0x800  }
0x9b: {  	[sflag:s6] =	ssyncset.done $0x0  }
0x9c: {  	s7 =	rddreg [dreg:$0x14]  }
0x9d: {  	s17 =	sadd.s32 $0xFFFFFFFF, s7  }
0x9e: {  	p1 =	sne.s32 s17, $0x0  }
.Ltmp2:
0x9f: {  	_ = 	snop;
	(pc) =	sbr.rel @!p1 .LBB2_8-.Ltmp2, $4  }
0xa0: {  	_ = 	snop  }
0xa1: {  	[sflag:s6] =	ssyncadd.s32 $0xFFFFF800  }
0xa2: {  	s14 =	simm.s32 $0x2;
	[bflag:$0x0] =	sbarrier.arrive $0xFFFF  }
0xa3: {  	p0 =	por $0x0, $0x0;
	s25 =	smov.u32 s16;
	s28 =	smov.u32 s15  }
0xa4: {  	s14 =	sadd.s32 $0xFFFFFFF0, s16  }
0xa5: {  	[tilespmem:s31], [sflag:$0x4] =	stream.linear.gather [hbm4b:s14+s3], $0x80, $0x38;
	[tilespmem:$0x1CA00] =	vst v63  }
0xa6: {  	_ =	swait.ge [sflag:s29], $0x80  }
0xa7: {  	[sflag:s29] =	ssyncset.done $0x0  }
0xa8: {  	s25 =	sadd.s32 $0xFFFFFFF0, s15;
	[sflag:s29] =	ssyncadd.s32 $0xFFFFFF80  }
0xa9: {  	[tilespmem:s9], [sflag:$0x4] =	stream.linear.gather [hbm4b:s25+s3], $0x80, $0x38;
	[tilespmem:$0x1CA00] =	vst v63  }
0xaa: {  	_ =	swait.ge [sflag:s29], $0x80  }
0xab: {  	[sflag:s29] =	ssyncset.done $0x0  }
0xac: {  	[sflag:s29] =	ssyncadd.s32 $0xFFFFFF80  }
0xad: {  	[tilespmem:s10], [sflag:$0x2] =	stream.indirect.gather [hbm4b:s4+s31], $0x80, s31, s31, $0xb8;
	[tilespmem:$0x1CA00] =	vst v63  }
0xae: {  	_ =	swait.ge [sflag:s11], $0x4000  }
0xaf: {  	[sflag:s11] =	ssyncset.done $0x0  }
0xb0: {  	[sflag:s11] =	ssyncadd.s32 $0xFFFFC000  }
0xb1: {  	[spmem:s2] =	stream.indirect.scatter.add.f32 [tilespmem:s0], [sflag:$0x4], $0x80, s30, s31, $0xb8;
	[tilespmem:$0x1CA00] =	vst v63  }
0xb2: {  	_ =	swait.ge [sflag:s29], $0x4000  }
0xb3: {  	p0 =	sle.u32 s5, $0x2;
	[sflag:s29] =	ssyncset.done $0x0  }
0xb4: {  	s14 =	simm.s32 @!p0 $0x0;
	s25 =	simm.s32 @!p0 $0x4;
	[sflag:s29] =	ssyncadd.s32 $0xFFFFC000  }
0xb5: {  	[tilespmem:s14], [sflag:$0x4] =	stream.linear.gather @!p0 [hbm4b:s16+s14], $0x80, $0x38;
	[tilespmem:$0x1CA00] =	vst v63  }
0xb6: {  	_ =	swait.ge @!p0 [sflag:s25], $0x80  }
0xb7: {  	[sflag:s25] =	ssyncset.done @!p0 $0x0  }
0xb8: {  	s28 =	simm.s32 @!p0 $0x100;
	[sflag:s25] =	ssyncadd.s32 @!p0 $0xFFFFFF80  }
0xb9: {  	[tilespmem:s28], [sflag:$0x4] =	stream.linear.gather @!p0 [hbm4b:s15+s14], $0x80, $0x38;
	[tilespmem:$0x1CA00] =	vst v63  }
0xba: {  	_ =	swait.ge @!p0 [sflag:s25], $0x80  }
0xbb: {  	s17 =	sadd.s32 $0xFFFFFFFF, s17;
	[sflag:s25] =	ssyncset.done @!p0 $0x0  }
0xbc: {  	s28 =	simm.s32 @!p0 $0x200;
	[sflag:s25] =	ssyncadd.s32 @!p0 $0xFFFFFF80;
	s25 =	simm.s32 @!p0 $0x80  }
0xbd: {  	[tilespmem:s28], [sflag:$0x1] =	stream.indirect.gather @!p0 [hbm4b:s4+s25], $0x80, s14, s25, $0xb8;
	[tilespmem:$0x1CA00] =	vst v63  }
0xbe: {  	p1 =	sne.s32 s17, $0x0;
	_ =	swait.ge [sflag:s12], $0x4000  }
.Ltmp3:
0xbf: {  	[sflag:s12] =	ssyncset.done $0x0;
	(pc) =	sbr.rel @!p1 .LBB2_8-.Ltmp3, $4  }
0xc0: {  	[sflag:s12] =	ssyncadd.s32 $0xFFFFC000  }
0xc1: {  	[spmem:s2] =	stream.indirect.scatter.add.f32 [tilespmem:s10], [sflag:$0x4], $0x80, s9, s31, $0xb8;
	[tilespmem:$0x1CA00] =	vst v63  }
0xc2: {  	s14 =	simm.s32 $0x4;
	s28 =	sadd.s32 $0x20, s15;
	_ =	swait.ge [sflag:s29], $0x4000  }
0xc3: {  	s25 =	sadd.s32 $0x20, s16;
	p0 =	por $0x1, $0x1;
	[sflag:s29] =	ssyncset.done $0x0  }
.LBB2_7:
0xc4: {  	s17 =	sadd.s32 $0xFFFFFFFF, s17;
	s7 =	sadd.s32 $0xFFFFFFF0, s25;
	[sflag:s29] =	ssyncadd.s32 $0xFFFFC000  }
0xc5: {  	[tilespmem:s31], [sflag:$0x4] =	stream.linear.gather [hbm4b:s7+s3], $0x80, $0x38;
	[tilespmem:$0x1CA00] =	vst v63  }
0xc6: {  	p1 =	sne.s32 s17, $0x0;
	_ =	swait.ge [sflag:s29], $0x80  }
0xc7: {  	[sflag:s29] =	ssyncset.done $0x0  }
0xc8: {  	s7 =	sadd.s32 $0xFFFFFFF0, s28;
	[sflag:s29] =	ssyncadd.s32 $0xFFFFFF80  }
0xc9: {  	[tilespmem:s9], [sflag:$0x4] =	stream.linear.gather [hbm4b:s7+s3], $0x80, $0x38;
	[tilespmem:$0x1CA00] =	vst v63  }
0xca: {  	_ =	swait.ge [sflag:s29], $0x80  }
0xcb: {  	[sflag:s29] =	ssyncset.done $0x0  }
0xcc: {  	[sflag:s29] =	ssyncadd.s32 $0xFFFFFF80  }
0xcd: {  	[tilespmem:s10], [sflag:$0x2] =	stream.indirect.gather [hbm4b:s4+s31], $0x80, s31, s31, $0xb8;
	[tilespmem:$0x1CA00] =	vst v63  }
0xce: {  	_ =	swait.ge [sflag:s11], $0x4000  }
0xcf: {  	[sflag:s11] =	ssyncset.done $0x0  }
0xd0: {  	[sflag:s11] =	ssyncadd.s32 $0xFFFFC000  }
0xd1: {  	[spmem:s2] =	stream.indirect.scatter.add.f32 [tilespmem:s0], [sflag:$0x4], $0x80, s30, s31, $0xb8;
	[tilespmem:$0x1CA00] =	vst v63  }
0xd2: {  	_ =	swait.ge [sflag:s29], $0x4000  }
0xd3: {  	p2 =	sge.u32 s14, s5;
	[sflag:s29] =	ssyncset.done $0x0  }
0xd4: {  	s18 =	simm.s32 @!p2 $0x4;
	s7 =	simm.s32 @!p2 $0x0;
	[sflag:s29] =	ssyncadd.s32 $0xFFFFC000  }
0xd5: {  	[tilespmem:s7], [sflag:$0x4] =	stream.linear.gather @!p2 [hbm4b:s25+s7], $0x80, $0x38;
	[tilespmem:$0x1CA00] =	vst v63  }
0xd6: {  	_ =	swait.ge @!p2 [sflag:s18], $0x80  }
0xd7: {  	[sflag:s18] =	ssyncset.done @!p2 $0x0  }
0xd8: {  	s19 =	simm.s32 @!p2 $0x100;
	[sflag:s18] =	ssyncadd.s32 @!p2 $0xFFFFFF80  }
0xd9: {  	[tilespmem:s19], [sflag:$0x4] =	stream.linear.gather @!p2 [hbm4b:s28+s7], $0x80, $0x38;
	[tilespmem:$0x1CA00] =	vst v63  }
0xda: {  	_ =	swait.ge @!p2 [sflag:s18], $0x80  }
0xdb: {  	[sflag:s18] =	ssyncset.done @!p2 $0x0  }
0xdc: {  	s19 =	simm.s32 @!p2 $0x200;
	[sflag:s18] =	ssyncadd.s32 @!p2 $0xFFFFFF80;
	s18 =	simm.s32 @!p2 $0x80  }
0xdd: {  	[tilespmem:s19], [sflag:$0x1] =	stream.indirect.gather @!p2 [hbm4b:s4+s18], $0x80, s7, s18, $0xb8;
	[tilespmem:$0x1CA00] =	vst v63  }
0xde: {  	_ =	swait.ge [sflag:s12], $0x4000  }
.Ltmp4:
0xdf: {  	[sflag:s12] =	ssyncset.done $0x0;
	(pc) =	sbr.rel @p1 .LBB2_7-.Ltmp4, $4  }
0xe0: {  	[sflag:s12] =	ssyncadd.s32 $0xFFFFC000  }
0xe1: {  	[spmem:s2] =	stream.indirect.scatter.add.f32 [tilespmem:s10], [sflag:$0x4], $0x80, s9, s31, $0xb8;
	[tilespmem:$0x1CA00] =	vst v63  }
0xe2: {  	s14 =	sadd.s32 $0x2, s14;
	_ =	swait.ge [sflag:s29], $0x4000  }
0xe3: {  	s25 =	sadd.s32 $0x20, s25;
	s28 =	sadd.s32 $0x20, s28;
	[sflag:s29] =	ssyncset.done $0x0  }
.LBB2_8:
0xe4: {  	s7 =	sadd.s32 $0xFFFFFFF0, s25;
	[sflag:s29] =	ssyncadd.s32 @p0 $0xFFFFC000  }
0xe5: {  	[tilespmem:s31], [sflag:$0x4] =	stream.linear.gather [hbm4b:s7+s3], $0x80, $0x38;
	[tilespmem:$0x1CA00] =	vst v63  }
0xe6: {  	_ =	swait.ge [sflag:s29], $0x80  }
0xe7: {  	[sflag:s29] =	ssyncset.done $0x0  }
0xe8: {  	s18 =	sadd.s32 $0xFFFFFFF0, s28;
	[sflag:s29] =	ssyncadd.s32 $0xFFFFFF80  }
0xe9: {  	[tilespmem:s9], [sflag:$0x4] =	stream.linear.gather [hbm4b:s18+s3], $0x80, $0x38;
	[tilespmem:$0x1CA00] =	vst v63  }
0xea: {  	_ =	swait.ge [sflag:s29], $0x80  }
0xeb: {  	[sflag:s29] =	ssyncset.done $0x0  }
0xec: {  	[sflag:s29] =	ssyncadd.s32 $0xFFFFFF80  }
0xed: {  	[tilespmem:s10], [sflag:$0x2] =	stream.indirect.gather [hbm4b:s4+s31], $0x80, s31, s31, $0xb8;
	[tilespmem:$0x1CA00] =	vst v63  }
0xee: {  	_ =	swait.ge [sflag:s11], $0x4000  }
0xef: {  	[sflag:s11] =	ssyncset.done $0x0  }
0xf0: {  	[sflag:s11] =	ssyncadd.s32 $0xFFFFC000  }
0xf1: {  	[spmem:s2] =	stream.indirect.scatter.add.f32 [tilespmem:s0], [sflag:$0x4], $0x80, s30, s31, $0xb8;
	[tilespmem:$0x1CA00] =	vst v63  }
0xf2: {  	_ =	swait.ge [sflag:s29], $0x4000  }
0xf3: {  	p0 =	sge.u32 s14, s5;
	[sflag:s29] =	ssyncset.done $0x0  }
0xf4: {  	s7 =	simm.s32 @!p0 $0x0;
	s17 =	simm.s32 @!p0 $0x4;
	[sflag:s29] =	ssyncadd.s32 $0xFFFFC000  }
0xf5: {  	[tilespmem:s7], [sflag:$0x4] =	stream.linear.gather @!p0 [hbm4b:s25+s7], $0x80, $0x38;
	[tilespmem:$0x1CA00] =	vst v63  }
0xf6: {  	_ =	swait.ge @!p0 [sflag:s17], $0x80  }
0xf7: {  	[sflag:s17] =	ssyncset.done @!p0 $0x0  }
0xf8: {  	s18 =	simm.s32 @!p0 $0x100;
	[sflag:s17] =	ssyncadd.s32 @!p0 $0xFFFFFF80  }
0xf9: {  	[tilespmem:s18], [sflag:$0x4] =	stream.linear.gather @!p0 [hbm4b:s28+s7], $0x80, $0x38;
	[tilespmem:$0x1CA00] =	vst v63  }
0xfa: {  	_ =	swait.ge @!p0 [sflag:s17], $0x80  }
0xfb: {  	[sflag:s17] =	ssyncset.done @!p0 $0x0  }
0xfc: {  	s18 =	simm.s32 @!p0 $0x200;
	[sflag:s17] =	ssyncadd.s32 @!p0 $0xFFFFFF80;
	s17 =	simm.s32 @!p0 $0x80  }
0xfd: {  	[tilespmem:s18], [sflag:$0x1] =	stream.indirect.gather @!p0 [hbm4b:s4+s17], $0x80, s7, s17, $0xb8;
	[tilespmem:$0x1CA00] =	vst v63  }
0xfe: {  	_ =	swait.ge [sflag:s12], $0x4000  }
0xff: {  	[sflag:s12] =	ssyncset.done $0x0  }
0x100: {  	[sflag:s12] =	ssyncadd.s32 $0xFFFFC000  }
0x101: {  	[spmem:s2] =	stream.indirect.scatter.add.f32 [tilespmem:s10], [sflag:$0x4], $0x80, s9, s31, $0xb8;
	[tilespmem:$0x1CA00] =	vst v63  }
0x102: {  	_ =	swait.ge [sflag:s29], $0x4000  }
0x103: {  	s7 =	sadd.s32 $0x20, s25;
	[sflag:s29] =	ssyncset.done $0x0  }
0x104: {  	s19 =	sadd.s32 $0xFFFFFFF0, s7;
	[sflag:s29] =	ssyncadd.s32 $0xFFFFC000  }
0x105: {  	[tilespmem:s31], [sflag:$0x4] =	stream.linear.gather [hbm4b:s19+s3], $0x80, $0x38;
	[tilespmem:$0x1CA00] =	vst v63  }
0x106: {  	_ =	swait.ge [sflag:s29], $0x80  }
0x107: {  	s17 =	sadd.s32 $0x20, s28;
	[sflag:s29] =	ssyncset.done $0x0  }
0x108: {  	s25 =	sadd.s32 $0xFFFFFFF0, s17;
	[sflag:s29] =	ssyncadd.s32 $0xFFFFFF80  }
0x109: {  	[tilespmem:s9], [sflag:$0x4] =	stream.linear.gather [hbm4b:s25+s3], $0x80, $0x38;
	[tilespmem:$0x1CA00] =	vst v63  }
0x10a: {  	_ =	swait.ge [sflag:s29], $0x80  }
0x10b: {  	[sflag:s29] =	ssyncset.done $0x0  }
0x10c: {  	[sflag:s29] =	ssyncadd.s32 $0xFFFFFF80  }
0x10d: {  	[tilespmem:s10], [sflag:$0x2] =	stream.indirect.gather [hbm4b:s4+s31], $0x80, s31, s31, $0xb8;
	[tilespmem:$0x1CA00] =	vst v63  }
0x10e: {  	_ =	swait.ge [sflag:s11], $0x4000  }
0x10f: {  	[sflag:s11] =	ssyncset.done $0x0  }
0x110: {  	[sflag:s11] =	ssyncadd.s32 $0xFFFFC000  }
0x111: {  	[spmem:s2] =	stream.indirect.scatter.add.f32 [tilespmem:s0], [sflag:$0x4], $0x80, s30, s31, $0xb8;
	[tilespmem:$0x1CA00] =	vst v63  }
0x112: {  	s28 =	sadd.s32 $0x2, s14;
	_ =	swait.ge [sflag:s29], $0x4000  }
0x113: {  	p0 =	sge.u32 s28, s5;
	[sflag:s29] =	ssyncset.done $0x0  }
0x114: {  	s14 =	simm.s32 @!p0 $0x0;
	[sflag:s29] =	ssyncadd.s32 $0xFFFFC000  }
0x115: {  	[tilespmem:s14], [sflag:$0x4] =	stream.linear.gather @!p0 [hbm4b:s7+s14], $0x80, $0x38;
	[tilespmem:$0x1CA00] =	vst v63  }
0x116: {  	s7 =	simm.s32 @!p0 $0x4  }
0x117: {  	_ =	swait.ge @!p0 [sflag:s7], $0x80  }
0x118: {  	[sflag:s7] =	ssyncset.done @!p0 $0x0  }
0x119: {  	s18 =	simm.s32 @!p0 $0x100;
	[sflag:s7] =	ssyncadd.s32 @!p0 $0xFFFFFF80  }
0x11a: {  	[tilespmem:s18], [sflag:$0x4] =	stream.linear.gather @!p0 [hbm4b:s17+s14], $0x80, $0x38;
	[tilespmem:$0x1CA00] =	vst v63  }
0x11b: {  	_ =	swait.ge @!p0 [sflag:s7], $0x80  }
0x11c: {  	[sflag:s7] =	ssyncset.done @!p0 $0x0  }
0x11d: {  	s17 =	simm.s32 @!p0 $0x200;
	[sflag:s7] =	ssyncadd.s32 @!p0 $0xFFFFFF80;
	s7 =	simm.s32 @!p0 $0x80  }
0x11e: {  	[tilespmem:s17], [sflag:$0x1] =	stream.indirect.gather @!p0 [hbm4b:s4+s7], $0x80, s14, s7, $0xb8;
	[tilespmem:$0x1CA00] =	vst v63  }
0x11f: {  	_ =	swait.ge [sflag:s12], $0x4000  }
0x120: {  	[sflag:s12] =	ssyncset.done $0x0  }
0x121: {  	[sflag:s12] =	ssyncadd.s32 $0xFFFFC000  }
0x122: {  	[spmem:s2] =	stream.indirect.scatter.add.f32 [tilespmem:s10], [sflag:$0x4], $0x80, s9, s31, $0xb8;
	[tilespmem:$0x1CA00] =	vst v63  }
0x123: {  	_ =	swait.ge [sflag:s29], $0x4000  }
0x124: {  	[sflag:s29] =	ssyncset.done $0x0  }
0x125: {  	s18 =	stileid.u32;
	[sflag:s29] =	ssyncadd.s32 $0xFFFFC000  }
0x126: {  	s7 =	sshll.u32 s18, $0x6;
	[bflag:$0x0] =	sbarrier.arrive $0xFFFF  }
0x127: {  	s19 =	sshrl.u32 s8, $0x3;
	s7 =	sor.u32 $0x1C04, s7;
	s25 =	rddreg [dreg:$0x5]  }
0x128: {  	[hbm:s25], [sflag:s7] =	dma.local [spmem:s19], $0x2800  }
0x129: {  	_ =	swait.ge [sflag:s29], $0x2800  }
0x12a: {  	s13 =	sadd.s32 $0x1, s13;
	s28 =	rddreg [dreg:$0x6]  }
0x12b: {  	p0 =	sne.s32 s13, s28  }
.Ltmp5:
0x12c: {  	_ = 	snop;
	(pc) =	sbr.rel @p0 .LBB2_1-.Ltmp5, $3  }
0x12d: {  	_ =	sdelay $0x1  }
0x12e: {  	[sflag:s29] =	ssyncset.done $0x0  }
0x12f: {  	[sflag:s29] =	ssyncadd.s32 $0xFFFFD800  }
0x130: {  	_ =	sfence.sel $0x180000  }
0x131: {  	[bflag:$0x0] =	sbarrier.arrive $0xFFFF  }
0x132: {  	_ =	strace $0x9000004D  }
0x133: {  	s0 =	stileid.u32;
	[bflag:$0x2] =	sbarrier.arrive $0xFFFF  }
0x134: {  	p0 =	sne.s32 s0, $0x0;
	s0 =	rddreg [dreg:$0x3]  }
0x135: {  	s0 =	sadd.s32 @!p0 $0x100000, s0  }
0x136: {  	[sflag:s0] =	ssyncadd.tile.s32 @!p0 $0x1;
	_ =	shalt  }
.Lfunc_end2:
_tile_overlayer_lowered:
.L_overlay_start_2:
0x137: {  	(tag) =	ssettag $0x2  }
0x138: {  	s0 =	rddreg [dreg:$0x0];
	s2 =	stileid.u32  }
0x139: {  	s1 =	rddreg [dreg:$0x1];
	p0 =	sne.s32 s2, $0x0  }
0x13a: {  	s3 =	rddreg [dreg:$0x2];
	[bflag:$0x3] =	sbarrier.arrive $0xFFFF;
	s2 =	simm.s32 @!p0 $0x1C04  }
0x13b: {  	[timem:s3], [sflag:s2] =	dma.local @!p0 [hbm:s0], s1  }
0x13c: {  	s0 =	simm.s32 @!p0 $0x4  }
0x13d: {  	_ =	swait.ge @!p0 [sflag:s0], s1  }
0x13e: {  	s1 =	ssub.s32 @!p0 $0x0, s1;
	[sflag:s0] =	ssyncset.done @!p0 $0x0  }
0x13f: {  	[sflag:s0] =	ssyncadd.s32 @!p0 s1  }
0x140: {  	[bflag:$0x3] =	sbarrier.arrive $0xFFFF  }
0x141: {  	_ =	shalt  }

// kernel: _run.9.cloned.1.call-start
scs
__scs_entry_jumppad:
0x0: {  	(pc) =	sbr.rel $0x88, $3  }
0x1: {  	(tag) =	ssettag $0x0;
	lr =	simm.s32 $0x1  }
0x2: {  	[smem:$0x3F9B] =	sst lr;
	_ =	strace $0xD0000000  }
0x3: {  	_ = 	snop  }
0x4: {  	_ = 	snop  }
0x5: {  	_ = 	snop  }
0x6: {  	_ = 	snop  }
0x7: {  	_ = 	snop  }
__scs_overlays_trampoline_lowered:
0x8: {  	[smem:$0x3FAA] =	sst s0  }
0x9: {  	[smem:$0x3FAB] =	sst s1  }
0xa: {  	[smem:$0x3FAC] =	sst s2  }
0xb: {  	[smem:$0x3FAD] =	sst s3  }
0xc: {  	[smem:$0x3FAE] =	sst s4  }
0xd: {  	[smem:$0x3FAF] =	sst s5  }
0xe: {  	[smem:$0x3FB0] =	sst s6  }
0xf: {  	[smem:$0x3FB1] =	sst s7  }
0x10: {  	[smem:$0x3FB2] =	sst s8  }
0x11: {  	[smem:$0x3FB3] =	sst s9;
	s0 =	simm.s32 @!p0 $0x0  }
0x12: {  	s1 =	sld [smem:$0x3F99];
	s0 =	simm.s32 @p0 $0x1  }
0x13: {  	[smem:$0x3FB4] =	sst s0;
	s0 =	simm.s32 @!p1 $0x0  }
0x14: {  	s2 =	sld [smem:$0x3F98];
	s0 =	simm.s32 @p1 $0x1  }
0x15: {  	[smem:$0x3FB5] =	sst s0;
	s0 =	simm.s32 @!p2 $0x0  }
0x16: {  	s3 =	sld [smem:$0x3FDB];
	s0 =	simm.s32 @p2 $0x1  }
0x17: {  	s4 =	simm.s32 $0x1BF5;
	[smem:$0x3FB7] =	sst s0  }
0x18: {  	s0 =	sld [smem:$0x3F9A];
	_ =	swait.ge [sflag:s4], $0x0  }
0x19: {  	s7 =	sld [smem:$0x3F9B]  }
0x1a: {  	s8 =	sadd.s32 $0xFFFFE003, lr  }
0x1b: {  	s9 =	sadd.s32 $0xFFFFFEF7, lr;
	s5 =	simm.s32 $0xFFFFFFFF;
	p2 =	slt.u32 s8, $0xFFFFF086  }
0x1c: {  	p1 =	slt.u32 s9, $0xF7A;
	s5 =	simm.s32 @!p2 $0x0  }
0x1d: {  	s5 =	simm.s32 @p1 $0x1;
	p0 =	seq.s32 s7, s2  }
0x1e: {  	s7 =	smul.u32 @!p0 $0xF7A, s2;
	p2 =	seq.s32 @!p0 s5, $0x0  }
0x1f: {  	s9 =	smul.u32 $0xF7A, s1;
	s8 =	simm.s32 @!p0 $0x1BF5;
	p2 =	por !p2, p0  }
0x20: {  	[sflag:s8] =	ssyncset.s32 @!p0 $0xFFFFF086;
	s6 =	sadd.s32 @!p0 s3, s7;
	s7 =	simm.s32 @!p0 $0x108  }
0x21: {  	s3 =	sadd.s32 s3, s9;
	s6 =	sadd.s32 @!p0 $0x88, s6;
	s7 =	simm.s32 @p2 $0x1082  }
0x22: {  	[simem:s7], [sflag:s8] =	dma.local @!p0 [hbm:s6], $0xF7A  }
0x23: {  	s9 =	sor.u32 $0xD0000000, s2;
	s6 =	simm.s32 $0x108;
	_ =	swait.ge @!p0 [sflag:s8], $0x0  }
0x24: {  	s3 =	sadd.s32 $0x88, s3;
	s6 =	simm.s32 @!p1 $0x1082;
	[sflag:s4] =	ssyncset.s32 $0xFFFFF086  }
0x25: {  	[simem:s6], [sflag:s4] =	dma.local [hbm:s3], $0xF7A  }
0x26: {  	[smem:$0x3F9B] =	sst s1;
	(tag) =	ssettag s2;
	_ =	strace s9  }
0x27: {  	s1 =	sld [smem:$0x3FAB]  }
0x28: {  	s2 =	sld [smem:$0x3FAC]  }
0x29: {  	s4 =	sld [smem:$0x3FAE]  }
0x2a: {  	p0 =	seq.s32 s5, $0x0;
	s5 =	sld [smem:$0x3FAF]  }
0x2b: {  	s6 =	sld [smem:$0x3FB0]  }
0x2c: {  	s7 =	sld [smem:$0x3FB1]  }
0x2d: {  	s3 =	simm.s32 $0x108;
	s8 =	sld [smem:$0x3FB2]  }
0x2e: {  	s3 =	simm.s32 @!p0 $0x1082;
	s9 =	sld [smem:$0x3FB3]  }
0x2f: {  	lr =	sadd.s32 s0, s3;
	s0 =	sld [smem:$0x3FAA]  }
0x30: {  	s3 =	sld [smem:$0x3FAD]  }
0x31: {  	[smem:$0x3FB6] =	sst s10  }
0x32: {  	s10 =	sld [smem:$0x3FB4];
	_ =	sdelay $0x3  }
0x33: {  	p0 =	seq.s32 s10, $0x1;
	s10 =	sld [smem:$0x3FB6];
	_ =	sdelay $0x3  }
0x34: {  	[smem:$0x3FB6] =	sst s10  }
0x35: {  	s10 =	sld [smem:$0x3FB5];
	_ =	sdelay $0x3  }
0x36: {  	p1 =	seq.s32 s10, $0x1;
	s10 =	sld [smem:$0x3FB6];
	_ =	sdelay $0x3  }
0x37: {  	[smem:$0x3FB6] =	sst s10  }
0x38: {  	s10 =	sld [smem:$0x3FB7]  }
0x39: {  	_ = 	snop;
	(pc) =	sbr.ind lr, $3  }
0x3a: {  	_ = 	snop  }
0x3b: {  	_ = 	snop  }
0x3c: {  	p2 =	seq.s32 s10, $0x1;
	s10 =	sld [smem:$0x3FB6]  }
0x3d: {  	_ =	shalt  }
0x3e: {  	_ =	shalt  }
0x3f: {  	_ =	shalt  }
0x40: {  	_ =	shalt  }
0x41: {  	_ =	shalt  }
0x42: {  	_ =	shalt  }
0x43: {  	_ =	shalt  }
0x44: {  	_ =	shalt  }
0x45: {  	_ =	shalt  }
0x46: {  	_ =	shalt  }
0x47: {  	_ =	shalt  }
0x48: {  	_ =	shalt  }
0x49: {  	_ =	shalt  }
0x4a: {  	_ =	shalt  }
0x4b: {  	_ =	shalt  }
0x4c: {  	_ =	shalt  }
0x4d: {  	_ =	shalt  }
0x4e: {  	_ =	shalt  }
0x4f: {  	_ =	shalt  }
0x50: {  	_ =	shalt  }
0x51: {  	_ =	shalt  }
0x52: {  	_ =	shalt  }
0x53: {  	_ =	shalt  }
0x54: {  	_ =	shalt  }
0x55: {  	_ =	shalt  }
0x56: {  	_ =	shalt  }
0x57: {  	_ =	shalt  }
0x58: {  	_ =	shalt  }
0x59: {  	_ =	shalt  }
0x5a: {  	_ =	shalt  }
0x5b: {  	_ =	shalt  }
0x5c: {  	_ =	shalt  }
0x5d: {  	_ =	shalt  }
0x5e: {  	_ =	shalt  }
0x5f: {  	_ =	shalt  }
0x60: {  	_ =	shalt  }
0x61: {  	_ =	shalt  }
0x62: {  	_ =	shalt  }
0x63: {  	_ =	shalt  }
0x64: {  	_ =	shalt  }
0x65: {  	_ =	shalt  }
0x66: {  	_ =	shalt  }
0x67: {  	_ =	shalt  }
0x68: {  	_ =	shalt  }
0x69: {  	_ =	shalt  }
0x6a: {  	_ =	shalt  }
0x6b: {  	_ =	shalt  }
0x6c: {  	_ =	shalt  }
0x6d: {  	_ =	shalt  }
0x6e: {  	_ =	shalt  }
0x6f: {  	_ =	shalt  }
0x70: {  	_ =	shalt  }
0x71: {  	_ =	shalt  }
0x72: {  	_ =	shalt  }
0x73: {  	_ =	shalt  }
0x74: {  	_ =	shalt  }
0x75: {  	_ =	shalt  }
0x76: {  	_ =	shalt  }
0x77: {  	_ =	shalt  }
0x78: {  	_ =	shalt  }
0x79: {  	_ =	shalt  }
0x7a: {  	_ =	shalt  }
0x7b: {  	_ =	shalt  }
0x7c: {  	_ =	shalt  }
0x7d: {  	_ =	shalt  }
0x7e: {  	_ =	shalt  }
0x7f: {  	_ =	shalt  }
0x80: {  	_ =	shalt  }
0x81: {  	_ =	shalt  }
0x82: {  	_ =	shalt  }
0x83: {  	_ =	shalt  }
0x84: {  	_ =	shalt  }
0x85: {  	_ =	shalt  }
0x86: {  	_ =	shalt  }
0x87: {  	_ =	shalt  }
.Lfunc_end0:
.L_simem_size_0:
called_computation_lowered:
.L_overlay_start_0:
0x88: {  	s2 =	sld [smem:$0x3FD9]  }
0x89: {  	s3 =	sld [smem:$0x3FFE];
	_ =	sdelay $0x1  }
0x8a: {  	s1 =	srdreg.scid  }
0x8b: {  	s0 =	sand.u32 $0x1, s1  }
0x8c: {  	s17 =	sshll.u32 s0, $0xA;
	s2 =	sadd.s32 s3, s2  }
0x8d: {  	s2 =	sadd.s32 s2, s17  }
0x8e: {  	[smem:$0x3FC2] =	sst s2  }
0x8f: {  	_ = 	snop  }
0x90: {  	s2 =	sld [smem:$0x3FD0];
	(tm) =	ssettm $0x1  }
0x91: {  	s18 =	sld [smem:$0x3FFB];
	_ =	sdelay $0x3  }
0x92: {  	_ =	strace s18  }
0x93: {  	s3 =	sld [smem:$0x3FFC];
	_ =	sdelay $0x3  }
0x94: {  	_ =	strace s3  }
0x95: {  	s3 =	sld [smem:$0x3FFD];
	_ =	sdelay $0x3  }
0x96: {  	_ =	strace s3  }
0x97: {  	_ =	strace $0x8FFFFFFF  }
0x98: {  	s19 =	sld [smem:$0x3FDB];
	_ =	sdelay $0x1  }
0x99: {  	s4 =	simm.s32 $_scs_section_size  }
0x9a: {  	s5 =	simm.s32 $_size__tile_overlayer_lowered;
	s6 =	simm.s32 $_tile_overlayer_lowered  }
0x9b: {  	s22 =	simm.s32 $0x1BFF;
	s21 =	sshll.u32 s6, $0x1;
	s3 =	sadd.s32 s4, s19  }
0x9c: {  	s7 =	simm.s32 $0x0;
	s20 =	sshll.u32 s5, $0x1;
	s5 =	sadd.s32 s21, s3  }
0x9d: {  	[timem:s7], [sflag:s22] =	dma.local [hbm:s5], s20  }
0x9e: {  	_ =	swait.ge [sflag:s22], s20  }
0x9f: {  	s4 =	ssub.s32 $0x0, s20;
	[sflag:s22] =	ssyncset.done $0x0  }
0xa0: {  	[sflag:s22] =	ssyncadd.s32 s4;
	_ =	sdelay $0x1  }
0xa1: {  	s23 =	simm.s32 $0x1B8B  }
0xa2: {  	_ =	swait.ge [sflag:s23], $0x1  }
0xa3: {  	[sflag:s23] =	ssyncset.done $0x0  }
0xa4: {  	s25 =	simm.s32 $0x1B8E;
	s24 =	sld [smem:$0x3FFE];
	[sflag:s23] =	ssyncadd.s32 $0xFFFFFFFF  }
0xa5: {  	s26 =	simm.s32 $execute0_lowered;
	[smem:$0x3FD2] =	sst s25  }
0xa6: {  	s5 =	sshll.u32 s26, $0x1;
	_ =	strace $0x80000046;
	[dreg:$0x1] =	wrdreg $0xFFFFFFFF  }
0xa7: {  	s28 =	simm.s32 $_size_execute0_lowered;
	s3 =	sadd.s32 s3, s5;
	[dreg:$0x0] =	wrdreg $0x0  }
0xa8: {  	s5 =	sshll.u32 s28, $0x1;
	[dreg:$0x2] =	wrdreg s3  }
0xa9: {  	[dreg:$0x3] =	wrdreg s5  }
0xaa: {  	[dreg:$0x4] =	wrdreg $0xC0  }
0xab: {  	_ =	task [dreg:s7], $0x5FFFF  }
0xac: {  	[dreg:$0x1] =	wrdreg $0xFFFFFFFF  }
0xad: {  	[dreg:$0x0] =	wrdreg $0x60  }
0xae: {  	[dreg:$0x2] =	wrdreg s2  }
0xaf: {  	[dreg:$0x3] =	wrdreg s24  }
0xb0: {  	[dreg:$0x4] =	wrdreg $0x3800  }
0xb1: {  	[dreg:$0x5] =	wrdreg $0x9  }
0xb2: {  	_ =	task.clear_ibuf [dreg:s7], $0x6FFFF;
	_ =	strace $0x90000046  }
0xb3: {  	s29 =	simm.s32 $0x9;
	_ =	strace $0x80000048  }
0xb4: {  	_ =	swait.ge [sflag:s29], $0x1  }
0xb5: {  	[sflag:s29] =	ssyncadd.s32 $0xFFFFFFFF  }
0xb6: {  	_ =	strace $0x90000048  }
0xb7: {  	_ =	sfence  }
0xb8: {  	s30 =	sld [smem:$0x0];
	_ =	sdelay $0x2  }
0xb9: {  	s31 =	sshll.u32 s1, $0xD;
	s1 =	sshrl.u32 s1, $0x2  }
0xba: {  	s3 =	sand.u32 $0x4000, s31;
	s1 =	sadd.s32 s1, s30  }
0xbb: {  	s0 =	sor.u32 s3, s0;
	s1 =	sshll.u32 s1, $0x11  }
0xbc: {  	s0 =	sor.u32 s1, s0  }
0xbd: {  	s0 =	sadd.s32 $0x8F2B, s0  }
0xbe: {  	[sflag:s0] =	ssyncadd.remote.s32 $0x1  }
0xbf: {  	_ =	sfence.sel $0xFFFF  }
0xc0: {  	[dreg:$0x0] =	wrdreg $0xFFFFFFFF;
	(pc) =	sbr.abs _section_cstart, $3  }
0xc1: {  	[dreg:$0x1] =	wrdreg $0xFFFFFFFF  }
0xc2: {  	_ =	task.clear_ibuf [dreg:s7], $0x2FFFF;
	_ =	strace $0x9FFFFFFF  }
0xc3: {  	(tm) =	ssettm $0x7FFFFFFF  }
tec
execute0_lowered:
.L_overlay_start_1:
0x0: {  	(tag) =	ssettag $0x1  }
0x1: {  	s5 =	rddreg [dreg:$0x0]  }
0x2: {  	s1 =	srdreg.scid;
	s4 =	rddreg [dreg:$0x1]  }
0x3: {  	s0 =	stileid.u32;
	s2 =	rddreg [dreg:$0x2]  }
0x4: {  	s3 =	simm.s32 $0x0;
	s13 =	simm.s32 $0x20;
	s14 =	simm.s32 $0x10  }
0x5: {  	s6 =	sand.u32 $0x1, s1;
	s7 =	smul.u32 $0x500, s0;
	s1 =	rddreg [dreg:$0x3]  }
0x6: {  	s15 =	simm.s32 $0x0;
	[smem:$0x7FF] =	sst s3;
	s28 =	smul.u32 $0xA00, s0  }
0x7: {  	s31 =	sshll.u32 s0, $0x6;
	s8 =	sshll.u32 s6, $0x7;
	_ =	strace $0x80000047  }
0x8: {  	s29 =	ssub.s32 $0x2, s6;
	s11 =	smul.u32 $0x500, s6;
	s7 =	sor.u32 s8, s7  }
0x9: {  	s9 =	sshrl.u32 s29, $0x1;
	s10 =	sshrl.u32 s28, $0x2;
	s8 =	sadd.s32 s28, s5  }
0xa: {  	s7 =	sshrl.u32 s7, $0x3;
	s30 =	ssub.s32 s29, s9;
	s9 =	simm.s32 $0x1  }
0xb: {  	s7 =	sadd.s32 s7, s4;
	s4 =	sadd.s32 s10, s2;
	s6 =	smax.u32 s30, $0x1  }
0xc: {  	s10 =	simm.s32 $0x80;
	s5 =	sadd.s32 $0x2200, s7;
	s7 =	sadd.s32 s11, s8  }
0xd: {  	v0 =	vimm.f32 $0.0e+00;
	v1 =	vimm.f32 $1.000000000e+00;
	s8 =	simm.s32 $0x100;
	s11 =	sor.u32 $0x1C01, s31;
	s12 =	sshrl.u32 s4, $0x3  }
.LBB2_1:
0xe: {  	[tilespmem:$0x100] =	vst v0  }
0xf: {  	[tilespmem:$0x110] =	vst v0  }
0x10: {  	[tilespmem:$0x120] =	vst v0  }
0x11: {  	[tilespmem:$0x130] =	vst v0  }
0x12: {  	[tilespmem:$0x140] =	vst v0  }
0x13: {  	[tilespmem:$0x150] =	vst v0  }
0x14: {  	[tilespmem:$0x160] =	vst v0  }
0x15: {  	[tilespmem:$0x170] =	vst v0  }
0x16: {  	[tilespmem:$0x180] =	vst v0  }
0x17: {  	[tilespmem:$0x190] =	vst v0  }
0x18: {  	[tilespmem:$0x1A0] =	vst v0  }
0x19: {  	[tilespmem:$0x1B0] =	vst v0  }
0x1a: {  	[tilespmem:$0x1C0] =	vst v0  }
0x1b: {  	[tilespmem:$0x1D0] =	vst v0  }
0x1c: {  	[tilespmem:$0x1E0] =	vst v0  }
0x1d: {  	[tilespmem:$0x1F0] =	vst v0  }
0x1e: {  	[tilespmem:$0x200] =	vst v0  }
0x1f: {  	[tilespmem:$0x210] =	vst v0  }
0x20: {  	[tilespmem:$0x220] =	vst v0  }
0x21: {  	[tilespmem:$0x230] =	vst v0  }
0x22: {  	[tilespmem:$0x240] =	vst v0  }
0x23: {  	[tilespmem:$0x250] =	vst v0  }
0x24: {  	[tilespmem:$0x260] =	vst v0  }
0x25: {  	[tilespmem:$0x270] =	vst v0  }
0x26: {  	[tilespmem:$0x280] =	vst v0  }
0x27: {  	[tilespmem:$0x290] =	vst v0  }
0x28: {  	[tilespmem:$0x2A0] =	vst v0  }
0x29: {  	[tilespmem:$0x2B0] =	vst v0  }
0x2a: {  	[tilespmem:$0x2C0] =	vst v0  }
0x2b: {  	[tilespmem:$0x2D0] =	vst v0  }
0x2c: {  	[tilespmem:$0x2E0] =	vst v0  }
0x2d: {  	[tilespmem:$0x2F0] =	vst v0  }
0x2e: {  	[tilespmem:$0x300] =	vst v0  }
0x2f: {  	[tilespmem:$0x310] =	vst v0  }
0x30: {  	[tilespmem:$0x320] =	vst v0  }
0x31: {  	[tilespmem:$0x330] =	vst v0  }
0x32: {  	[tilespmem:$0x340] =	vst v0  }
0x33: {  	[tilespmem:$0x350] =	vst v0  }
0x34: {  	[tilespmem:$0x360] =	vst v0  }
0x35: {  	[tilespmem:$0x370] =	vst v0  }
0x36: {  	[tilespmem:$0x80] =	vst v1  }
0x37: {  	[tilespmem:$0x90] =	vst v1  }
0x38: {  	[tilespmem:$0xA0] =	vst v1  }
0x39: {  	[tilespmem:$0xB0] =	vst v1  }
0x3a: {  	[tilespmem:$0xC0] =	vst v1  }
0x3b: {  	[tilespmem:$0xD0] =	vst v1  }
0x3c: {  	[tilespmem:$0xE0] =	vst v1  }
0x3d: {  	[tilespmem:$0xF0] =	vst v1  }
0x3e: {  	[spmem:s4] =	stream.linear.scatter [tilespmem:s8], [sflag:$0x1], $0x280, $0x38;
	[tilespmem:$0x600] =	vst v63  }
0x3f: {  	_ =	swait.ge [sflag:s9], $0x280  }
0x40: {  	[sflag:s9] =	ssyncset.done $0x0  }
0x41: {  	[sflag:s9] =	ssyncadd.s32 $0xFFFFFD80  }
0x42: {  	s16 =	sadd.s32 $0x0, s7;
	[bflag:$0x0] =	sbarrier.arrive $0xFFFF  }
0x43: {  	[tilespmem:s3], [sflag:$0x1] =	stream.linear.gather [hbm4b:s16+s3], $0x80, $0x38;
	[tilespmem:$0x600] =	vst v63  }
0x44: {  	_ =	swait.ge [sflag:s9], $0x80  }
0x45: {  	[sflag:s9] =	ssyncset.done $0x0  }
0x46: {  	[sflag:s9] =	ssyncadd.s32 $0xFFFFFF80  }
0x47: {  	[spmem:s2] =	stream.indirect.scatter.add.f32 [tilespmem:s10], [sflag:$0x1], $0x1, s3, s10, $0xb8;
	[tilespmem:$0x600] =	vst v63  }
0x48: {  	_ =	swait.ge [sflag:s9], $0x80  }
0x49: {  	s17 =	simm.s32 $0x20;
	s16 =	simm.s32 $0x10;
	[sflag:s9] =	ssyncset.done $0x0  }
.LBB2_2:
0x4a: {  	s18 =	sadd.s32 s16, s7  }
0x4b: {  	[sflag:s9] =	ssyncadd.s32 $0xFFFFFF80;
	s16 =	smov.u32 s17;
	s19 =	sadd.s32 $0x10, s17  }
0x4c: {  	[tilespmem:s3], [sflag:$0x1] =	stream.linear.gather [hbm4b:s18+s3], $0x80, $0x38;
	[tilespmem:$0x600] =	vst v63  }
0x4d: {  	p0 =	sne.s32 s17, $0x4F0;
	_ =	swait.ge [sflag:s9], $0x80  }
.Ltmp0:
0x4e: {  	[sflag:s9] =	ssyncset.done $0x0;
	(pc) =	sbr.rel @p0 .LBB2_2-.Ltmp0, $4  }
0x4f: {  	[sflag:s9] =	ssyncadd.s32 $0xFFFFFF80  }
0x50: {  	[spmem:s2] =	stream.indirect.scatter.add.f32 [tilespmem:s10], [sflag:$0x1], $0x1, s3, s10, $0xb8;
	[tilespmem:$0x600] =	vst v63  }
0x51: {  	_ =	swait.ge [sflag:s9], $0x80  }
0x52: {  	s17 =	smov.u32 s19;
	[sflag:s9] =	ssyncset.done $0x0  }
0x53: {  	s16 =	sadd.s32 s16, s7;
	[sflag:s9] =	ssyncadd.s32 $0xFFFFFF80  }
0x54: {  	[tilespmem:s3], [sflag:$0x1] =	stream.linear.gather [hbm4b:s16+s3], $0x80, $0x38;
	[tilespmem:$0x600] =	vst v63  }
0x55: {  	_ =	swait.ge [sflag:s9], $0x80  }
0x56: {  	[sflag:s9] =	ssyncset.done $0x0  }
0x57: {  	[sflag:s9] =	ssyncadd.s32 $0xFFFFFF80  }
0x58: {  	[spmem:s2] =	stream.indirect.scatter.add.f32 [tilespmem:s10], [sflag:$0x1], $0x1, s3, s10, $0xb8;
	[tilespmem:$0x600] =	vst v63  }
0x59: {  	_ =	swait.ge [sflag:s9], $0x80  }
0x5a: {  	s15 =	sadd.s32 $0x1, s15;
	[sflag:s9] =	ssyncset.done $0x0  }
0x5b: {  	p0 =	sne.s32 s15, s6;
	[sflag:s9] =	ssyncadd.s32 $0xFFFFFF80  }
.Ltmp1:
0x5c: {  	[bflag:$0x0] =	sbarrier.arrive $0xFFFF;
	(pc) =	sbr.rel @p0 .LBB2_1-.Ltmp1, $4  }
0x5d: {  	[hbm:s5@s13], [sflag:s11] =	dma.strided [spmem:s12@s14], $0x50, s9, $0x10   }
0x5e: {  	_ =	swait.ge [sflag:s9], $0x50  }
0x5f: {  	[sflag:s9] =	ssyncset.done $0x0  }
0x60: {  	[sflag:s9] =	ssyncadd.s32 $0xFFFFFFB0  }
0x61: {  	_ =	sfence.sel $0x180000  }
0x62: {  	[bflag:$0x0] =	sbarrier.arrive $0xFFFF  }
0x63: {  	p0 =	sne.s32 s0, $0x0;
	_ =	strace $0x90000047  }
0x64: {  	s0 =	sadd.s32 @!p0 $0x100000, s1;
	[bflag:$0x2] =	sbarrier.arrive $0xFFFF  }
0x65: {  	[sflag:s0] =	ssyncadd.tile.s32 @!p0 $0x1;
	_ =	shalt  }
.Lfunc_end2:
_tile_overlayer_lowered:
.L_overlay_start_2:
0x66: {  	(tag) =	ssettag $0x2  }
0x67: {  	s0 =	rddreg [dreg:$0x0];
	s2 =	stileid.u32  }
0x68: {  	s1 =	rddreg [dreg:$0x1];
	p0 =	sne.s32 s2, $0x0  }
0x69: {  	s3 =	rddreg [dreg:$0x2];
	[bflag:$0x3] =	sbarrier.arrive $0xFFFF;
	s2 =	simm.s32 @!p0 $0x1C01  }
0x6a: {  	[timem:s3], [sflag:s2] =	dma.local @!p0 [hbm:s0], s1  }
0x6b: {  	s0 =	simm.s32 @!p0 $0x1  }
0x6c: {  	_ =	swait.ge @!p0 [sflag:s0], s1  }
0x6d: {  	s1 =	ssub.s32 @!p0 $0x0, s1;
	[sflag:s0] =	ssyncset.done @!p0 $0x0  }
0x6e: {  	[sflag:s0] =	ssyncadd.s32 @!p0 s1  }
0x6f: {  	[bflag:$0x3] =	sbarrier.arrive $0xFFFF  }
0x70: {  	_ =	shalt  }

</sc_bundles>
